<compile_context>
chip_gen: v7x
topology: tpu7x:2x2x1
jax: 0.10.2.dev20260603
libtpu: 0.0.44.dev20260713+nightly
codegen_flags: <defaults>
</compile_context>

<pallas_src>
import functools

import jax
import jax.numpy as jnp
from jax import lax
from jax.experimental import pallas as pl
from jax.experimental.pallas import tpu as pltpu
from jax.experimental.pallas import tpu_sc as plsc

NC = 2
NS = 16
CHUNK = 64



def _mm_split_body(n, dh, x_ref, w_ref, o_ref):
    r = jnp.dot(x_ref[...], w_ref[...], preferred_element_type=jnp.float32)
    o_ref[0, :n] = r[:, :dh]
    o_ref[1, :n] = r[:, dh:]


def _matmul_split(x, w, n_pad):
    n = x.shape[0]
    dout = w.shape[1]
    dh = dout // 2
    return pl.pallas_call(
        functools.partial(_mm_split_body, n, dh),
        out_shape=jax.ShapeDtypeStruct((2, n_pad, dh), jnp.float32),
    )(x, w)


def _relu_mm_body(n, dh, p_ref, w_ref, o_ref):
    h = jnp.maximum(p_ref[:n], 0.0)
    r = jnp.dot(h, w_ref[...], preferred_element_type=jnp.float32)
    o_ref[0, :n] = r[:, :dh]
    o_ref[1, :n] = r[:, dh:]


def _relu_mm(parts, w, n, n_pad):
    dout = w.shape[1]
    dh = dout // 2
    return pl.pallas_call(
        functools.partial(_relu_mm_body, n, dh),
        out_shape=jax.ShapeDtypeStruct((2, n_pad, dh), jnp.float32),
    )(parts, w)



def _make_aggregate(n, n_pad, dh, chunks):
    mesh = plsc.VectorSubcoreMesh(core_axis_name="c", subcore_axis_name="s")
    rows_per_sub = n_pad // NS

    @functools.partial(
        pl.kernel,
        mesh=mesh,
        compiler_params=pltpu.CompilerParams(use_tc_tiling_on_sc=False),
        out_type=jax.ShapeDtypeStruct((n_pad, 2 * dh), jnp.float32),
        scratch_types=[
            pltpu.VMEM((chunks // 4, CHUNK), jnp.int32),
            pltpu.VMEM((chunks // 4, CHUNK), jnp.int32),
            pltpu.VMEM((CHUNK, dh), jnp.float32),
            pltpu.VMEM((CHUNK, dh), jnp.float32),
            pltpu.VMEM_SHARED((2 * n_pad, dh), jnp.float32),
            pltpu.SemaphoreType.DMA,
            pltpu.SemaphoreType.DMA,
            pltpu.SemaphoreType.DMA,
            pltpu.SemaphoreType.DMA,
        ],
    )
    def aggregate(h_hbm, src_hbm, dst_hbm, init_hbm, out_hbm,
                  src_v, dst_v, rows_a, rows_b, sp, g_a, g_b, s_a, s_b):
        c = lax.axis_index("c")
        s = lax.axis_index("s")
        row0 = s * rows_per_sub
        pltpu.sync_copy(h_hbm.at[c, pl.ds(row0, rows_per_sub)],
                        sp.at[pl.ds(row0, rows_per_sub)])
        pltpu.sync_copy(init_hbm.at[c, pl.ds(row0, rows_per_sub)],
                        sp.at[pl.ds(n_pad + row0, rows_per_sub)])

        plsc.subcore_barrier()
        cq = chunks // 4

        def body(i, carry):
            j0 = 2 * i
            j1 = j0 + 1
            pltpu.make_async_copy(sp.at[src_v.at[j0]], rows_a, g_a).wait()
            pltpu.async_copy(rows_a, sp.at[dst_v.at[j0]], s_a, add=True)
            pltpu.make_async_copy(rows_a, sp.at[dst_v.at[j0]], s_a).wait()
            pltpu.async_copy(sp.at[src_v.at[jnp.minimum(j0 + 2, cq - 1)]],
                             rows_a, g_a)
            pltpu.make_async_copy(sp.at[src_v.at[j1]], rows_b, g_b).wait()
            pltpu.async_copy(rows_b, sp.at[dst_v.at[j1]], s_b, add=True)
            pltpu.make_async_copy(rows_b, sp.at[dst_v.at[j1]], s_b).wait()
            pltpu.async_copy(sp.at[src_v.at[jnp.minimum(j1 + 2, cq - 1)]],
                             rows_b, g_b)
            return carry

        for q in range(4):
            pltpu.sync_copy(src_hbm.at[s, pl.ds(q * cq, cq)], src_v)
            pltpu.sync_copy(dst_hbm.at[s, pl.ds(q * cq, cq)], dst_v)
            pltpu.async_copy(sp.at[src_v.at[0]], rows_a, g_a)
            pltpu.async_copy(sp.at[src_v.at[1]], rows_b, g_b)
            lax.fori_loop(0, cq // 2, body, 0)
            pltpu.make_async_copy(sp.at[src_v.at[cq - 1]], rows_a, g_a).wait()
            pltpu.make_async_copy(sp.at[src_v.at[cq - 1]], rows_b, g_b).wait()
        plsc.subcore_barrier()
        pltpu.sync_copy(sp.at[pl.ds(n_pad + row0, rows_per_sub)],
                        out_hbm.at[pl.ds(row0, rows_per_sub),
                                   pl.ds(c * dh, dh)])

    return aggregate



def kernel(x, edge_index, W1, b1, W2, b2):
    n, d = x.shape
    dh = d // 2
    e = edge_index.shape[1]

    chunks = -(-(-(-e // (NS * CHUNK))) // 32) * 32
    e_pad = NS * chunks * CHUNK
    n_pad = -(-(n + 1) // (NS * 8)) * (NS * 8)
    src = jnp.concatenate(
        [edge_index[0], jnp.zeros((e_pad - e,), jnp.int32)]).reshape(
            NS, chunks, CHUNK)
    dst = jnp.concatenate(
        [edge_index[1] + n_pad, jnp.full((e_pad - e,), n_pad + n,
                                         jnp.int32)]).reshape(
            NS, chunks, CHUNK)
    init1 = jnp.broadcast_to(b1.reshape(2, 1, dh), (2, n_pad, dh))
    init2 = jnp.broadcast_to(b2.reshape(2, 1, dh), (2, n_pad, dh))

    aggregate = _make_aggregate(n, n_pad, dh, chunks)

    h1 = _matmul_split(x, W1, n_pad)
    p1 = aggregate(h1, src, dst, init1)
    h2 = _relu_mm(p1, W2, n, n_pad)
    p2 = aggregate(h2, src, dst, init2)
    return p2[:n]

# --- scband reference (transcript-rebuilt; emitter-appended) ---
"""Pipeline reference for scband-gcnscatter-gather-4629974745747 (READ-ONLY COPY).

The authoritative reference and input builder live on the scoring server;
editing this copy changes nothing except your own understanding.
"""

import jax, jax.numpy as jnp
import numpy as np

N = 10000
E = 320000
D_IN = 128
D_HID = 128
D_OUT = 128


def setup_inputs(seed: int = 0) -> dict:
    key = jax.random.key(seed)
    k1, k2, k3, k4, k5, k6 = jax.random.split(key, 6)
    x = jax.random.normal(k1, (N, D_IN), dtype=jnp.float32)
    edge_index = jax.random.randint(k2, (2, E), 0, N, dtype=jnp.int32)
    # Learned parameters (Linear weights stored as [in, out]; bias per layer)
    W1 = jax.random.normal(k3, (D_IN, D_HID), dtype=jnp.float32) / np.sqrt(D_IN)
    b1 = jax.random.normal(k4, (D_HID,), dtype=jnp.float32) * 0.01
    W2 = jax.random.normal(k5, (D_HID, D_OUT), dtype=jnp.float32) / np.sqrt(D_HID)
    b2 = jax.random.normal(k6, (D_OUT,), dtype=jnp.float32) * 0.01
    return {"x": x, "edge_index": edge_index, "W1": W1, "b1": b1, "W2": W2, "b2": b2}


def _gcn_conv_scatter_gather(x, edge_index, W, b):
    # x = self.lin(x)
    h = x @ W
    # gather source node features
    src_nodes = edge_index[0]
    source_node_feats = jnp.take(h, src_nodes, axis=0)
    # scatter_add into destination nodes
    dest_nodes = edge_index[1]
    out = jax.ops.segment_sum(source_node_feats, dest_nodes, num_segments=h.shape[0])
    out = out + b
    return out


def reference(x, edge_index, W1, b1, W2, b2):
    h = _gcn_conv_scatter_gather(x, edge_index, W1, b1)
    h = jax.nn.relu(h)
    out = _gcn_conv_scatter_gather(h, edge_index, W2, b2)
    return out

if __name__ == "__main__":
    import jax
    _d = setup_inputs()
    print(jax.jit(kernel)(*tuple(_d.values())))

</pallas_src>

<mosaic_0001>
#map = affine_map<(d0, d1) -> (0, 0, 0)>
#map1 = affine_map<(d0, d1) -> (0, 0)>
module attributes {stable_mosaic.version = 14 : i64} {
  func.func @aggregate(%arg0: i32, %arg1: i32, %arg2: memref<2x10112x64xf32, #tpu.memory_space<hbm>>, %arg3: memref<16x320x64xi32, #tpu.memory_space<hbm>>, %arg4: memref<16x320x64xi32, #tpu.memory_space<hbm>>, %arg5: memref<2x10112x64xf32, #tpu.memory_space<hbm>>, %arg6: memref<10112x128xf32, #tpu.memory_space<hbm>>, %arg7: memref<80x64xi32, #tpu.memory_space<vmem>>, %arg8: memref<80x64xi32, #tpu.memory_space<vmem>>, %arg9: memref<64x64xf32, #tpu.memory_space<vmem>>, %arg10: memref<64x64xf32, #tpu.memory_space<vmem>>, %arg11: memref<20224x64xf32, #tpu.memory_space<vmem_shared>>, %arg12: memref<!tpu.dma_semaphore, #tpu.memory_space<semaphore_mem>>, %arg13: memref<!tpu.dma_semaphore, #tpu.memory_space<semaphore_mem>>, %arg14: memref<!tpu.dma_semaphore, #tpu.memory_space<semaphore_mem>>, %arg15: memref<!tpu.dma_semaphore, #tpu.memory_space<semaphore_mem>>) attributes {dimension_semantics = [#tpu.dimension_semantics<core_parallel>, #tpu.dimension_semantics<subcore_parallel>], iteration_bounds = array<i64: 2, 16>, scalar_prefetch = 0 : i64, scratch_operands = 9 : i64, tpu.core_type = #tpu.core_type<sc_vector_subcore>, window_params = [{transform_indices = #map}, {transform_indices = #map}, {transform_indices = #map}, {transform_indices = #map}, {transform_indices = #map1}]} {
    %mul3A = arith.constant 632 : i32
    %mul3A_0 = arith.muli %arg1, %mul3A : i32
    "tpu.region"() ({
      %run_scoped3A = tpu.sem_alloc : memref<!tpu.dma_semaphore, #tpu.memory_space<semaphore_mem>>
      %dma_start3A_140 = arith.constant 0 : i32
      %dma_start3A_141 = tpu.memref_slice %arg11[%mul3A_0, %dma_start3A_140] : memref<20224x64xf32, #tpu.memory_space<vmem_shared>> -> memref<632x64xf32, #tpu.memory_space<vmem_shared>>
      %dma_start3A_142 = arith.constant 0 : i32
      %dma_start3A_143 = tpu.memref_slice %arg2[%arg0, %mul3A_0, %dma_start3A_142] : memref<2x10112x64xf32, #tpu.memory_space<hbm>> -> memref<1x632x64xf32, #tpu.memory_space<hbm>>
      %dma_start3A_144 = tpu.memref_squeeze %dma_start3A_143 : memref<1x632x64xf32, #tpu.memory_space<hbm>> -> memref<632x64xf32, #tpu.memory_space<hbm>>
      tpu.enqueue_dma source(%dma_start3A_144 : memref<632x64xf32, #tpu.memory_space<hbm>>) target(%dma_start3A_141 : memref<632x64xf32, #tpu.memory_space<vmem_shared>>) target_semaphore(%run_scoped3A : memref<!tpu.dma_semaphore, #tpu.memory_space<semaphore_mem>>)
      %dma_wait3A_145 = arith.constant 0 : i32
      %dma_wait3A_146 = tpu.memref_slice %arg11[%mul3A_0, %dma_wait3A_145] : memref<20224x64xf32, #tpu.memory_space<vmem_shared>> -> memref<632x64xf32, #tpu.memory_space<vmem_shared>>
      %dma_wait3A_147 = arith.constant 0 : i32
      %dma_wait3A_148 = tpu.memref_slice %arg2[%arg0, %mul3A_0, %dma_wait3A_147] : memref<2x10112x64xf32, #tpu.memory_space<hbm>> -> memref<1x632x64xf32, #tpu.memory_space<hbm>>
      %dma_wait3A_149 = tpu.memref_squeeze %dma_wait3A_148 : memref<1x632x64xf32, #tpu.memory_space<hbm>> -> memref<632x64xf32, #tpu.memory_space<hbm>>
      tpu.wait_dma2 semaphore(%run_scoped3A : memref<!tpu.dma_semaphore, #tpu.memory_space<semaphore_mem>>) src(%dma_wait3A_149 : memref<632x64xf32, #tpu.memory_space<hbm>>) dst(%dma_wait3A_146 : memref<632x64xf32, #tpu.memory_space<vmem_shared>>)
      tpu.yield
    }) : () -> ()
    %add3A = arith.constant 10112 : i32
    %add3A_1 = arith.addi %add3A, %mul3A_0 : i32
    "tpu.region"() ({
      %run_scoped3A = tpu.sem_alloc : memref<!tpu.dma_semaphore, #tpu.memory_space<semaphore_mem>>
      %dma_start3A_140 = arith.constant 0 : i32
      %dma_start3A_141 = tpu.memref_slice %arg11[%add3A_1, %dma_start3A_140] : memref<20224x64xf32, #tpu.memory_space<vmem_shared>> -> memref<632x64xf32, #tpu.memory_space<vmem_shared>>
      %dma_start3A_142 = arith.constant 0 : i32
      %dma_start3A_143 = tpu.memref_slice %arg5[%arg0, %mul3A_0, %dma_start3A_142] : memref<2x10112x64xf32, #tpu.memory_space<hbm>> -> memref<1x632x64xf32, #tpu.memory_space<hbm>>
      %dma_start3A_144 = tpu.memref_squeeze %dma_start3A_143 : memref<1x632x64xf32, #tpu.memory_space<hbm>> -> memref<632x64xf32, #tpu.memory_space<hbm>>
      tpu.enqueue_dma source(%dma_start3A_144 : memref<632x64xf32, #tpu.memory_space<hbm>>) target(%dma_start3A_141 : memref<632x64xf32, #tpu.memory_space<vmem_shared>>) target_semaphore(%run_scoped3A : memref<!tpu.dma_semaphore, #tpu.memory_space<semaphore_mem>>)
      %dma_wait3A_145 = arith.constant 0 : i32
      %dma_wait3A_146 = tpu.memref_slice %arg11[%add3A_1, %dma_wait3A_145] : memref<20224x64xf32, #tpu.memory_space<vmem_shared>> -> memref<632x64xf32, #tpu.memory_space<vmem_shared>>
      %dma_wait3A_147 = arith.constant 0 : i32
      %dma_wait3A_148 = tpu.memref_slice %arg5[%arg0, %mul3A_0, %dma_wait3A_147] : memref<2x10112x64xf32, #tpu.memory_space<hbm>> -> memref<1x632x64xf32, #tpu.memory_space<hbm>>
      %dma_wait3A_149 = tpu.memref_squeeze %dma_wait3A_148 : memref<1x632x64xf32, #tpu.memory_space<hbm>> -> memref<632x64xf32, #tpu.memory_space<hbm>>
      tpu.wait_dma2 semaphore(%run_scoped3A : memref<!tpu.dma_semaphore, #tpu.memory_space<semaphore_mem>>) src(%dma_wait3A_149 : memref<632x64xf32, #tpu.memory_space<hbm>>) dst(%dma_wait3A_146 : memref<632x64xf32, #tpu.memory_space<vmem_shared>>)
      tpu.yield
    }) : () -> ()
    %barrier3A = arith.constant 0 : index
    tpu.barrier barrier_id(%barrier3A)
    "tpu.region"() ({
      %run_scoped3A = tpu.sem_alloc : memref<!tpu.dma_semaphore, #tpu.memory_space<semaphore_mem>>
      %dma_start3A_140 = arith.constant 0 : i32
      %dma_start3A_141 = arith.constant 0 : i32
      %dma_start3A_142 = tpu.memref_slice %arg3[%arg1, %dma_start3A_140, %dma_start3A_141] : memref<16x320x64xi32, #tpu.memory_space<hbm>> -> memref<1x80x64xi32, #tpu.memory_space<hbm>>
      %dma_start3A_143 = tpu.memref_squeeze %dma_start3A_142 : memref<1x80x64xi32, #tpu.memory_space<hbm>> -> memref<80x64xi32, #tpu.memory_space<hbm>>
      %dma_start3A_144 = arith.constant 0 : i32
      %dma_start3A_145 = arith.constant 0 : i32
      %dma_start3A_146 = tpu.memref_slice %arg3[%arg1, %dma_start3A_144, %dma_start3A_145] : memref<16x320x64xi32, #tpu.memory_space<hbm>> -> memref<1x80x64xi32, #tpu.memory_space<hbm>>
      %dma_start3A_147 = tpu.memref_squeeze %dma_start3A_146 : memref<1x80x64xi32, #tpu.memory_space<hbm>> -> memref<80x64xi32, #tpu.memory_space<hbm>>
      tpu.enqueue_dma source(%dma_start3A_147 : memref<80x64xi32, #tpu.memory_space<hbm>>) target(%arg7 : memref<80x64xi32, #tpu.memory_space<vmem>>) target_semaphore(%run_scoped3A : memref<!tpu.dma_semaphore, #tpu.memory_space<semaphore_mem>>)
      %dma_wait3A_148 = arith.constant 0 : i32
      %dma_wait3A_149 = arith.constant 0 : i32
      %dma_wait3A_150 = tpu.memref_slice %arg3[%arg1, %dma_wait3A_148, %dma_wait3A_149] : memref<16x320x64xi32, #tpu.memory_space<hbm>> -> memref<1x80x64xi32, #tpu.memory_space<hbm>>
      %dma_wait3A_151 = tpu.memref_squeeze %dma_wait3A_150 : memref<1x80x64xi32, #tpu.memory_space<hbm>> -> memref<80x64xi32, #tpu.memory_space<hbm>>
      %dma_wait3A_152 = arith.constant 0 : i32
      %dma_wait3A_153 = arith.constant 0 : i32
      %dma_wait3A_154 = tpu.memref_slice %arg3[%arg1, %dma_wait3A_152, %dma_wait3A_153] : memref<16x320x64xi32, #tpu.memory_space<hbm>> -> memref<1x80x64xi32, #tpu.memory_space<hbm>>
      %dma_wait3A_155 = tpu.memref_squeeze %dma_wait3A_154 : memref<1x80x64xi32, #tpu.memory_space<hbm>> -> memref<80x64xi32, #tpu.memory_space<hbm>>
      tpu.wait_dma2 semaphore(%run_scoped3A : memref<!tpu.dma_semaphore, #tpu.memory_space<semaphore_mem>>) src(%dma_wait3A_155 : memref<80x64xi32, #tpu.memory_space<hbm>>) dst(%arg7 : memref<80x64xi32, #tpu.memory_space<vmem>>)
      tpu.yield
    }) : () -> ()
    "tpu.region"() ({
      %run_scoped3A = tpu.sem_alloc : memref<!tpu.dma_semaphore, #tpu.memory_space<semaphore_mem>>
      %dma_start3A_140 = arith.constant 0 : i32
      %dma_start3A_141 = arith.constant 0 : i32
      %dma_start3A_142 = tpu.memref_slice %arg4[%arg1, %dma_start3A_140, %dma_start3A_141] : memref<16x320x64xi32, #tpu.memory_space<hbm>> -> memref<1x80x64xi32, #tpu.memory_space<hbm>>
      %dma_start3A_143 = tpu.memref_squeeze %dma_start3A_142 : memref<1x80x64xi32, #tpu.memory_space<hbm>> -> memref<80x64xi32, #tpu.memory_space<hbm>>
      %dma_start3A_144 = arith.constant 0 : i32
      %dma_start3A_145 = arith.constant 0 : i32
      %dma_start3A_146 = tpu.memref_slice %arg4[%arg1, %dma_start3A_144, %dma_start3A_145] : memref<16x320x64xi32, #tpu.memory_space<hbm>> -> memref<1x80x64xi32, #tpu.memory_space<hbm>>
      %dma_start3A_147 = tpu.memref_squeeze %dma_start3A_146 : memref<1x80x64xi32, #tpu.memory_space<hbm>> -> memref<80x64xi32, #tpu.memory_space<hbm>>
      tpu.enqueue_dma source(%dma_start3A_147 : memref<80x64xi32, #tpu.memory_space<hbm>>) target(%arg8 : memref<80x64xi32, #tpu.memory_space<vmem>>) target_semaphore(%run_scoped3A : memref<!tpu.dma_semaphore, #tpu.memory_space<semaphore_mem>>)
      %dma_wait3A_148 = arith.constant 0 : i32
      %dma_wait3A_149 = arith.constant 0 : i32
      %dma_wait3A_150 = tpu.memref_slice %arg4[%arg1, %dma_wait3A_148, %dma_wait3A_149] : memref<16x320x64xi32, #tpu.memory_space<hbm>> -> memref<1x80x64xi32, #tpu.memory_space<hbm>>
      %dma_wait3A_151 = tpu.memref_squeeze %dma_wait3A_150 : memref<1x80x64xi32, #tpu.memory_space<hbm>> -> memref<80x64xi32, #tpu.memory_space<hbm>>
      %dma_wait3A_152 = arith.constant 0 : i32
      %dma_wait3A_153 = arith.constant 0 : i32
      %dma_wait3A_154 = tpu.memref_slice %arg4[%arg1, %dma_wait3A_152, %dma_wait3A_153] : memref<16x320x64xi32, #tpu.memory_space<hbm>> -> memref<1x80x64xi32, #tpu.memory_space<hbm>>
      %dma_wait3A_155 = tpu.memref_squeeze %dma_wait3A_154 : memref<1x80x64xi32, #tpu.memory_space<hbm>> -> memref<80x64xi32, #tpu.memory_space<hbm>>
      tpu.wait_dma2 semaphore(%run_scoped3A : memref<!tpu.dma_semaphore, #tpu.memory_space<semaphore_mem>>) src(%dma_wait3A_155 : memref<80x64xi32, #tpu.memory_space<hbm>>) dst(%arg8 : memref<80x64xi32, #tpu.memory_space<vmem>>)
      tpu.yield
    }) : () -> ()
    %dma_start3A = arith.constant 0 : i32
    %dma_start3A_2 = arith.constant 0 : i32
    %dma_start3A_3 = tpu.memref_slice %arg7[%dma_start3A, %dma_start3A_2] : memref<80x64xi32, #tpu.memory_space<vmem>> -> memref<1x64xi32, #tpu.memory_space<vmem>>
    %dma_start3A_4 = tpu.memref_squeeze %dma_start3A_3 : memref<1x64xi32, #tpu.memory_space<vmem>> -> memref<64xi32, #tpu.memory_space<vmem>>
    %dma_start3A_5 = arith.constant 0 : i32
    %dma_start3A_6 = arith.constant 0 : i32
    %dma_start3A_7 = tpu.memref_slice %arg11[%dma_start3A_5, %dma_start3A_6] : memref<20224x64xf32, #tpu.memory_space<vmem_shared>> -> memref<20224x64xf32, #tpu.memory_space<vmem_shared>>
    tpu.enqueue_indirect_dma source(%dma_start3A_7 : memref<20224x64xf32, #tpu.memory_space<vmem_shared>>) target(%arg9 : memref<64x64xf32, #tpu.memory_space<vmem>>) offsets(%dma_start3A_4 : memref<64xi32, #tpu.memory_space<vmem>>) semaphore(%arg12 : memref<!tpu.dma_semaphore, #tpu.memory_space<semaphore_mem>>)
    %dma_start3A_8 = arith.constant 1 : i32
    %dma_start3A_9 = arith.constant 0 : i32
    %dma_start3A_10 = tpu.memref_slice %arg7[%dma_start3A_8, %dma_start3A_9] : memref<80x64xi32, #tpu.memory_space<vmem>> -> memref<1x64xi32, #tpu.memory_space<vmem>>
    %dma_start3A_11 = tpu.memref_squeeze %dma_start3A_10 : memref<1x64xi32, #tpu.memory_space<vmem>> -> memref<64xi32, #tpu.memory_space<vmem>>
    %dma_start3A_12 = arith.constant 0 : i32
    %dma_start3A_13 = arith.constant 0 : i32
    %dma_start3A_14 = tpu.memref_slice %arg11[%dma_start3A_12, %dma_start3A_13] : memref<20224x64xf32, #tpu.memory_space<vmem_shared>> -> memref<20224x64xf32, #tpu.memory_space<vmem_shared>>
    tpu.enqueue_indirect_dma source(%dma_start3A_14 : memref<20224x64xf32, #tpu.memory_space<vmem_shared>>) target(%arg10 : memref<64x64xf32, #tpu.memory_space<vmem>>) offsets(%dma_start3A_11 : memref<64xi32, #tpu.memory_space<vmem>>) semaphore(%arg13 : memref<!tpu.dma_semaphore, #tpu.memory_space<semaphore_mem>>)
    %scan3A = arith.constant 0 : i32
    %scan3A_15 = arith.constant 0 : i32
    %scan3A_16 = arith.constant 40 : i32
    %scan3A_17 = arith.addi %scan3A_15, %scan3A_16 : i32
    %scan3A_18 = arith.constant 1 : i32
    scf.for %scan3A_140 = %scan3A_15 to %scan3A_17 step %scan3A_18  : i32 {
      %mul3A_141 = arith.constant 2 : i32
      %mul3A_142 = arith.muli %mul3A_141, %scan3A_140 : i32
      %add3A_143 = arith.constant 1 : i32
      %add3A_144 = arith.addi %mul3A_142, %add3A_143 : i32
      %dma_wait3A_145 = arith.constant 0 : i32
      %dma_wait3A_146 = tpu.memref_slice %arg7[%mul3A_142, %dma_wait3A_145] : memref<80x64xi32, #tpu.memory_space<vmem>> -> memref<1x64xi32, #tpu.memory_space<vmem>>
      %dma_wait3A_147 = tpu.memref_squeeze %dma_wait3A_146 : memref<1x64xi32, #tpu.memory_space<vmem>> -> memref<64xi32, #tpu.memory_space<vmem>>
      %dma_wait3A_148 = arith.constant 0 : i32
      %dma_wait3A_149 = arith.constant 0 : i32
      %dma_wait3A_150 = tpu.memref_slice %arg11[%dma_wait3A_148, %dma_wait3A_149] : memref<20224x64xf32, #tpu.memory_space<vmem_shared>> -> memref<20224x64xf32, #tpu.memory_space<vmem_shared>>
      tpu.wait_indirect_dma semaphore(%arg12 : memref<!tpu.dma_semaphore, #tpu.memory_space<semaphore_mem>>) src(%dma_wait3A_150 : memref<20224x64xf32, #tpu.memory_space<vmem_shared>>) dst(%arg9 : memref<64x64xf32, #tpu.memory_space<vmem>>)
      %dma_start3A_151 = arith.constant 0 : i32
      %dma_start3A_152 = tpu.memref_slice %arg8[%mul3A_142, %dma_start3A_151] : memref<80x64xi32, #tpu.memory_space<vmem>> -> memref<1x64xi32, #tpu.memory_space<vmem>>
      %dma_start3A_153 = tpu.memref_squeeze %dma_start3A_152 : memref<1x64xi32, #tpu.memory_space<vmem>> -> memref<64xi32, #tpu.memory_space<vmem>>
      %dma_start3A_154 = arith.constant 0 : i32
      %dma_start3A_155 = arith.constant 0 : i32
      %dma_start3A_156 = tpu.memref_slice %arg11[%dma_start3A_154, %dma_start3A_155] : memref<20224x64xf32, #tpu.memory_space<vmem_shared>> -> memref<20224x64xf32, #tpu.memory_space<vmem_shared>>
      tpu.enqueue_indirect_dma source(%arg9 : memref<64x64xf32, #tpu.memory_space<vmem>>) target(%dma_start3A_156 : memref<20224x64xf32, #tpu.memory_space<vmem_shared>>) offsets(%dma_start3A_153 : memref<64xi32, #tpu.memory_space<vmem>>) semaphore(%arg14 : memref<!tpu.dma_semaphore, #tpu.memory_space<semaphore_mem>>) {add = true}
      %dma_wait3A_157 = arith.constant 0 : i32
      %dma_wait3A_158 = tpu.memref_slice %arg8[%mul3A_142, %dma_wait3A_157] : memref<80x64xi32, #tpu.memory_space<vmem>> -> memref<1x64xi32, #tpu.memory_space<vmem>>
      %dma_wait3A_159 = tpu.memref_squeeze %dma_wait3A_158 : memref<1x64xi32, #tpu.memory_space<vmem>> -> memref<64xi32, #tpu.memory_space<vmem>>
      %dma_wait3A_160 = arith.constant 0 : i32
      %dma_wait3A_161 = arith.constant 0 : i32
      %dma_wait3A_162 = tpu.memref_slice %arg11[%dma_wait3A_160, %dma_wait3A_161] : memref<20224x64xf32, #tpu.memory_space<vmem_shared>> -> memref<20224x64xf32, #tpu.memory_space<vmem_shared>>
      tpu.wait_indirect_dma semaphore(%arg14 : memref<!tpu.dma_semaphore, #tpu.memory_space<semaphore_mem>>) src(%arg9 : memref<64x64xf32, #tpu.memory_space<vmem>>) dst(%dma_wait3A_162 : memref<20224x64xf32, #tpu.memory_space<vmem_shared>>)
      %add3A_163 = arith.constant 2 : i32
      %add3A_164 = arith.addi %mul3A_142, %add3A_163 : i32
      %min3A = arith.constant 79 : i32
      %min3A_165 = arith.minsi %add3A_164, %min3A : i32
      %dma_start3A_166 = arith.constant 0 : i32
      %dma_start3A_167 = tpu.memref_slice %arg7[%min3A_165, %dma_start3A_166] : memref<80x64xi32, #tpu.memory_space<vmem>> -> memref<1x64xi32, #tpu.memory_space<vmem>>
      %dma_start3A_168 = tpu.memref_squeeze %dma_start3A_167 : memref<1x64xi32, #tpu.memory_space<vmem>> -> memref<64xi32, #tpu.memory_space<vmem>>
      %dma_start3A_169 = arith.constant 0 : i32
      %dma_start3A_170 = arith.constant 0 : i32
      %dma_start3A_171 = tpu.memref_slice %arg11[%dma_start3A_169, %dma_start3A_170] : memref<20224x64xf32, #tpu.memory_space<vmem_shared>> -> memref<20224x64xf32, #tpu.memory_space<vmem_shared>>
      tpu.enqueue_indirect_dma source(%dma_start3A_171 : memref<20224x64xf32, #tpu.memory_space<vmem_shared>>) target(%arg9 : memref<64x64xf32, #tpu.memory_space<vmem>>) offsets(%dma_start3A_168 : memref<64xi32, #tpu.memory_space<vmem>>) semaphore(%arg12 : memref<!tpu.dma_semaphore, #tpu.memory_space<semaphore_mem>>)
      %dma_wait3A_172 = arith.constant 0 : i32
      %dma_wait3A_173 = tpu.memref_slice %arg7[%add3A_144, %dma_wait3A_172] : memref<80x64xi32, #tpu.memory_space<vmem>> -> memref<1x64xi32, #tpu.memory_space<vmem>>
      %dma_wait3A_174 = tpu.memref_squeeze %dma_wait3A_173 : memref<1x64xi32, #tpu.memory_space<vmem>> -> memref<64xi32, #tpu.memory_space<vmem>>
      %dma_wait3A_175 = arith.constant 0 : i32
      %dma_wait3A_176 = arith.constant 0 : i32
      %dma_wait3A_177 = tpu.memref_slice %arg11[%dma_wait3A_175, %dma_wait3A_176] : memref<20224x64xf32, #tpu.memory_space<vmem_shared>> -> memref<20224x64xf32, #tpu.memory_space<vmem_shared>>
      tpu.wait_indirect_dma semaphore(%arg13 : memref<!tpu.dma_semaphore, #tpu.memory_space<semaphore_mem>>) src(%dma_wait3A_177 : memref<20224x64xf32, #tpu.memory_space<vmem_shared>>) dst(%arg10 : memref<64x64xf32, #tpu.memory_space<vmem>>)
      %dma_start3A_178 = arith.constant 0 : i32
      %dma_start3A_179 = tpu.memref_slice %arg8[%add3A_144, %dma_start3A_178] : memref<80x64xi32, #tpu.memory_space<vmem>> -> memref<1x64xi32, #tpu.memory_space<vmem>>
      %dma_start3A_180 = tpu.memref_squeeze %dma_start3A_179 : memref<1x64xi32, #tpu.memory_space<vmem>> -> memref<64xi32, #tpu.memory_space<vmem>>
      %dma_start3A_181 = arith.constant 0 : i32
      %dma_start3A_182 = arith.constant 0 : i32
      %dma_start3A_183 = tpu.memref_slice %arg11[%dma_start3A_181, %dma_start3A_182] : memref<20224x64xf32, #tpu.memory_space<vmem_shared>> -> memref<20224x64xf32, #tpu.memory_space<vmem_shared>>
      tpu.enqueue_indirect_dma source(%arg10 : memref<64x64xf32, #tpu.memory_space<vmem>>) target(%dma_start3A_183 : memref<20224x64xf32, #tpu.memory_space<vmem_shared>>) offsets(%dma_start3A_180 : memref<64xi32, #tpu.memory_space<vmem>>) semaphore(%arg15 : memref<!tpu.dma_semaphore, #tpu.memory_space<semaphore_mem>>) {add = true}
      %dma_wait3A_184 = arith.constant 0 : i32
      %dma_wait3A_185 = tpu.memref_slice %arg8[%add3A_144, %dma_wait3A_184] : memref<80x64xi32, #tpu.memory_space<vmem>> -> memref<1x64xi32, #tpu.memory_space<vmem>>
      %dma_wait3A_186 = tpu.memref_squeeze %dma_wait3A_185 : memref<1x64xi32, #tpu.memory_space<vmem>> -> memref<64xi32, #tpu.memory_space<vmem>>
      %dma_wait3A_187 = arith.constant 0 : i32
      %dma_wait3A_188 = arith.constant 0 : i32
      %dma_wait3A_189 = tpu.memref_slice %arg11[%dma_wait3A_187, %dma_wait3A_188] : memref<20224x64xf32, #tpu.memory_space<vmem_shared>> -> memref<20224x64xf32, #tpu.memory_space<vmem_shared>>
      tpu.wait_indirect_dma semaphore(%arg15 : memref<!tpu.dma_semaphore, #tpu.memory_space<semaphore_mem>>) src(%arg10 : memref<64x64xf32, #tpu.memory_space<vmem>>) dst(%dma_wait3A_189 : memref<20224x64xf32, #tpu.memory_space<vmem_shared>>)
      %add3A_190 = arith.constant 2 : i32
      %add3A_191 = arith.addi %add3A_144, %add3A_190 : i32
      %min3A_192 = arith.constant 79 : i32
      %min3A_193 = arith.minsi %add3A_191, %min3A_192 : i32
      %dma_start3A_194 = arith.constant 0 : i32
      %dma_start3A_195 = tpu.memref_slice %arg7[%min3A_193, %dma_start3A_194] : memref<80x64xi32, #tpu.memory_space<vmem>> -> memref<1x64xi32, #tpu.memory_space<vmem>>
      %dma_start3A_196 = tpu.memref_squeeze %dma_start3A_195 : memref<1x64xi32, #tpu.memory_space<vmem>> -> memref<64xi32, #tpu.memory_space<vmem>>
      %dma_start3A_197 = arith.constant 0 : i32
      %dma_start3A_198 = arith.constant 0 : i32
      %dma_start3A_199 = tpu.memref_slice %arg11[%dma_start3A_197, %dma_start3A_198] : memref<20224x64xf32, #tpu.memory_space<vmem_shared>> -> memref<20224x64xf32, #tpu.memory_space<vmem_shared>>
      tpu.enqueue_indirect_dma source(%dma_start3A_199 : memref<20224x64xf32, #tpu.memory_space<vmem_shared>>) target(%arg10 : memref<64x64xf32, #tpu.memory_space<vmem>>) offsets(%dma_start3A_196 : memref<64xi32, #tpu.memory_space<vmem>>) semaphore(%arg13 : memref<!tpu.dma_semaphore, #tpu.memory_space<semaphore_mem>>)
    }
    %scan3A_19 = arith.constant 40 : i32
    %dma_wait3A = arith.constant 79 : i32
    %dma_wait3A_20 = arith.constant 0 : i32
    %dma_wait3A_21 = tpu.memref_slice %arg7[%dma_wait3A, %dma_wait3A_20] : memref<80x64xi32, #tpu.memory_space<vmem>> -> memref<1x64xi32, #tpu.memory_space<vmem>>
    %dma_wait3A_22 = tpu.memref_squeeze %dma_wait3A_21 : memref<1x64xi32, #tpu.memory_space<vmem>> -> memref<64xi32, #tpu.memory_space<vmem>>
    %dma_wait3A_23 = arith.constant 0 : i32
    %dma_wait3A_24 = arith.constant 0 : i32
    %dma_wait3A_25 = tpu.memref_slice %arg11[%dma_wait3A_23, %dma_wait3A_24] : memref<20224x64xf32, #tpu.memory_space<vmem_shared>> -> memref<20224x64xf32, #tpu.memory_space<vmem_shared>>
    tpu.wait_indirect_dma semaphore(%arg12 : memref<!tpu.dma_semaphore, #tpu.memory_space<semaphore_mem>>) src(%dma_wait3A_25 : memref<20224x64xf32, #tpu.memory_space<vmem_shared>>) dst(%arg9 : memref<64x64xf32, #tpu.memory_space<vmem>>)
    %dma_wait3A_26 = arith.constant 79 : i32
    %dma_wait3A_27 = arith.constant 0 : i32
    %dma_wait3A_28 = tpu.memref_slice %arg7[%dma_wait3A_26, %dma_wait3A_27] : memref<80x64xi32, #tpu.memory_space<vmem>> -> memref<1x64xi32, #tpu.memory_space<vmem>>
    %dma_wait3A_29 = tpu.memref_squeeze %dma_wait3A_28 : memref<1x64xi32, #tpu.memory_space<vmem>> -> memref<64xi32, #tpu.memory_space<vmem>>
    %dma_wait3A_30 = arith.constant 0 : i32
    %dma_wait3A_31 = arith.constant 0 : i32
    %dma_wait3A_32 = tpu.memref_slice %arg11[%dma_wait3A_30, %dma_wait3A_31] : memref<20224x64xf32, #tpu.memory_space<vmem_shared>> -> memref<20224x64xf32, #tpu.memory_space<vmem_shared>>
    tpu.wait_indirect_dma semaphore(%arg13 : memref<!tpu.dma_semaphore, #tpu.memory_space<semaphore_mem>>) src(%dma_wait3A_32 : memref<20224x64xf32, #tpu.memory_space<vmem_shared>>) dst(%arg10 : memref<64x64xf32, #tpu.memory_space<vmem>>)
    "tpu.region"() ({
      %run_scoped3A = tpu.sem_alloc : memref<!tpu.dma_semaphore, #tpu.memory_space<semaphore_mem>>
      %dma_start3A_140 = arith.constant 80 : i32
      %dma_start3A_141 = arith.constant 0 : i32
      %dma_start3A_142 = tpu.memref_slice %arg3[%arg1, %dma_start3A_140, %dma_start3A_141] : memref<16x320x64xi32, #tpu.memory_space<hbm>> -> memref<1x80x64xi32, #tpu.memory_space<hbm>>
      %dma_start3A_143 = tpu.memref_squeeze %dma_start3A_142 : memref<1x80x64xi32, #tpu.memory_space<hbm>> -> memref<80x64xi32, #tpu.memory_space<hbm>>
      %dma_start3A_144 = arith.constant 80 : i32
      %dma_start3A_145 = arith.constant 0 : i32
      %dma_start3A_146 = tpu.memref_slice %arg3[%arg1, %dma_start3A_144, %dma_start3A_145] : memref<16x320x64xi32, #tpu.memory_space<hbm>> -> memref<1x80x64xi32, #tpu.memory_space<hbm>>
      %dma_start3A_147 = tpu.memref_squeeze %dma_start3A_146 : memref<1x80x64xi32, #tpu.memory_space<hbm>> -> memref<80x64xi32, #tpu.memory_space<hbm>>
      tpu.enqueue_dma source(%dma_start3A_147 : memref<80x64xi32, #tpu.memory_space<hbm>>) target(%arg7 : memref<80x64xi32, #tpu.memory_space<vmem>>) target_semaphore(%run_scoped3A : memref<!tpu.dma_semaphore, #tpu.memory_space<semaphore_mem>>)
      %dma_wait3A_148 = arith.constant 80 : i32
      %dma_wait3A_149 = arith.constant 0 : i32
      %dma_wait3A_150 = tpu.memref_slice %arg3[%arg1, %dma_wait3A_148, %dma_wait3A_149] : memref<16x320x64xi32, #tpu.memory_space<hbm>> -> memref<1x80x64xi32, #tpu.memory_space<hbm>>
      %dma_wait3A_151 = tpu.memref_squeeze %dma_wait3A_150 : memref<1x80x64xi32, #tpu.memory_space<hbm>> -> memref<80x64xi32, #tpu.memory_space<hbm>>
      %dma_wait3A_152 = arith.constant 80 : i32
      %dma_wait3A_153 = arith.constant 0 : i32
      %dma_wait3A_154 = tpu.memref_slice %arg3[%arg1, %dma_wait3A_152, %dma_wait3A_153] : memref<16x320x64xi32, #tpu.memory_space<hbm>> -> memref<1x80x64xi32, #tpu.memory_space<hbm>>
      %dma_wait3A_155 = tpu.memref_squeeze %dma_wait3A_154 : memref<1x80x64xi32, #tpu.memory_space<hbm>> -> memref<80x64xi32, #tpu.memory_space<hbm>>
      tpu.wait_dma2 semaphore(%run_scoped3A : memref<!tpu.dma_semaphore, #tpu.memory_space<semaphore_mem>>) src(%dma_wait3A_155 : memref<80x64xi32, #tpu.memory_space<hbm>>) dst(%arg7 : memref<80x64xi32, #tpu.memory_space<vmem>>)
      tpu.yield
    }) : () -> ()
    "tpu.region"() ({
      %run_scoped3A = tpu.sem_alloc : memref<!tpu.dma_semaphore, #tpu.memory_space<semaphore_mem>>
      %dma_start3A_140 = arith.constant 80 : i32
      %dma_start3A_141 = arith.constant 0 : i32
      %dma_start3A_142 = tpu.memref_slice %arg4[%arg1, %dma_start3A_140, %dma_start3A_141] : memref<16x320x64xi32, #tpu.memory_space<hbm>> -> memref<1x80x64xi32, #tpu.memory_space<hbm>>
      %dma_start3A_143 = tpu.memref_squeeze %dma_start3A_142 : memref<1x80x64xi32, #tpu.memory_space<hbm>> -> memref<80x64xi32, #tpu.memory_space<hbm>>
      %dma_start3A_144 = arith.constant 80 : i32
      %dma_start3A_145 = arith.constant 0 : i32
      %dma_start3A_146 = tpu.memref_slice %arg4[%arg1, %dma_start3A_144, %dma_start3A_145] : memref<16x320x64xi32, #tpu.memory_space<hbm>> -> memref<1x80x64xi32, #tpu.memory_space<hbm>>
      %dma_start3A_147 = tpu.memref_squeeze %dma_start3A_146 : memref<1x80x64xi32, #tpu.memory_space<hbm>> -> memref<80x64xi32, #tpu.memory_space<hbm>>
      tpu.enqueue_dma source(%dma_start3A_147 : memref<80x64xi32, #tpu.memory_space<hbm>>) target(%arg8 : memref<80x64xi32, #tpu.memory_space<vmem>>) target_semaphore(%run_scoped3A : memref<!tpu.dma_semaphore, #tpu.memory_space<semaphore_mem>>)
      %dma_wait3A_148 = arith.constant 80 : i32
      %dma_wait3A_149 = arith.constant 0 : i32
      %dma_wait3A_150 = tpu.memref_slice %arg4[%arg1, %dma_wait3A_148, %dma_wait3A_149] : memref<16x320x64xi32, #tpu.memory_space<hbm>> -> memref<1x80x64xi32, #tpu.memory_space<hbm>>
      %dma_wait3A_151 = tpu.memref_squeeze %dma_wait3A_150 : memref<1x80x64xi32, #tpu.memory_space<hbm>> -> memref<80x64xi32, #tpu.memory_space<hbm>>
      %dma_wait3A_152 = arith.constant 80 : i32
      %dma_wait3A_153 = arith.constant 0 : i32
      %dma_wait3A_154 = tpu.memref_slice %arg4[%arg1, %dma_wait3A_152, %dma_wait3A_153] : memref<16x320x64xi32, #tpu.memory_space<hbm>> -> memref<1x80x64xi32, #tpu.memory_space<hbm>>
      %dma_wait3A_155 = tpu.memref_squeeze %dma_wait3A_154 : memref<1x80x64xi32, #tpu.memory_space<hbm>> -> memref<80x64xi32, #tpu.memory_space<hbm>>
      tpu.wait_dma2 semaphore(%run_scoped3A : memref<!tpu.dma_semaphore, #tpu.memory_space<semaphore_mem>>) src(%dma_wait3A_155 : memref<80x64xi32, #tpu.memory_space<hbm>>) dst(%arg8 : memref<80x64xi32, #tpu.memory_space<vmem>>)
      tpu.yield
    }) : () -> ()
    %dma_start3A_33 = arith.constant 0 : i32
    %dma_start3A_34 = arith.constant 0 : i32
    %dma_start3A_35 = tpu.memref_slice %arg7[%dma_start3A_33, %dma_start3A_34] : memref<80x64xi32, #tpu.memory_space<vmem>> -> memref<1x64xi32, #tpu.memory_space<vmem>>
    %dma_start3A_36 = tpu.memref_squeeze %dma_start3A_35 : memref<1x64xi32, #tpu.memory_space<vmem>> -> memref<64xi32, #tpu.memory_space<vmem>>
    %dma_start3A_37 = arith.constant 0 : i32
    %dma_start3A_38 = arith.constant 0 : i32
    %dma_start3A_39 = tpu.memref_slice %arg11[%dma_start3A_37, %dma_start3A_38] : memref<20224x64xf32, #tpu.memory_space<vmem_shared>> -> memref<20224x64xf32, #tpu.memory_space<vmem_shared>>
    tpu.enqueue_indirect_dma source(%dma_start3A_39 : memref<20224x64xf32, #tpu.memory_space<vmem_shared>>) target(%arg9 : memref<64x64xf32, #tpu.memory_space<vmem>>) offsets(%dma_start3A_36 : memref<64xi32, #tpu.memory_space<vmem>>) semaphore(%arg12 : memref<!tpu.dma_semaphore, #tpu.memory_space<semaphore_mem>>)
    %dma_start3A_40 = arith.constant 1 : i32
    %dma_start3A_41 = arith.constant 0 : i32
    %dma_start3A_42 = tpu.memref_slice %arg7[%dma_start3A_40, %dma_start3A_41] : memref<80x64xi32, #tpu.memory_space<vmem>> -> memref<1x64xi32, #tpu.memory_space<vmem>>
    %dma_start3A_43 = tpu.memref_squeeze %dma_start3A_42 : memref<1x64xi32, #tpu.memory_space<vmem>> -> memref<64xi32, #tpu.memory_space<vmem>>
    %dma_start3A_44 = arith.constant 0 : i32
    %dma_start3A_45 = arith.constant 0 : i32
    %dma_start3A_46 = tpu.memref_slice %arg11[%dma_start3A_44, %dma_start3A_45] : memref<20224x64xf32, #tpu.memory_space<vmem_shared>> -> memref<20224x64xf32, #tpu.memory_space<vmem_shared>>
    tpu.enqueue_indirect_dma source(%dma_start3A_46 : memref<20224x64xf32, #tpu.memory_space<vmem_shared>>) target(%arg10 : memref<64x64xf32, #tpu.memory_space<vmem>>) offsets(%dma_start3A_43 : memref<64xi32, #tpu.memory_space<vmem>>) semaphore(%arg13 : memref<!tpu.dma_semaphore, #tpu.memory_space<semaphore_mem>>)
    %scan3A_47 = arith.constant 0 : i32
    %scan3A_48 = arith.constant 0 : i32
    %scan3A_49 = arith.constant 40 : i32
    %scan3A_50 = arith.addi %scan3A_48, %scan3A_49 : i32
    %scan3A_51 = arith.constant 1 : i32
    scf.for %scan3A_140 = %scan3A_48 to %scan3A_50 step %scan3A_51  : i32 {
      %mul3A_141 = arith.constant 2 : i32
      %mul3A_142 = arith.muli %mul3A_141, %scan3A_140 : i32
      %add3A_143 = arith.constant 1 : i32
      %add3A_144 = arith.addi %mul3A_142, %add3A_143 : i32
      %dma_wait3A_145 = arith.constant 0 : i32
      %dma_wait3A_146 = tpu.memref_slice %arg7[%mul3A_142, %dma_wait3A_145] : memref<80x64xi32, #tpu.memory_space<vmem>> -> memref<1x64xi32, #tpu.memory_space<vmem>>
      %dma_wait3A_147 = tpu.memref_squeeze %dma_wait3A_146 : memref<1x64xi32, #tpu.memory_space<vmem>> -> memref<64xi32, #tpu.memory_space<vmem>>
      %dma_wait3A_148 = arith.constant 0 : i32
      %dma_wait3A_149 = arith.constant 0 : i32
      %dma_wait3A_150 = tpu.memref_slice %arg11[%dma_wait3A_148, %dma_wait3A_149] : memref<20224x64xf32, #tpu.memory_space<vmem_shared>> -> memref<20224x64xf32, #tpu.memory_space<vmem_shared>>
      tpu.wait_indirect_dma semaphore(%arg12 : memref<!tpu.dma_semaphore, #tpu.memory_space<semaphore_mem>>) src(%dma_wait3A_150 : memref<20224x64xf32, #tpu.memory_space<vmem_shared>>) dst(%arg9 : memref<64x64xf32, #tpu.memory_space<vmem>>)
      %dma_start3A_151 = arith.constant 0 : i32
      %dma_start3A_152 = tpu.memref_slice %arg8[%mul3A_142, %dma_start3A_151] : memref<80x64xi32, #tpu.memory_space<vmem>> -> memref<1x64xi32, #tpu.memory_space<vmem>>
      %dma_start3A_153 = tpu.memref_squeeze %dma_start3A_152 : memref<1x64xi32, #tpu.memory_space<vmem>> -> memref<64xi32, #tpu.memory_space<vmem>>
      %dma_start3A_154 = arith.constant 0 : i32
      %dma_start3A_155 = arith.constant 0 : i32
      %dma_start3A_156 = tpu.memref_slice %arg11[%dma_start3A_154, %dma_start3A_155] : memref<20224x64xf32, #tpu.memory_space<vmem_shared>> -> memref<20224x64xf32, #tpu.memory_space<vmem_shared>>
      tpu.enqueue_indirect_dma source(%arg9 : memref<64x64xf32, #tpu.memory_space<vmem>>) target(%dma_start3A_156 : memref<20224x64xf32, #tpu.memory_space<vmem_shared>>) offsets(%dma_start3A_153 : memref<64xi32, #tpu.memory_space<vmem>>) semaphore(%arg14 : memref<!tpu.dma_semaphore, #tpu.memory_space<semaphore_mem>>) {add = true}
      %dma_wait3A_157 = arith.constant 0 : i32
      %dma_wait3A_158 = tpu.memref_slice %arg8[%mul3A_142, %dma_wait3A_157] : memref<80x64xi32, #tpu.memory_space<vmem>> -> memref<1x64xi32, #tpu.memory_space<vmem>>
      %dma_wait3A_159 = tpu.memref_squeeze %dma_wait3A_158 : memref<1x64xi32, #tpu.memory_space<vmem>> -> memref<64xi32, #tpu.memory_space<vmem>>
      %dma_wait3A_160 = arith.constant 0 : i32
      %dma_wait3A_161 = arith.constant 0 : i32
      %dma_wait3A_162 = tpu.memref_slice %arg11[%dma_wait3A_160, %dma_wait3A_161] : memref<20224x64xf32, #tpu.memory_space<vmem_shared>> -> memref<20224x64xf32, #tpu.memory_space<vmem_shared>>
      tpu.wait_indirect_dma semaphore(%arg14 : memref<!tpu.dma_semaphore, #tpu.memory_space<semaphore_mem>>) src(%arg9 : memref<64x64xf32, #tpu.memory_space<vmem>>) dst(%dma_wait3A_162 : memref<20224x64xf32, #tpu.memory_space<vmem_shared>>)
      %add3A_163 = arith.constant 2 : i32
      %add3A_164 = arith.addi %mul3A_142, %add3A_163 : i32
      %min3A = arith.constant 79 : i32
      %min3A_165 = arith.minsi %add3A_164, %min3A : i32
      %dma_start3A_166 = arith.constant 0 : i32
      %dma_start3A_167 = tpu.memref_slice %arg7[%min3A_165, %dma_start3A_166] : memref<80x64xi32, #tpu.memory_space<vmem>> -> memref<1x64xi32, #tpu.memory_space<vmem>>
      %dma_start3A_168 = tpu.memref_squeeze %dma_start3A_167 : memref<1x64xi32, #tpu.memory_space<vmem>> -> memref<64xi32, #tpu.memory_space<vmem>>
      %dma_start3A_169 = arith.constant 0 : i32
      %dma_start3A_170 = arith.constant 0 : i32
      %dma_start3A_171 = tpu.memref_slice %arg11[%dma_start3A_169, %dma_start3A_170] : memref<20224x64xf32, #tpu.memory_space<vmem_shared>> -> memref<20224x64xf32, #tpu.memory_space<vmem_shared>>
      tpu.enqueue_indirect_dma source(%dma_start3A_171 : memref<20224x64xf32, #tpu.memory_space<vmem_shared>>) target(%arg9 : memref<64x64xf32, #tpu.memory_space<vmem>>) offsets(%dma_start3A_168 : memref<64xi32, #tpu.memory_space<vmem>>) semaphore(%arg12 : memref<!tpu.dma_semaphore, #tpu.memory_space<semaphore_mem>>)
      %dma_wait3A_172 = arith.constant 0 : i32
      %dma_wait3A_173 = tpu.memref_slice %arg7[%add3A_144, %dma_wait3A_172] : memref<80x64xi32, #tpu.memory_space<vmem>> -> memref<1x64xi32, #tpu.memory_space<vmem>>
      %dma_wait3A_174 = tpu.memref_squeeze %dma_wait3A_173 : memref<1x64xi32, #tpu.memory_space<vmem>> -> memref<64xi32, #tpu.memory_space<vmem>>
      %dma_wait3A_175 = arith.constant 0 : i32
      %dma_wait3A_176 = arith.constant 0 : i32
      %dma_wait3A_177 = tpu.memref_slice %arg11[%dma_wait3A_175, %dma_wait3A_176] : memref<20224x64xf32, #tpu.memory_space<vmem_shared>> -> memref<20224x64xf32, #tpu.memory_space<vmem_shared>>
      tpu.wait_indirect_dma semaphore(%arg13 : memref<!tpu.dma_semaphore, #tpu.memory_space<semaphore_mem>>) src(%dma_wait3A_177 : memref<20224x64xf32, #tpu.memory_space<vmem_shared>>) dst(%arg10 : memref<64x64xf32, #tpu.memory_space<vmem>>)
      %dma_start3A_178 = arith.constant 0 : i32
      %dma_start3A_179 = tpu.memref_slice %arg8[%add3A_144, %dma_start3A_178] : memref<80x64xi32, #tpu.memory_space<vmem>> -> memref<1x64xi32, #tpu.memory_space<vmem>>
      %dma_start3A_180 = tpu.memref_squeeze %dma_start3A_179 : memref<1x64xi32, #tpu.memory_space<vmem>> -> memref<64xi32, #tpu.memory_space<vmem>>
      %dma_start3A_181 = arith.constant 0 : i32
      %dma_start3A_182 = arith.constant 0 : i32
      %dma_start3A_183 = tpu.memref_slice %arg11[%dma_start3A_181, %dma_start3A_182] : memref<20224x64xf32, #tpu.memory_space<vmem_shared>> -> memref<20224x64xf32, #tpu.memory_space<vmem_shared>>
      tpu.enqueue_indirect_dma source(%arg10 : memref<64x64xf32, #tpu.memory_space<vmem>>) target(%dma_start3A_183 : memref<20224x64xf32, #tpu.memory_space<vmem_shared>>) offsets(%dma_start3A_180 : memref<64xi32, #tpu.memory_space<vmem>>) semaphore(%arg15 : memref<!tpu.dma_semaphore, #tpu.memory_space<semaphore_mem>>) {add = true}
      %dma_wait3A_184 = arith.constant 0 : i32
      %dma_wait3A_185 = tpu.memref_slice %arg8[%add3A_144, %dma_wait3A_184] : memref<80x64xi32, #tpu.memory_space<vmem>> -> memref<1x64xi32, #tpu.memory_space<vmem>>
      %dma_wait3A_186 = tpu.memref_squeeze %dma_wait3A_185 : memref<1x64xi32, #tpu.memory_space<vmem>> -> memref<64xi32, #tpu.memory_space<vmem>>
      %dma_wait3A_187 = arith.constant 0 : i32
      %dma_wait3A_188 = arith.constant 0 : i32
      %dma_wait3A_189 = tpu.memref_slice %arg11[%dma_wait3A_187, %dma_wait3A_188] : memref<20224x64xf32, #tpu.memory_space<vmem_shared>> -> memref<20224x64xf32, #tpu.memory_space<vmem_shared>>
      tpu.wait_indirect_dma semaphore(%arg15 : memref<!tpu.dma_semaphore, #tpu.memory_space<semaphore_mem>>) src(%arg10 : memref<64x64xf32, #tpu.memory_space<vmem>>) dst(%dma_wait3A_189 : memref<20224x64xf32, #tpu.memory_space<vmem_shared>>)
      %add3A_190 = arith.constant 2 : i32
      %add3A_191 = arith.addi %add3A_144, %add3A_190 : i32
      %min3A_192 = arith.constant 79 : i32
      %min3A_193 = arith.minsi %add3A_191, %min3A_192 : i32
      %dma_start3A_194 = arith.constant 0 : i32
      %dma_start3A_195 = tpu.memref_slice %arg7[%min3A_193, %dma_start3A_194] : memref<80x64xi32, #tpu.memory_space<vmem>> -> memref<1x64xi32, #tpu.memory_space<vmem>>
      %dma_start3A_196 = tpu.memref_squeeze %dma_start3A_195 : memref<1x64xi32, #tpu.memory_space<vmem>> -> memref<64xi32, #tpu.memory_space<vmem>>
      %dma_start3A_197 = arith.constant 0 : i32
      %dma_start3A_198 = arith.constant 0 : i32
      %dma_start3A_199 = tpu.memref_slice %arg11[%dma_start3A_197, %dma_start3A_198] : memref<20224x64xf32, #tpu.memory_space<vmem_shared>> -> memref<20224x64xf32, #tpu.memory_space<vmem_shared>>
      tpu.enqueue_indirect_dma source(%dma_start3A_199 : memref<20224x64xf32, #tpu.memory_space<vmem_shared>>) target(%arg10 : memref<64x64xf32, #tpu.memory_space<vmem>>) offsets(%dma_start3A_196 : memref<64xi32, #tpu.memory_space<vmem>>) semaphore(%arg13 : memref<!tpu.dma_semaphore, #tpu.memory_space<semaphore_mem>>)
    }
    %scan3A_52 = arith.constant 40 : i32
    %dma_wait3A_53 = arith.constant 79 : i32
    %dma_wait3A_54 = arith.constant 0 : i32
    %dma_wait3A_55 = tpu.memref_slice %arg7[%dma_wait3A_53, %dma_wait3A_54] : memref<80x64xi32, #tpu.memory_space<vmem>> -> memref<1x64xi32, #tpu.memory_space<vmem>>
    %dma_wait3A_56 = tpu.memref_squeeze %dma_wait3A_55 : memref<1x64xi32, #tpu.memory_space<vmem>> -> memref<64xi32, #tpu.memory_space<vmem>>
    %dma_wait3A_57 = arith.constant 0 : i32
    %dma_wait3A_58 = arith.constant 0 : i32
    %dma_wait3A_59 = tpu.memref_slice %arg11[%dma_wait3A_57, %dma_wait3A_58] : memref<20224x64xf32, #tpu.memory_space<vmem_shared>> -> memref<20224x64xf32, #tpu.memory_space<vmem_shared>>
    tpu.wait_indirect_dma semaphore(%arg12 : memref<!tpu.dma_semaphore, #tpu.memory_space<semaphore_mem>>) src(%dma_wait3A_59 : memref<20224x64xf32, #tpu.memory_space<vmem_shared>>) dst(%arg9 : memref<64x64xf32, #tpu.memory_space<vmem>>)
    %dma_wait3A_60 = arith.constant 79 : i32
    %dma_wait3A_61 = arith.constant 0 : i32
    %dma_wait3A_62 = tpu.memref_slice %arg7[%dma_wait3A_60, %dma_wait3A_61] : memref<80x64xi32, #tpu.memory_space<vmem>> -> memref<1x64xi32, #tpu.memory_space<vmem>>
    %dma_wait3A_63 = tpu.memref_squeeze %dma_wait3A_62 : memref<1x64xi32, #tpu.memory_space<vmem>> -> memref<64xi32, #tpu.memory_space<vmem>>
    %dma_wait3A_64 = arith.constant 0 : i32
    %dma_wait3A_65 = arith.constant 0 : i32
    %dma_wait3A_66 = tpu.memref_slice %arg11[%dma_wait3A_64, %dma_wait3A_65] : memref<20224x64xf32, #tpu.memory_space<vmem_shared>> -> memref<20224x64xf32, #tpu.memory_space<vmem_shared>>
    tpu.wait_indirect_dma semaphore(%arg13 : memref<!tpu.dma_semaphore, #tpu.memory_space<semaphore_mem>>) src(%dma_wait3A_66 : memref<20224x64xf32, #tpu.memory_space<vmem_shared>>) dst(%arg10 : memref<64x64xf32, #tpu.memory_space<vmem>>)
    "tpu.region"() ({
      %run_scoped3A = tpu.sem_alloc : memref<!tpu.dma_semaphore, #tpu.memory_space<semaphore_mem>>
      %dma_start3A_140 = arith.constant 160 : i32
      %dma_start3A_141 = arith.constant 0 : i32
      %dma_start3A_142 = tpu.memref_slice %arg3[%arg1, %dma_start3A_140, %dma_start3A_141] : memref<16x320x64xi32, #tpu.memory_space<hbm>> -> memref<1x80x64xi32, #tpu.memory_space<hbm>>
      %dma_start3A_143 = tpu.memref_squeeze %dma_start3A_142 : memref<1x80x64xi32, #tpu.memory_space<hbm>> -> memref<80x64xi32, #tpu.memory_space<hbm>>
      %dma_start3A_144 = arith.constant 160 : i32
      %dma_start3A_145 = arith.constant 0 : i32
      %dma_start3A_146 = tpu.memref_slice %arg3[%arg1, %dma_start3A_144, %dma_start3A_145] : memref<16x320x64xi32, #tpu.memory_space<hbm>> -> memref<1x80x64xi32, #tpu.memory_space<hbm>>
      %dma_start3A_147 = tpu.memref_squeeze %dma_start3A_146 : memref<1x80x64xi32, #tpu.memory_space<hbm>> -> memref<80x64xi32, #tpu.memory_space<hbm>>
      tpu.enqueue_dma source(%dma_start3A_147 : memref<80x64xi32, #tpu.memory_space<hbm>>) target(%arg7 : memref<80x64xi32, #tpu.memory_space<vmem>>) target_semaphore(%run_scoped3A : memref<!tpu.dma_semaphore, #tpu.memory_space<semaphore_mem>>)
      %dma_wait3A_148 = arith.constant 160 : i32
      %dma_wait3A_149 = arith.constant 0 : i32
      %dma_wait3A_150 = tpu.memref_slice %arg3[%arg1, %dma_wait3A_148, %dma_wait3A_149] : memref<16x320x64xi32, #tpu.memory_space<hbm>> -> memref<1x80x64xi32, #tpu.memory_space<hbm>>
      %dma_wait3A_151 = tpu.memref_squeeze %dma_wait3A_150 : memref<1x80x64xi32, #tpu.memory_space<hbm>> -> memref<80x64xi32, #tpu.memory_space<hbm>>
      %dma_wait3A_152 = arith.constant 160 : i32
      %dma_wait3A_153 = arith.constant 0 : i32
      %dma_wait3A_154 = tpu.memref_slice %arg3[%arg1, %dma_wait3A_152, %dma_wait3A_153] : memref<16x320x64xi32, #tpu.memory_space<hbm>> -> memref<1x80x64xi32, #tpu.memory_space<hbm>>
      %dma_wait3A_155 = tpu.memref_squeeze %dma_wait3A_154 : memref<1x80x64xi32, #tpu.memory_space<hbm>> -> memref<80x64xi32, #tpu.memory_space<hbm>>
      tpu.wait_dma2 semaphore(%run_scoped3A : memref<!tpu.dma_semaphore, #tpu.memory_space<semaphore_mem>>) src(%dma_wait3A_155 : memref<80x64xi32, #tpu.memory_space<hbm>>) dst(%arg7 : memref<80x64xi32, #tpu.memory_space<vmem>>)
      tpu.yield
    }) : () -> ()
    "tpu.region"() ({
      %run_scoped3A = tpu.sem_alloc : memref<!tpu.dma_semaphore, #tpu.memory_space<semaphore_mem>>
      %dma_start3A_140 = arith.constant 160 : i32
      %dma_start3A_141 = arith.constant 0 : i32
      %dma_start3A_142 = tpu.memref_slice %arg4[%arg1, %dma_start3A_140, %dma_start3A_141] : memref<16x320x64xi32, #tpu.memory_space<hbm>> -> memref<1x80x64xi32, #tpu.memory_space<hbm>>
      %dma_start3A_143 = tpu.memref_squeeze %dma_start3A_142 : memref<1x80x64xi32, #tpu.memory_space<hbm>> -> memref<80x64xi32, #tpu.memory_space<hbm>>
      %dma_start3A_144 = arith.constant 160 : i32
      %dma_start3A_145 = arith.constant 0 : i32
      %dma_start3A_146 = tpu.memref_slice %arg4[%arg1, %dma_start3A_144, %dma_start3A_145] : memref<16x320x64xi32, #tpu.memory_space<hbm>> -> memref<1x80x64xi32, #tpu.memory_space<hbm>>
      %dma_start3A_147 = tpu.memref_squeeze %dma_start3A_146 : memref<1x80x64xi32, #tpu.memory_space<hbm>> -> memref<80x64xi32, #tpu.memory_space<hbm>>
      tpu.enqueue_dma source(%dma_start3A_147 : memref<80x64xi32, #tpu.memory_space<hbm>>) target(%arg8 : memref<80x64xi32, #tpu.memory_space<vmem>>) target_semaphore(%run_scoped3A : memref<!tpu.dma_semaphore, #tpu.memory_space<semaphore_mem>>)
      %dma_wait3A_148 = arith.constant 160 : i32
      %dma_wait3A_149 = arith.constant 0 : i32
      %dma_wait3A_150 = tpu.memref_slice %arg4[%arg1, %dma_wait3A_148, %dma_wait3A_149] : memref<16x320x64xi32, #tpu.memory_space<hbm>> -> memref<1x80x64xi32, #tpu.memory_space<hbm>>
      %dma_wait3A_151 = tpu.memref_squeeze %dma_wait3A_150 : memref<1x80x64xi32, #tpu.memory_space<hbm>> -> memref<80x64xi32, #tpu.memory_space<hbm>>
      %dma_wait3A_152 = arith.constant 160 : i32
      %dma_wait3A_153 = arith.constant 0 : i32
      %dma_wait3A_154 = tpu.memref_slice %arg4[%arg1, %dma_wait3A_152, %dma_wait3A_153] : memref<16x320x64xi32, #tpu.memory_space<hbm>> -> memref<1x80x64xi32, #tpu.memory_space<hbm>>
      %dma_wait3A_155 = tpu.memref_squeeze %dma_wait3A_154 : memref<1x80x64xi32, #tpu.memory_space<hbm>> -> memref<80x64xi32, #tpu.memory_space<hbm>>
      tpu.wait_dma2 semaphore(%run_scoped3A : memref<!tpu.dma_semaphore, #tpu.memory_space<semaphore_mem>>) src(%dma_wait3A_155 : memref<80x64xi32, #tpu.memory_space<hbm>>) dst(%arg8 : memref<80x64xi32, #tpu.memory_space<vmem>>)
      tpu.yield
    }) : () -> ()
    %dma_start3A_67 = arith.constant 0 : i32
    %dma_start3A_68 = arith.constant 0 : i32
    %dma_start3A_69 = tpu.memref_slice %arg7[%dma_start3A_67, %dma_start3A_68] : memref<80x64xi32, #tpu.memory_space<vmem>> -> memref<1x64xi32, #tpu.memory_space<vmem>>
    %dma_start3A_70 = tpu.memref_squeeze %dma_start3A_69 : memref<1x64xi32, #tpu.memory_space<vmem>> -> memref<64xi32, #tpu.memory_space<vmem>>
    %dma_start3A_71 = arith.constant 0 : i32
    %dma_start3A_72 = arith.constant 0 : i32
    %dma_start3A_73 = tpu.memref_slice %arg11[%dma_start3A_71, %dma_start3A_72] : memref<20224x64xf32, #tpu.memory_space<vmem_shared>> -> memref<20224x64xf32, #tpu.memory_space<vmem_shared>>
    tpu.enqueue_indirect_dma source(%dma_start3A_73 : memref<20224x64xf32, #tpu.memory_space<vmem_shared>>) target(%arg9 : memref<64x64xf32, #tpu.memory_space<vmem>>) offsets(%dma_start3A_70 : memref<64xi32, #tpu.memory_space<vmem>>) semaphore(%arg12 : memref<!tpu.dma_semaphore, #tpu.memory_space<semaphore_mem>>)
    %dma_start3A_74 = arith.constant 1 : i32
    %dma_start3A_75 = arith.constant 0 : i32
    %dma_start3A_76 = tpu.memref_slice %arg7[%dma_start3A_74, %dma_start3A_75] : memref<80x64xi32, #tpu.memory_space<vmem>> -> memref<1x64xi32, #tpu.memory_space<vmem>>
    %dma_start3A_77 = tpu.memref_squeeze %dma_start3A_76 : memref<1x64xi32, #tpu.memory_space<vmem>> -> memref<64xi32, #tpu.memory_space<vmem>>
    %dma_start3A_78 = arith.constant 0 : i32
    %dma_start3A_79 = arith.constant 0 : i32
    %dma_start3A_80 = tpu.memref_slice %arg11[%dma_start3A_78, %dma_start3A_79] : memref<20224x64xf32, #tpu.memory_space<vmem_shared>> -> memref<20224x64xf32, #tpu.memory_space<vmem_shared>>
    tpu.enqueue_indirect_dma source(%dma_start3A_80 : memref<20224x64xf32, #tpu.memory_space<vmem_shared>>) target(%arg10 : memref<64x64xf32, #tpu.memory_space<vmem>>) offsets(%dma_start3A_77 : memref<64xi32, #tpu.memory_space<vmem>>) semaphore(%arg13 : memref<!tpu.dma_semaphore, #tpu.memory_space<semaphore_mem>>)
    %scan3A_81 = arith.constant 0 : i32
    %scan3A_82 = arith.constant 0 : i32
    %scan3A_83 = arith.constant 40 : i32
    %scan3A_84 = arith.addi %scan3A_82, %scan3A_83 : i32
    %scan3A_85 = arith.constant 1 : i32
    scf.for %scan3A_140 = %scan3A_82 to %scan3A_84 step %scan3A_85  : i32 {
      %mul3A_141 = arith.constant 2 : i32
      %mul3A_142 = arith.muli %mul3A_141, %scan3A_140 : i32
      %add3A_143 = arith.constant 1 : i32
      %add3A_144 = arith.addi %mul3A_142, %add3A_143 : i32
      %dma_wait3A_145 = arith.constant 0 : i32
      %dma_wait3A_146 = tpu.memref_slice %arg7[%mul3A_142, %dma_wait3A_145] : memref<80x64xi32, #tpu.memory_space<vmem>> -> memref<1x64xi32, #tpu.memory_space<vmem>>
      %dma_wait3A_147 = tpu.memref_squeeze %dma_wait3A_146 : memref<1x64xi32, #tpu.memory_space<vmem>> -> memref<64xi32, #tpu.memory_space<vmem>>
      %dma_wait3A_148 = arith.constant 0 : i32
      %dma_wait3A_149 = arith.constant 0 : i32
      %dma_wait3A_150 = tpu.memref_slice %arg11[%dma_wait3A_148, %dma_wait3A_149] : memref<20224x64xf32, #tpu.memory_space<vmem_shared>> -> memref<20224x64xf32, #tpu.memory_space<vmem_shared>>
      tpu.wait_indirect_dma semaphore(%arg12 : memref<!tpu.dma_semaphore, #tpu.memory_space<semaphore_mem>>) src(%dma_wait3A_150 : memref<20224x64xf32, #tpu.memory_space<vmem_shared>>) dst(%arg9 : memref<64x64xf32, #tpu.memory_space<vmem>>)
      %dma_start3A_151 = arith.constant 0 : i32
      %dma_start3A_152 = tpu.memref_slice %arg8[%mul3A_142, %dma_start3A_151] : memref<80x64xi32, #tpu.memory_space<vmem>> -> memref<1x64xi32, #tpu.memory_space<vmem>>
      %dma_start3A_153 = tpu.memref_squeeze %dma_start3A_152 : memref<1x64xi32, #tpu.memory_space<vmem>> -> memref<64xi32, #tpu.memory_space<vmem>>
      %dma_start3A_154 = arith.constant 0 : i32
      %dma_start3A_155 = arith.constant 0 : i32
      %dma_start3A_156 = tpu.memref_slice %arg11[%dma_start3A_154, %dma_start3A_155] : memref<20224x64xf32, #tpu.memory_space<vmem_shared>> -> memref<20224x64xf32, #tpu.memory_space<vmem_shared>>
      tpu.enqueue_indirect_dma source(%arg9 : memref<64x64xf32, #tpu.memory_space<vmem>>) target(%dma_start3A_156 : memref<20224x64xf32, #tpu.memory_space<vmem_shared>>) offsets(%dma_start3A_153 : memref<64xi32, #tpu.memory_space<vmem>>) semaphore(%arg14 : memref<!tpu.dma_semaphore, #tpu.memory_space<semaphore_mem>>) {add = true}
      %dma_wait3A_157 = arith.constant 0 : i32
      %dma_wait3A_158 = tpu.memref_slice %arg8[%mul3A_142, %dma_wait3A_157] : memref<80x64xi32, #tpu.memory_space<vmem>> -> memref<1x64xi32, #tpu.memory_space<vmem>>
      %dma_wait3A_159 = tpu.memref_squeeze %dma_wait3A_158 : memref<1x64xi32, #tpu.memory_space<vmem>> -> memref<64xi32, #tpu.memory_space<vmem>>
      %dma_wait3A_160 = arith.constant 0 : i32
      %dma_wait3A_161 = arith.constant 0 : i32
      %dma_wait3A_162 = tpu.memref_slice %arg11[%dma_wait3A_160, %dma_wait3A_161] : memref<20224x64xf32, #tpu.memory_space<vmem_shared>> -> memref<20224x64xf32, #tpu.memory_space<vmem_shared>>
      tpu.wait_indirect_dma semaphore(%arg14 : memref<!tpu.dma_semaphore, #tpu.memory_space<semaphore_mem>>) src(%arg9 : memref<64x64xf32, #tpu.memory_space<vmem>>) dst(%dma_wait3A_162 : memref<20224x64xf32, #tpu.memory_space<vmem_shared>>)
      %add3A_163 = arith.constant 2 : i32
      %add3A_164 = arith.addi %mul3A_142, %add3A_163 : i32
      %min3A = arith.constant 79 : i32
      %min3A_165 = arith.minsi %add3A_164, %min3A : i32
      %dma_start3A_166 = arith.constant 0 : i32
      %dma_start3A_167 = tpu.memref_slice %arg7[%min3A_165, %dma_start3A_166] : memref<80x64xi32, #tpu.memory_space<vmem>> -> memref<1x64xi32, #tpu.memory_space<vmem>>
      %dma_start3A_168 = tpu.memref_squeeze %dma_start3A_167 : memref<1x64xi32, #tpu.memory_space<vmem>> -> memref<64xi32, #tpu.memory_space<vmem>>
      %dma_start3A_169 = arith.constant 0 : i32
      %dma_start3A_170 = arith.constant 0 : i32
      %dma_start3A_171 = tpu.memref_slice %arg11[%dma_start3A_169, %dma_start3A_170] : memref<20224x64xf32, #tpu.memory_space<vmem_shared>> -> memref<20224x64xf32, #tpu.memory_space<vmem_shared>>
      tpu.enqueue_indirect_dma source(%dma_start3A_171 : memref<20224x64xf32, #tpu.memory_space<vmem_shared>>) target(%arg9 : memref<64x64xf32, #tpu.memory_space<vmem>>) offsets(%dma_start3A_168 : memref<64xi32, #tpu.memory_space<vmem>>) semaphore(%arg12 : memref<!tpu.dma_semaphore, #tpu.memory_space<semaphore_mem>>)
      %dma_wait3A_172 = arith.constant 0 : i32
      %dma_wait3A_173 = tpu.memref_slice %arg7[%add3A_144, %dma_wait3A_172] : memref<80x64xi32, #tpu.memory_space<vmem>> -> memref<1x64xi32, #tpu.memory_space<vmem>>
      %dma_wait3A_174 = tpu.memref_squeeze %dma_wait3A_173 : memref<1x64xi32, #tpu.memory_space<vmem>> -> memref<64xi32, #tpu.memory_space<vmem>>
      %dma_wait3A_175 = arith.constant 0 : i32
      %dma_wait3A_176 = arith.constant 0 : i32
      %dma_wait3A_177 = tpu.memref_slice %arg11[%dma_wait3A_175, %dma_wait3A_176] : memref<20224x64xf32, #tpu.memory_space<vmem_shared>> -> memref<20224x64xf32, #tpu.memory_space<vmem_shared>>
      tpu.wait_indirect_dma semaphore(%arg13 : memref<!tpu.dma_semaphore, #tpu.memory_space<semaphore_mem>>) src(%dma_wait3A_177 : memref<20224x64xf32, #tpu.memory_space<vmem_shared>>) dst(%arg10 : memref<64x64xf32, #tpu.memory_space<vmem>>)
      %dma_start3A_178 = arith.constant 0 : i32
      %dma_start3A_179 = tpu.memref_slice %arg8[%add3A_144, %dma_start3A_178] : memref<80x64xi32, #tpu.memory_space<vmem>> -> memref<1x64xi32, #tpu.memory_space<vmem>>
      %dma_start3A_180 = tpu.memref_squeeze %dma_start3A_179 : memref<1x64xi32, #tpu.memory_space<vmem>> -> memref<64xi32, #tpu.memory_space<vmem>>
      %dma_start3A_181 = arith.constant 0 : i32
      %dma_start3A_182 = arith.constant 0 : i32
      %dma_start3A_183 = tpu.memref_slice %arg11[%dma_start3A_181, %dma_start3A_182] : memref<20224x64xf32, #tpu.memory_space<vmem_shared>> -> memref<20224x64xf32, #tpu.memory_space<vmem_shared>>
      tpu.enqueue_indirect_dma source(%arg10 : memref<64x64xf32, #tpu.memory_space<vmem>>) target(%dma_start3A_183 : memref<20224x64xf32, #tpu.memory_space<vmem_shared>>) offsets(%dma_start3A_180 : memref<64xi32, #tpu.memory_space<vmem>>) semaphore(%arg15 : memref<!tpu.dma_semaphore, #tpu.memory_space<semaphore_mem>>) {add = true}
      %dma_wait3A_184 = arith.constant 0 : i32
      %dma_wait3A_185 = tpu.memref_slice %arg8[%add3A_144, %dma_wait3A_184] : memref<80x64xi32, #tpu.memory_space<vmem>> -> memref<1x64xi32, #tpu.memory_space<vmem>>
      %dma_wait3A_186 = tpu.memref_squeeze %dma_wait3A_185 : memref<1x64xi32, #tpu.memory_space<vmem>> -> memref<64xi32, #tpu.memory_space<vmem>>
      %dma_wait3A_187 = arith.constant 0 : i32
      %dma_wait3A_188 = arith.constant 0 : i32
      %dma_wait3A_189 = tpu.memref_slice %arg11[%dma_wait3A_187, %dma_wait3A_188] : memref<20224x64xf32, #tpu.memory_space<vmem_shared>> -> memref<20224x64xf32, #tpu.memory_space<vmem_shared>>
      tpu.wait_indirect_dma semaphore(%arg15 : memref<!tpu.dma_semaphore, #tpu.memory_space<semaphore_mem>>) src(%arg10 : memref<64x64xf32, #tpu.memory_space<vmem>>) dst(%dma_wait3A_189 : memref<20224x64xf32, #tpu.memory_space<vmem_shared>>)
      %add3A_190 = arith.constant 2 : i32
      %add3A_191 = arith.addi %add3A_144, %add3A_190 : i32
      %min3A_192 = arith.constant 79 : i32
      %min3A_193 = arith.minsi %add3A_191, %min3A_192 : i32
      %dma_start3A_194 = arith.constant 0 : i32
      %dma_start3A_195 = tpu.memref_slice %arg7[%min3A_193, %dma_start3A_194] : memref<80x64xi32, #tpu.memory_space<vmem>> -> memref<1x64xi32, #tpu.memory_space<vmem>>
      %dma_start3A_196 = tpu.memref_squeeze %dma_start3A_195 : memref<1x64xi32, #tpu.memory_space<vmem>> -> memref<64xi32, #tpu.memory_space<vmem>>
      %dma_start3A_197 = arith.constant 0 : i32
      %dma_start3A_198 = arith.constant 0 : i32
      %dma_start3A_199 = tpu.memref_slice %arg11[%dma_start3A_197, %dma_start3A_198] : memref<20224x64xf32, #tpu.memory_space<vmem_shared>> -> memref<20224x64xf32, #tpu.memory_space<vmem_shared>>
      tpu.enqueue_indirect_dma source(%dma_start3A_199 : memref<20224x64xf32, #tpu.memory_space<vmem_shared>>) target(%arg10 : memref<64x64xf32, #tpu.memory_space<vmem>>) offsets(%dma_start3A_196 : memref<64xi32, #tpu.memory_space<vmem>>) semaphore(%arg13 : memref<!tpu.dma_semaphore, #tpu.memory_space<semaphore_mem>>)
    }
    %scan3A_86 = arith.constant 40 : i32
    %dma_wait3A_87 = arith.constant 79 : i32
    %dma_wait3A_88 = arith.constant 0 : i32
    %dma_wait3A_89 = tpu.memref_slice %arg7[%dma_wait3A_87, %dma_wait3A_88] : memref<80x64xi32, #tpu.memory_space<vmem>> -> memref<1x64xi32, #tpu.memory_space<vmem>>
    %dma_wait3A_90 = tpu.memref_squeeze %dma_wait3A_89 : memref<1x64xi32, #tpu.memory_space<vmem>> -> memref<64xi32, #tpu.memory_space<vmem>>
    %dma_wait3A_91 = arith.constant 0 : i32
    %dma_wait3A_92 = arith.constant 0 : i32
    %dma_wait3A_93 = tpu.memref_slice %arg11[%dma_wait3A_91, %dma_wait3A_92] : memref<20224x64xf32, #tpu.memory_space<vmem_shared>> -> memref<20224x64xf32, #tpu.memory_space<vmem_shared>>
    tpu.wait_indirect_dma semaphore(%arg12 : memref<!tpu.dma_semaphore, #tpu.memory_space<semaphore_mem>>) src(%dma_wait3A_93 : memref<20224x64xf32, #tpu.memory_space<vmem_shared>>) dst(%arg9 : memref<64x64xf32, #tpu.memory_space<vmem>>)
    %dma_wait3A_94 = arith.constant 79 : i32
    %dma_wait3A_95 = arith.constant 0 : i32
    %dma_wait3A_96 = tpu.memref_slice %arg7[%dma_wait3A_94, %dma_wait3A_95] : memref<80x64xi32, #tpu.memory_space<vmem>> -> memref<1x64xi32, #tpu.memory_space<vmem>>
    %dma_wait3A_97 = tpu.memref_squeeze %dma_wait3A_96 : memref<1x64xi32, #tpu.memory_space<vmem>> -> memref<64xi32, #tpu.memory_space<vmem>>
    %dma_wait3A_98 = arith.constant 0 : i32
    %dma_wait3A_99 = arith.constant 0 : i32
    %dma_wait3A_100 = tpu.memref_slice %arg11[%dma_wait3A_98, %dma_wait3A_99] : memref<20224x64xf32, #tpu.memory_space<vmem_shared>> -> memref<20224x64xf32, #tpu.memory_space<vmem_shared>>
    tpu.wait_indirect_dma semaphore(%arg13 : memref<!tpu.dma_semaphore, #tpu.memory_space<semaphore_mem>>) src(%dma_wait3A_100 : memref<20224x64xf32, #tpu.memory_space<vmem_shared>>) dst(%arg10 : memref<64x64xf32, #tpu.memory_space<vmem>>)
    "tpu.region"() ({
      %run_scoped3A = tpu.sem_alloc : memref<!tpu.dma_semaphore, #tpu.memory_space<semaphore_mem>>
      %dma_start3A_140 = arith.constant 240 : i32
      %dma_start3A_141 = arith.constant 0 : i32
      %dma_start3A_142 = tpu.memref_slice %arg3[%arg1, %dma_start3A_140, %dma_start3A_141] : memref<16x320x64xi32, #tpu.memory_space<hbm>> -> memref<1x80x64xi32, #tpu.memory_space<hbm>>
      %dma_start3A_143 = tpu.memref_squeeze %dma_start3A_142 : memref<1x80x64xi32, #tpu.memory_space<hbm>> -> memref<80x64xi32, #tpu.memory_space<hbm>>
      %dma_start3A_144 = arith.constant 240 : i32
      %dma_start3A_145 = arith.constant 0 : i32
      %dma_start3A_146 = tpu.memref_slice %arg3[%arg1, %dma_start3A_144, %dma_start3A_145] : memref<16x320x64xi32, #tpu.memory_space<hbm>> -> memref<1x80x64xi32, #tpu.memory_space<hbm>>
      %dma_start3A_147 = tpu.memref_squeeze %dma_start3A_146 : memref<1x80x64xi32, #tpu.memory_space<hbm>> -> memref<80x64xi32, #tpu.memory_space<hbm>>
      tpu.enqueue_dma source(%dma_start3A_147 : memref<80x64xi32, #tpu.memory_space<hbm>>) target(%arg7 : memref<80x64xi32, #tpu.memory_space<vmem>>) target_semaphore(%run_scoped3A : memref<!tpu.dma_semaphore, #tpu.memory_space<semaphore_mem>>)
      %dma_wait3A_148 = arith.constant 240 : i32
      %dma_wait3A_149 = arith.constant 0 : i32
      %dma_wait3A_150 = tpu.memref_slice %arg3[%arg1, %dma_wait3A_148, %dma_wait3A_149] : memref<16x320x64xi32, #tpu.memory_space<hbm>> -> memref<1x80x64xi32, #tpu.memory_space<hbm>>
      %dma_wait3A_151 = tpu.memref_squeeze %dma_wait3A_150 : memref<1x80x64xi32, #tpu.memory_space<hbm>> -> memref<80x64xi32, #tpu.memory_space<hbm>>
      %dma_wait3A_152 = arith.constant 240 : i32
      %dma_wait3A_153 = arith.constant 0 : i32
      %dma_wait3A_154 = tpu.memref_slice %arg3[%arg1, %dma_wait3A_152, %dma_wait3A_153] : memref<16x320x64xi32, #tpu.memory_space<hbm>> -> memref<1x80x64xi32, #tpu.memory_space<hbm>>
      %dma_wait3A_155 = tpu.memref_squeeze %dma_wait3A_154 : memref<1x80x64xi32, #tpu.memory_space<hbm>> -> memref<80x64xi32, #tpu.memory_space<hbm>>
      tpu.wait_dma2 semaphore(%run_scoped3A : memref<!tpu.dma_semaphore, #tpu.memory_space<semaphore_mem>>) src(%dma_wait3A_155 : memref<80x64xi32, #tpu.memory_space<hbm>>) dst(%arg7 : memref<80x64xi32, #tpu.memory_space<vmem>>)
      tpu.yield
    }) : () -> ()
    "tpu.region"() ({
      %run_scoped3A = tpu.sem_alloc : memref<!tpu.dma_semaphore, #tpu.memory_space<semaphore_mem>>
      %dma_start3A_140 = arith.constant 240 : i32
      %dma_start3A_141 = arith.constant 0 : i32
      %dma_start3A_142 = tpu.memref_slice %arg4[%arg1, %dma_start3A_140, %dma_start3A_141] : memref<16x320x64xi32, #tpu.memory_space<hbm>> -> memref<1x80x64xi32, #tpu.memory_space<hbm>>
      %dma_start3A_143 = tpu.memref_squeeze %dma_start3A_142 : memref<1x80x64xi32, #tpu.memory_space<hbm>> -> memref<80x64xi32, #tpu.memory_space<hbm>>
      %dma_start3A_144 = arith.constant 240 : i32
      %dma_start3A_145 = arith.constant 0 : i32
      %dma_start3A_146 = tpu.memref_slice %arg4[%arg1, %dma_start3A_144, %dma_start3A_145] : memref<16x320x64xi32, #tpu.memory_space<hbm>> -> memref<1x80x64xi32, #tpu.memory_space<hbm>>
      %dma_start3A_147 = tpu.memref_squeeze %dma_start3A_146 : memref<1x80x64xi32, #tpu.memory_space<hbm>> -> memref<80x64xi32, #tpu.memory_space<hbm>>
      tpu.enqueue_dma source(%dma_start3A_147 : memref<80x64xi32, #tpu.memory_space<hbm>>) target(%arg8 : memref<80x64xi32, #tpu.memory_space<vmem>>) target_semaphore(%run_scoped3A : memref<!tpu.dma_semaphore, #tpu.memory_space<semaphore_mem>>)
      %dma_wait3A_148 = arith.constant 240 : i32
      %dma_wait3A_149 = arith.constant 0 : i32
      %dma_wait3A_150 = tpu.memref_slice %arg4[%arg1, %dma_wait3A_148, %dma_wait3A_149] : memref<16x320x64xi32, #tpu.memory_space<hbm>> -> memref<1x80x64xi32, #tpu.memory_space<hbm>>
      %dma_wait3A_151 = tpu.memref_squeeze %dma_wait3A_150 : memref<1x80x64xi32, #tpu.memory_space<hbm>> -> memref<80x64xi32, #tpu.memory_space<hbm>>
      %dma_wait3A_152 = arith.constant 240 : i32
      %dma_wait3A_153 = arith.constant 0 : i32
      %dma_wait3A_154 = tpu.memref_slice %arg4[%arg1, %dma_wait3A_152, %dma_wait3A_153] : memref<16x320x64xi32, #tpu.memory_space<hbm>> -> memref<1x80x64xi32, #tpu.memory_space<hbm>>
      %dma_wait3A_155 = tpu.memref_squeeze %dma_wait3A_154 : memref<1x80x64xi32, #tpu.memory_space<hbm>> -> memref<80x64xi32, #tpu.memory_space<hbm>>
      tpu.wait_dma2 semaphore(%run_scoped3A : memref<!tpu.dma_semaphore, #tpu.memory_space<semaphore_mem>>) src(%dma_wait3A_155 : memref<80x64xi32, #tpu.memory_space<hbm>>) dst(%arg8 : memref<80x64xi32, #tpu.memory_space<vmem>>)
      tpu.yield
    }) : () -> ()
    %dma_start3A_101 = arith.constant 0 : i32
    %dma_start3A_102 = arith.constant 0 : i32
    %dma_start3A_103 = tpu.memref_slice %arg7[%dma_start3A_101, %dma_start3A_102] : memref<80x64xi32, #tpu.memory_space<vmem>> -> memref<1x64xi32, #tpu.memory_space<vmem>>
    %dma_start3A_104 = tpu.memref_squeeze %dma_start3A_103 : memref<1x64xi32, #tpu.memory_space<vmem>> -> memref<64xi32, #tpu.memory_space<vmem>>
    %dma_start3A_105 = arith.constant 0 : i32
    %dma_start3A_106 = arith.constant 0 : i32
    %dma_start3A_107 = tpu.memref_slice %arg11[%dma_start3A_105, %dma_start3A_106] : memref<20224x64xf32, #tpu.memory_space<vmem_shared>> -> memref<20224x64xf32, #tpu.memory_space<vmem_shared>>
    tpu.enqueue_indirect_dma source(%dma_start3A_107 : memref<20224x64xf32, #tpu.memory_space<vmem_shared>>) target(%arg9 : memref<64x64xf32, #tpu.memory_space<vmem>>) offsets(%dma_start3A_104 : memref<64xi32, #tpu.memory_space<vmem>>) semaphore(%arg12 : memref<!tpu.dma_semaphore, #tpu.memory_space<semaphore_mem>>)
    %dma_start3A_108 = arith.constant 1 : i32
    %dma_start3A_109 = arith.constant 0 : i32
    %dma_start3A_110 = tpu.memref_slice %arg7[%dma_start3A_108, %dma_start3A_109] : memref<80x64xi32, #tpu.memory_space<vmem>> -> memref<1x64xi32, #tpu.memory_space<vmem>>
    %dma_start3A_111 = tpu.memref_squeeze %dma_start3A_110 : memref<1x64xi32, #tpu.memory_space<vmem>> -> memref<64xi32, #tpu.memory_space<vmem>>
    %dma_start3A_112 = arith.constant 0 : i32
    %dma_start3A_113 = arith.constant 0 : i32
    %dma_start3A_114 = tpu.memref_slice %arg11[%dma_start3A_112, %dma_start3A_113] : memref<20224x64xf32, #tpu.memory_space<vmem_shared>> -> memref<20224x64xf32, #tpu.memory_space<vmem_shared>>
    tpu.enqueue_indirect_dma source(%dma_start3A_114 : memref<20224x64xf32, #tpu.memory_space<vmem_shared>>) target(%arg10 : memref<64x64xf32, #tpu.memory_space<vmem>>) offsets(%dma_start3A_111 : memref<64xi32, #tpu.memory_space<vmem>>) semaphore(%arg13 : memref<!tpu.dma_semaphore, #tpu.memory_space<semaphore_mem>>)
    %scan3A_115 = arith.constant 0 : i32
    %scan3A_116 = arith.constant 0 : i32
    %scan3A_117 = arith.constant 40 : i32
    %scan3A_118 = arith.addi %scan3A_116, %scan3A_117 : i32
    %scan3A_119 = arith.constant 1 : i32
    scf.for %scan3A_140 = %scan3A_116 to %scan3A_118 step %scan3A_119  : i32 {
      %mul3A_141 = arith.constant 2 : i32
      %mul3A_142 = arith.muli %mul3A_141, %scan3A_140 : i32
      %add3A_143 = arith.constant 1 : i32
      %add3A_144 = arith.addi %mul3A_142, %add3A_143 : i32
      %dma_wait3A_145 = arith.constant 0 : i32
      %dma_wait3A_146 = tpu.memref_slice %arg7[%mul3A_142, %dma_wait3A_145] : memref<80x64xi32, #tpu.memory_space<vmem>> -> memref<1x64xi32, #tpu.memory_space<vmem>>
      %dma_wait3A_147 = tpu.memref_squeeze %dma_wait3A_146 : memref<1x64xi32, #tpu.memory_space<vmem>> -> memref<64xi32, #tpu.memory_space<vmem>>
      %dma_wait3A_148 = arith.constant 0 : i32
      %dma_wait3A_149 = arith.constant 0 : i32
      %dma_wait3A_150 = tpu.memref_slice %arg11[%dma_wait3A_148, %dma_wait3A_149] : memref<20224x64xf32, #tpu.memory_space<vmem_shared>> -> memref<20224x64xf32, #tpu.memory_space<vmem_shared>>
      tpu.wait_indirect_dma semaphore(%arg12 : memref<!tpu.dma_semaphore, #tpu.memory_space<semaphore_mem>>) src(%dma_wait3A_150 : memref<20224x64xf32, #tpu.memory_space<vmem_shared>>) dst(%arg9 : memref<64x64xf32, #tpu.memory_space<vmem>>)
      %dma_start3A_151 = arith.constant 0 : i32
      %dma_start3A_152 = tpu.memref_slice %arg8[%mul3A_142, %dma_start3A_151] : memref<80x64xi32, #tpu.memory_space<vmem>> -> memref<1x64xi32, #tpu.memory_space<vmem>>
      %dma_start3A_153 = tpu.memref_squeeze %dma_start3A_152 : memref<1x64xi32, #tpu.memory_space<vmem>> -> memref<64xi32, #tpu.memory_space<vmem>>
      %dma_start3A_154 = arith.constant 0 : i32
      %dma_start3A_155 = arith.constant 0 : i32
      %dma_start3A_156 = tpu.memref_slice %arg11[%dma_start3A_154, %dma_start3A_155] : memref<20224x64xf32, #tpu.memory_space<vmem_shared>> -> memref<20224x64xf32, #tpu.memory_space<vmem_shared>>
      tpu.enqueue_indirect_dma source(%arg9 : memref<64x64xf32, #tpu.memory_space<vmem>>) target(%dma_start3A_156 : memref<20224x64xf32, #tpu.memory_space<vmem_shared>>) offsets(%dma_start3A_153 : memref<64xi32, #tpu.memory_space<vmem>>) semaphore(%arg14 : memref<!tpu.dma_semaphore, #tpu.memory_space<semaphore_mem>>) {add = true}
      %dma_wait3A_157 = arith.constant 0 : i32
      %dma_wait3A_158 = tpu.memref_slice %arg8[%mul3A_142, %dma_wait3A_157] : memref<80x64xi32, #tpu.memory_space<vmem>> -> memref<1x64xi32, #tpu.memory_space<vmem>>
      %dma_wait3A_159 = tpu.memref_squeeze %dma_wait3A_158 : memref<1x64xi32, #tpu.memory_space<vmem>> -> memref<64xi32, #tpu.memory_space<vmem>>
      %dma_wait3A_160 = arith.constant 0 : i32
      %dma_wait3A_161 = arith.constant 0 : i32
      %dma_wait3A_162 = tpu.memref_slice %arg11[%dma_wait3A_160, %dma_wait3A_161] : memref<20224x64xf32, #tpu.memory_space<vmem_shared>> -> memref<20224x64xf32, #tpu.memory_space<vmem_shared>>
      tpu.wait_indirect_dma semaphore(%arg14 : memref<!tpu.dma_semaphore, #tpu.memory_space<semaphore_mem>>) src(%arg9 : memref<64x64xf32, #tpu.memory_space<vmem>>) dst(%dma_wait3A_162 : memref<20224x64xf32, #tpu.memory_space<vmem_shared>>)
      %add3A_163 = arith.constant 2 : i32
      %add3A_164 = arith.addi %mul3A_142, %add3A_163 : i32
      %min3A = arith.constant 79 : i32
      %min3A_165 = arith.minsi %add3A_164, %min3A : i32
      %dma_start3A_166 = arith.constant 0 : i32
      %dma_start3A_167 = tpu.memref_slice %arg7[%min3A_165, %dma_start3A_166] : memref<80x64xi32, #tpu.memory_space<vmem>> -> memref<1x64xi32, #tpu.memory_space<vmem>>
      %dma_start3A_168 = tpu.memref_squeeze %dma_start3A_167 : memref<1x64xi32, #tpu.memory_space<vmem>> -> memref<64xi32, #tpu.memory_space<vmem>>
      %dma_start3A_169 = arith.constant 0 : i32
      %dma_start3A_170 = arith.constant 0 : i32
      %dma_start3A_171 = tpu.memref_slice %arg11[%dma_start3A_169, %dma_start3A_170] : memref<20224x64xf32, #tpu.memory_space<vmem_shared>> -> memref<20224x64xf32, #tpu.memory_space<vmem_shared>>
      tpu.enqueue_indirect_dma source(%dma_start3A_171 : memref<20224x64xf32, #tpu.memory_space<vmem_shared>>) target(%arg9 : memref<64x64xf32, #tpu.memory_space<vmem>>) offsets(%dma_start3A_168 : memref<64xi32, #tpu.memory_space<vmem>>) semaphore(%arg12 : memref<!tpu.dma_semaphore, #tpu.memory_space<semaphore_mem>>)
      %dma_wait3A_172 = arith.constant 0 : i32
      %dma_wait3A_173 = tpu.memref_slice %arg7[%add3A_144, %dma_wait3A_172] : memref<80x64xi32, #tpu.memory_space<vmem>> -> memref<1x64xi32, #tpu.memory_space<vmem>>
      %dma_wait3A_174 = tpu.memref_squeeze %dma_wait3A_173 : memref<1x64xi32, #tpu.memory_space<vmem>> -> memref<64xi32, #tpu.memory_space<vmem>>
      %dma_wait3A_175 = arith.constant 0 : i32
      %dma_wait3A_176 = arith.constant 0 : i32
      %dma_wait3A_177 = tpu.memref_slice %arg11[%dma_wait3A_175, %dma_wait3A_176] : memref<20224x64xf32, #tpu.memory_space<vmem_shared>> -> memref<20224x64xf32, #tpu.memory_space<vmem_shared>>
      tpu.wait_indirect_dma semaphore(%arg13 : memref<!tpu.dma_semaphore, #tpu.memory_space<semaphore_mem>>) src(%dma_wait3A_177 : memref<20224x64xf32, #tpu.memory_space<vmem_shared>>) dst(%arg10 : memref<64x64xf32, #tpu.memory_space<vmem>>)
      %dma_start3A_178 = arith.constant 0 : i32
      %dma_start3A_179 = tpu.memref_slice %arg8[%add3A_144, %dma_start3A_178] : memref<80x64xi32, #tpu.memory_space<vmem>> -> memref<1x64xi32, #tpu.memory_space<vmem>>
      %dma_start3A_180 = tpu.memref_squeeze %dma_start3A_179 : memref<1x64xi32, #tpu.memory_space<vmem>> -> memref<64xi32, #tpu.memory_space<vmem>>
      %dma_start3A_181 = arith.constant 0 : i32
      %dma_start3A_182 = arith.constant 0 : i32
      %dma_start3A_183 = tpu.memref_slice %arg11[%dma_start3A_181, %dma_start3A_182] : memref<20224x64xf32, #tpu.memory_space<vmem_shared>> -> memref<20224x64xf32, #tpu.memory_space<vmem_shared>>
      tpu.enqueue_indirect_dma source(%arg10 : memref<64x64xf32, #tpu.memory_space<vmem>>) target(%dma_start3A_183 : memref<20224x64xf32, #tpu.memory_space<vmem_shared>>) offsets(%dma_start3A_180 : memref<64xi32, #tpu.memory_space<vmem>>) semaphore(%arg15 : memref<!tpu.dma_semaphore, #tpu.memory_space<semaphore_mem>>) {add = true}
      %dma_wait3A_184 = arith.constant 0 : i32
      %dma_wait3A_185 = tpu.memref_slice %arg8[%add3A_144, %dma_wait3A_184] : memref<80x64xi32, #tpu.memory_space<vmem>> -> memref<1x64xi32, #tpu.memory_space<vmem>>
      %dma_wait3A_186 = tpu.memref_squeeze %dma_wait3A_185 : memref<1x64xi32, #tpu.memory_space<vmem>> -> memref<64xi32, #tpu.memory_space<vmem>>
      %dma_wait3A_187 = arith.constant 0 : i32
      %dma_wait3A_188 = arith.constant 0 : i32
      %dma_wait3A_189 = tpu.memref_slice %arg11[%dma_wait3A_187, %dma_wait3A_188] : memref<20224x64xf32, #tpu.memory_space<vmem_shared>> -> memref<20224x64xf32, #tpu.memory_space<vmem_shared>>
      tpu.wait_indirect_dma semaphore(%arg15 : memref<!tpu.dma_semaphore, #tpu.memory_space<semaphore_mem>>) src(%arg10 : memref<64x64xf32, #tpu.memory_space<vmem>>) dst(%dma_wait3A_189 : memref<20224x64xf32, #tpu.memory_space<vmem_shared>>)
      %add3A_190 = arith.constant 2 : i32
      %add3A_191 = arith.addi %add3A_144, %add3A_190 : i32
      %min3A_192 = arith.constant 79 : i32
      %min3A_193 = arith.minsi %add3A_191, %min3A_192 : i32
      %dma_start3A_194 = arith.constant 0 : i32
      %dma_start3A_195 = tpu.memref_slice %arg7[%min3A_193, %dma_start3A_194] : memref<80x64xi32, #tpu.memory_space<vmem>> -> memref<1x64xi32, #tpu.memory_space<vmem>>
      %dma_start3A_196 = tpu.memref_squeeze %dma_start3A_195 : memref<1x64xi32, #tpu.memory_space<vmem>> -> memref<64xi32, #tpu.memory_space<vmem>>
      %dma_start3A_197 = arith.constant 0 : i32
      %dma_start3A_198 = arith.constant 0 : i32
      %dma_start3A_199 = tpu.memref_slice %arg11[%dma_start3A_197, %dma_start3A_198] : memref<20224x64xf32, #tpu.memory_space<vmem_shared>> -> memref<20224x64xf32, #tpu.memory_space<vmem_shared>>
      tpu.enqueue_indirect_dma source(%dma_start3A_199 : memref<20224x64xf32, #tpu.memory_space<vmem_shared>>) target(%arg10 : memref<64x64xf32, #tpu.memory_space<vmem>>) offsets(%dma_start3A_196 : memref<64xi32, #tpu.memory_space<vmem>>) semaphore(%arg13 : memref<!tpu.dma_semaphore, #tpu.memory_space<semaphore_mem>>)
    }
    %scan3A_120 = arith.constant 40 : i32
    %dma_wait3A_121 = arith.constant 79 : i32
    %dma_wait3A_122 = arith.constant 0 : i32
    %dma_wait3A_123 = tpu.memref_slice %arg7[%dma_wait3A_121, %dma_wait3A_122] : memref<80x64xi32, #tpu.memory_space<vmem>> -> memref<1x64xi32, #tpu.memory_space<vmem>>
    %dma_wait3A_124 = tpu.memref_squeeze %dma_wait3A_123 : memref<1x64xi32, #tpu.memory_space<vmem>> -> memref<64xi32, #tpu.memory_space<vmem>>
    %dma_wait3A_125 = arith.constant 0 : i32
    %dma_wait3A_126 = arith.constant 0 : i32
    %dma_wait3A_127 = tpu.memref_slice %arg11[%dma_wait3A_125, %dma_wait3A_126] : memref<20224x64xf32, #tpu.memory_space<vmem_shared>> -> memref<20224x64xf32, #tpu.memory_space<vmem_shared>>
    tpu.wait_indirect_dma semaphore(%arg12 : memref<!tpu.dma_semaphore, #tpu.memory_space<semaphore_mem>>) src(%dma_wait3A_127 : memref<20224x64xf32, #tpu.memory_space<vmem_shared>>) dst(%arg9 : memref<64x64xf32, #tpu.memory_space<vmem>>)
    %dma_wait3A_128 = arith.constant 79 : i32
    %dma_wait3A_129 = arith.constant 0 : i32
    %dma_wait3A_130 = tpu.memref_slice %arg7[%dma_wait3A_128, %dma_wait3A_129] : memref<80x64xi32, #tpu.memory_space<vmem>> -> memref<1x64xi32, #tpu.memory_space<vmem>>
    %dma_wait3A_131 = tpu.memref_squeeze %dma_wait3A_130 : memref<1x64xi32, #tpu.memory_space<vmem>> -> memref<64xi32, #tpu.memory_space<vmem>>
    %dma_wait3A_132 = arith.constant 0 : i32
    %dma_wait3A_133 = arith.constant 0 : i32
    %dma_wait3A_134 = tpu.memref_slice %arg11[%dma_wait3A_132, %dma_wait3A_133] : memref<20224x64xf32, #tpu.memory_space<vmem_shared>> -> memref<20224x64xf32, #tpu.memory_space<vmem_shared>>
    tpu.wait_indirect_dma semaphore(%arg13 : memref<!tpu.dma_semaphore, #tpu.memory_space<semaphore_mem>>) src(%dma_wait3A_134 : memref<20224x64xf32, #tpu.memory_space<vmem_shared>>) dst(%arg10 : memref<64x64xf32, #tpu.memory_space<vmem>>)
    %barrier3A_135 = arith.constant 0 : index
    tpu.barrier barrier_id(%barrier3A_135)
    %add3A_136 = arith.constant 10112 : i32
    %add3A_137 = arith.addi %add3A_136, %mul3A_0 : i32
    %mul3A_138 = arith.constant 64 : i32
    %mul3A_139 = arith.muli %arg0, %mul3A_138 : i32
    "tpu.region"() ({
      %run_scoped3A = tpu.sem_alloc : memref<!tpu.dma_semaphore, #tpu.memory_space<semaphore_mem>>
      %dma_start3A_140 = tpu.memref_slice %arg6[%mul3A_0, %mul3A_139] : memref<10112x128xf32, #tpu.memory_space<hbm>> -> memref<632x64xf32, #tpu.memory_space<hbm>>
      %dma_start3A_141 = arith.constant 0 : i32
      %dma_start3A_142 = tpu.memref_slice %arg11[%add3A_137, %dma_start3A_141] : memref<20224x64xf32, #tpu.memory_space<vmem_shared>> -> memref<632x64xf32, #tpu.memory_space<vmem_shared>>
      tpu.enqueue_dma source(%dma_start3A_142 : memref<632x64xf32, #tpu.memory_space<vmem_shared>>) target(%dma_start3A_140 : memref<632x64xf32, #tpu.memory_space<hbm>>) target_semaphore(%run_scoped3A : memref<!tpu.dma_semaphore, #tpu.memory_space<semaphore_mem>>)
      %dma_wait3A_143 = tpu.memref_slice %arg6[%mul3A_0, %mul3A_139] : memref<10112x128xf32, #tpu.memory_space<hbm>> -> memref<632x64xf32, #tpu.memory_space<hbm>>
      %dma_wait3A_144 = arith.constant 0 : i32
      %dma_wait3A_145 = tpu.memref_slice %arg11[%add3A_137, %dma_wait3A_144] : memref<20224x64xf32, #tpu.memory_space<vmem_shared>> -> memref<632x64xf32, #tpu.memory_space<vmem_shared>>
      tpu.wait_dma2 semaphore(%run_scoped3A : memref<!tpu.dma_semaphore, #tpu.memory_space<semaphore_mem>>) src(%dma_wait3A_145 : memref<632x64xf32, #tpu.memory_space<vmem_shared>>) dst(%dma_wait3A_143 : memref<632x64xf32, #tpu.memory_space<hbm>>)
      tpu.yield
    }) : () -> ()
    return
  }
}

#map = affine_map<(d0, d1) -> (0, 0, 0)>
#map1 = affine_map<(d0, d1) -> (0, 0)>
module attributes {stable_mosaic.version = 14 : i64} {
  func.func @aggregate(%arg0: i32, %arg1: i32, %arg2: memref<2x10112x64xf32, #tpu.memory_space<hbm>>, %arg3: memref<16x320x64xi32, #tpu.memory_space<hbm>>, %arg4: memref<16x320x64xi32, #tpu.memory_space<hbm>>, %arg5: memref<2x10112x64xf32, #tpu.memory_space<hbm>>, %arg6: memref<10112x128xf32, #tpu.memory_space<hbm>>, %arg7: memref<80x64xi32, #tpu.memory_space<vmem>>, %arg8: memref<80x64xi32, #tpu.memory_space<vmem>>, %arg9: memref<64x64xf32, #tpu.memory_space<vmem>>, %arg10: memref<64x64xf32, #tpu.memory_space<vmem>>, %arg11: memref<20224x64xf32, #tpu.memory_space<vmem_shared>>, %arg12: memref<!tpu.dma_semaphore, #tpu.memory_space<semaphore_mem>>, %arg13: memref<!tpu.dma_semaphore, #tpu.memory_space<semaphore_mem>>, %arg14: memref<!tpu.dma_semaphore, #tpu.memory_space<semaphore_mem>>, %arg15: memref<!tpu.dma_semaphore, #tpu.memory_space<semaphore_mem>>) attributes {dimension_semantics = [#tpu.dimension_semantics<core_parallel>, #tpu.dimension_semantics<subcore_parallel>], iteration_bounds = array<i64: 2, 16>, scalar_prefetch = 0 : i64, scratch_operands = 9 : i64, tpu.core_type = #tpu.core_type<sc_vector_subcore>, window_params = [{transform_indices = #map}, {transform_indices = #map}, {transform_indices = #map}, {transform_indices = #map}, {transform_indices = #map1}]} {
    %mul3A = arith.constant 632 : i32
    %mul3A_0 = arith.muli %arg1, %mul3A : i32
    "tpu.region"() ({
      %run_scoped3A = tpu.sem_alloc : memref<!tpu.dma_semaphore, #tpu.memory_space<semaphore_mem>>
      %dma_start3A_140 = arith.constant 0 : i32
      %dma_start3A_141 = tpu.memref_slice %arg11[%mul3A_0, %dma_start3A_140] : memref<20224x64xf32, #tpu.memory_space<vmem_shared>> -> memref<632x64xf32, #tpu.memory_space<vmem_shared>>
      %dma_start3A_142 = arith.constant 0 : i32
      %dma_start3A_143 = tpu.memref_slice %arg2[%arg0, %mul3A_0, %dma_start3A_142] : memref<2x10112x64xf32, #tpu.memory_space<hbm>> -> memref<1x632x64xf32, #tpu.memory_space<hbm>>
      %dma_start3A_144 = tpu.memref_squeeze %dma_start3A_143 : memref<1x632x64xf32, #tpu.memory_space<hbm>> -> memref<632x64xf32, #tpu.memory_space<hbm>>
      tpu.enqueue_dma source(%dma_start3A_144 : memref<632x64xf32, #tpu.memory_space<hbm>>) target(%dma_start3A_141 : memref<632x64xf32, #tpu.memory_space<vmem_shared>>) target_semaphore(%run_scoped3A : memref<!tpu.dma_semaphore, #tpu.memory_space<semaphore_mem>>)
      %dma_wait3A_145 = arith.constant 0 : i32
      %dma_wait3A_146 = tpu.memref_slice %arg11[%mul3A_0, %dma_wait3A_145] : memref<20224x64xf32, #tpu.memory_space<vmem_shared>> -> memref<632x64xf32, #tpu.memory_space<vmem_shared>>
      %dma_wait3A_147 = arith.constant 0 : i32
      %dma_wait3A_148 = tpu.memref_slice %arg2[%arg0, %mul3A_0, %dma_wait3A_147] : memref<2x10112x64xf32, #tpu.memory_space<hbm>> -> memref<1x632x64xf32, #tpu.memory_space<hbm>>
      %dma_wait3A_149 = tpu.memref_squeeze %dma_wait3A_148 : memref<1x632x64xf32, #tpu.memory_space<hbm>> -> memref<632x64xf32, #tpu.memory_space<hbm>>
      tpu.wait_dma2 semaphore(%run_scoped3A : memref<!tpu.dma_semaphore, #tpu.memory_space<semaphore_mem>>) src(%dma_wait3A_149 : memref<632x64xf32, #tpu.memory_space<hbm>>) dst(%dma_wait3A_146 : memref<632x64xf32, #tpu.memory_space<vmem_shared>>)
      tpu.yield
    }) : () -> ()
    %add3A = arith.constant 10112 : i32
    %add3A_1 = arith.addi %add3A, %mul3A_0 : i32
    "tpu.region"() ({
      %run_scoped3A = tpu.sem_alloc : memref<!tpu.dma_semaphore, #tpu.memory_space<semaphore_mem>>
      %dma_start3A_140 = arith.constant 0 : i32
      %dma_start3A_141 = tpu.memref_slice %arg11[%add3A_1, %dma_start3A_140] : memref<20224x64xf32, #tpu.memory_space<vmem_shared>> -> memref<632x64xf32, #tpu.memory_space<vmem_shared>>
      %dma_start3A_142 = arith.constant 0 : i32
      %dma_start3A_143 = tpu.memref_slice %arg5[%arg0, %mul3A_0, %dma_start3A_142] : memref<2x10112x64xf32, #tpu.memory_space<hbm>> -> memref<1x632x64xf32, #tpu.memory_space<hbm>>
      %dma_start3A_144 = tpu.memref_squeeze %dma_start3A_143 : memref<1x632x64xf32, #tpu.memory_space<hbm>> -> memref<632x64xf32, #tpu.memory_space<hbm>>
      tpu.enqueue_dma source(%dma_start3A_144 : memref<632x64xf32, #tpu.memory_space<hbm>>) target(%dma_start3A_141 : memref<632x64xf32, #tpu.memory_space<vmem_shared>>) target_semaphore(%run_scoped3A : memref<!tpu.dma_semaphore, #tpu.memory_space<semaphore_mem>>)
      %dma_wait3A_145 = arith.constant 0 : i32
      %dma_wait3A_146 = tpu.memref_slice %arg11[%add3A_1, %dma_wait3A_145] : memref<20224x64xf32, #tpu.memory_space<vmem_shared>> -> memref<632x64xf32, #tpu.memory_space<vmem_shared>>
      %dma_wait3A_147 = arith.constant 0 : i32
      %dma_wait3A_148 = tpu.memref_slice %arg5[%arg0, %mul3A_0, %dma_wait3A_147] : memref<2x10112x64xf32, #tpu.memory_space<hbm>> -> memref<1x632x64xf32, #tpu.memory_space<hbm>>
      %dma_wait3A_149 = tpu.memref_squeeze %dma_wait3A_148 : memref<1x632x64xf32, #tpu.memory_space<hbm>> -> memref<632x64xf32, #tpu.memory_space<hbm>>
      tpu.wait_dma2 semaphore(%run_scoped3A : memref<!tpu.dma_semaphore, #tpu.memory_space<semaphore_mem>>) src(%dma_wait3A_149 : memref<632x64xf32, #tpu.memory_space<hbm>>) dst(%dma_wait3A_146 : memref<632x64xf32, #tpu.memory_space<vmem_shared>>)
      tpu.yield
    }) : () -> ()
    %barrier3A = arith.constant 0 : index
    tpu.barrier barrier_id(%barrier3A)
    "tpu.region"() ({
      %run_scoped3A = tpu.sem_alloc : memref<!tpu.dma_semaphore, #tpu.memory_space<semaphore_mem>>
      %dma_start3A_140 = arith.constant 0 : i32
      %dma_start3A_141 = arith.constant 0 : i32
      %dma_start3A_142 = tpu.memref_slice %arg3[%arg1, %dma_start3A_140, %dma_start3A_141] : memref<16x320x64xi32, #tpu.memory_space<hbm>> -> memref<1x80x64xi32, #tpu.memory_space<hbm>>
      %dma_start3A_143 = tpu.memref_squeeze %dma_start3A_142 : memref<1x80x64xi32, #tpu.memory_space<hbm>> -> memref<80x64xi32, #tpu.memory_space<hbm>>
      %dma_start3A_144 = arith.constant 0 : i32
      %dma_start3A_145 = arith.constant 0 : i32
      %dma_start3A_146 = tpu.memref_slice %arg3[%arg1, %dma_start3A_144, %dma_start3A_145] : memref<16x320x64xi32, #tpu.memory_space<hbm>> -> memref<1x80x64xi32, #tpu.memory_space<hbm>>
      %dma_start3A_147 = tpu.memref_squeeze %dma_start3A_146 : memref<1x80x64xi32, #tpu.memory_space<hbm>> -> memref<80x64xi32, #tpu.memory_space<hbm>>
      tpu.enqueue_dma source(%dma_start3A_147 : memref<80x64xi32, #tpu.memory_space<hbm>>) target(%arg7 : memref<80x64xi32, #tpu.memory_space<vmem>>) target_semaphore(%run_scoped3A : memref<!tpu.dma_semaphore, #tpu.memory_space<semaphore_mem>>)
      %dma_wait3A_148 = arith.constant 0 : i32
      %dma_wait3A_149 = arith.constant 0 : i32
      %dma_wait3A_150 = tpu.memref_slice %arg3[%arg1, %dma_wait3A_148, %dma_wait3A_149] : memref<16x320x64xi32, #tpu.memory_space<hbm>> -> memref<1x80x64xi32, #tpu.memory_space<hbm>>
      %dma_wait3A_151 = tpu.memref_squeeze %dma_wait3A_150 : memref<1x80x64xi32, #tpu.memory_space<hbm>> -> memref<80x64xi32, #tpu.memory_space<hbm>>
      %dma_wait3A_152 = arith.constant 0 : i32
      %dma_wait3A_153 = arith.constant 0 : i32
      %dma_wait3A_154 = tpu.memref_slice %arg3[%arg1, %dma_wait3A_152, %dma_wait3A_153] : memref<16x320x64xi32, #tpu.memory_space<hbm>> -> memref<1x80x64xi32, #tpu.memory_space<hbm>>
      %dma_wait3A_155 = tpu.memref_squeeze %dma_wait3A_154 : memref<1x80x64xi32, #tpu.memory_space<hbm>> -> memref<80x64xi32, #tpu.memory_space<hbm>>
      tpu.wait_dma2 semaphore(%run_scoped3A : memref<!tpu.dma_semaphore, #tpu.memory_space<semaphore_mem>>) src(%dma_wait3A_155 : memref<80x64xi32, #tpu.memory_space<hbm>>) dst(%arg7 : memref<80x64xi32, #tpu.memory_space<vmem>>)
      tpu.yield
    }) : () -> ()
    "tpu.region"() ({
      %run_scoped3A = tpu.sem_alloc : memref<!tpu.dma_semaphore, #tpu.memory_space<semaphore_mem>>
      %dma_start3A_140 = arith.constant 0 : i32
      %dma_start3A_141 = arith.constant 0 : i32
      %dma_start3A_142 = tpu.memref_slice %arg4[%arg1, %dma_start3A_140, %dma_start3A_141] : memref<16x320x64xi32, #tpu.memory_space<hbm>> -> memref<1x80x64xi32, #tpu.memory_space<hbm>>
      %dma_start3A_143 = tpu.memref_squeeze %dma_start3A_142 : memref<1x80x64xi32, #tpu.memory_space<hbm>> -> memref<80x64xi32, #tpu.memory_space<hbm>>
      %dma_start3A_144 = arith.constant 0 : i32
      %dma_start3A_145 = arith.constant 0 : i32
      %dma_start3A_146 = tpu.memref_slice %arg4[%arg1, %dma_start3A_144, %dma_start3A_145] : memref<16x320x64xi32, #tpu.memory_space<hbm>> -> memref<1x80x64xi32, #tpu.memory_space<hbm>>
      %dma_start3A_147 = tpu.memref_squeeze %dma_start3A_146 : memref<1x80x64xi32, #tpu.memory_space<hbm>> -> memref<80x64xi32, #tpu.memory_space<hbm>>
      tpu.enqueue_dma source(%dma_start3A_147 : memref<80x64xi32, #tpu.memory_space<hbm>>) target(%arg8 : memref<80x64xi32, #tpu.memory_space<vmem>>) target_semaphore(%run_scoped3A : memref<!tpu.dma_semaphore, #tpu.memory_space<semaphore_mem>>)
      %dma_wait3A_148 = arith.constant 0 : i32
      %dma_wait3A_149 = arith.constant 0 : i32
      %dma_wait3A_150 = tpu.memref_slice %arg4[%arg1, %dma_wait3A_148, %dma_wait3A_149] : memref<16x320x64xi32, #tpu.memory_space<hbm>> -> memref<1x80x64xi32, #tpu.memory_space<hbm>>
      %dma_wait3A_151 = tpu.memref_squeeze %dma_wait3A_150 : memref<1x80x64xi32, #tpu.memory_space<hbm>> -> memref<80x64xi32, #tpu.memory_space<hbm>>
      %dma_wait3A_152 = arith.constant 0 : i32
      %dma_wait3A_153 = arith.constant 0 : i32
      %dma_wait3A_154 = tpu.memref_slice %arg4[%arg1, %dma_wait3A_152, %dma_wait3A_153] : memref<16x320x64xi32, #tpu.memory_space<hbm>> -> memref<1x80x64xi32, #tpu.memory_space<hbm>>
      %dma_wait3A_155 = tpu.memref_squeeze %dma_wait3A_154 : memref<1x80x64xi32, #tpu.memory_space<hbm>> -> memref<80x64xi32, #tpu.memory_space<hbm>>
      tpu.wait_dma2 semaphore(%run_scoped3A : memref<!tpu.dma_semaphore, #tpu.memory_space<semaphore_mem>>) src(%dma_wait3A_155 : memref<80x64xi32, #tpu.memory_space<hbm>>) dst(%arg8 : memref<80x64xi32, #tpu.memory_space<vmem>>)
      tpu.yield
    }) : () -> ()
    %dma_start3A = arith.constant 0 : i32
    %dma_start3A_2 = arith.constant 0 : i32
    %dma_start3A_3 = tpu.memref_slice %arg7[%dma_start3A, %dma_start3A_2] : memref<80x64xi32, #tpu.memory_space<vmem>> -> memref<1x64xi32, #tpu.memory_space<vmem>>
    %dma_start3A_4 = tpu.memref_squeeze %dma_start3A_3 : memref<1x64xi32, #tpu.memory_space<vmem>> -> memref<64xi32, #tpu.memory_space<vmem>>
    %dma_start3A_5 = arith.constant 0 : i32
    %dma_start3A_6 = arith.constant 0 : i32
    %dma_start3A_7 = tpu.memref_slice %arg11[%dma_start3A_5, %dma_start3A_6] : memref<20224x64xf32, #tpu.memory_space<vmem_shared>> -> memref<20224x64xf32, #tpu.memory_space<vmem_shared>>
    tpu.enqueue_indirect_dma source(%dma_start3A_7 : memref<20224x64xf32, #tpu.memory_space<vmem_shared>>) target(%arg9 : memref<64x64xf32, #tpu.memory_space<vmem>>) offsets(%dma_start3A_4 : memref<64xi32, #tpu.memory_space<vmem>>) semaphore(%arg12 : memref<!tpu.dma_semaphore, #tpu.memory_space<semaphore_mem>>)
    %dma_start3A_8 = arith.constant 1 : i32
    %dma_start3A_9 = arith.constant 0 : i32
    %dma_start3A_10 = tpu.memref_slice %arg7[%dma_start3A_8, %dma_start3A_9] : memref<80x64xi32, #tpu.memory_space<vmem>> -> memref<1x64xi32, #tpu.memory_space<vmem>>
    %dma_start3A_11 = tpu.memref_squeeze %dma_start3A_10 : memref<1x64xi32, #tpu.memory_space<vmem>> -> memref<64xi32, #tpu.memory_space<vmem>>
    %dma_start3A_12 = arith.constant 0 : i32
    %dma_start3A_13 = arith.constant 0 : i32
    %dma_start3A_14 = tpu.memref_slice %arg11[%dma_start3A_12, %dma_start3A_13] : memref<20224x64xf32, #tpu.memory_space<vmem_shared>> -> memref<20224x64xf32, #tpu.memory_space<vmem_shared>>
    tpu.enqueue_indirect_dma source(%dma_start3A_14 : memref<20224x64xf32, #tpu.memory_space<vmem_shared>>) target(%arg10 : memref<64x64xf32, #tpu.memory_space<vmem>>) offsets(%dma_start3A_11 : memref<64xi32, #tpu.memory_space<vmem>>) semaphore(%arg13 : memref<!tpu.dma_semaphore, #tpu.memory_space<semaphore_mem>>)
    %scan3A = arith.constant 0 : i32
    %scan3A_15 = arith.constant 0 : i32
    %scan3A_16 = arith.constant 40 : i32
    %scan3A_17 = arith.addi %scan3A_15, %scan3A_16 : i32
    %scan3A_18 = arith.constant 1 : i32
    scf.for %scan3A_140 = %scan3A_15 to %scan3A_17 step %scan3A_18  : i32 {
      %mul3A_141 = arith.constant 2 : i32
      %mul3A_142 = arith.muli %mul3A_141, %scan3A_140 : i32
      %add3A_143 = arith.constant 1 : i32
      %add3A_144 = arith.addi %mul3A_142, %add3A_143 : i32
      %dma_wait3A_145 = arith.constant 0 : i32
      %dma_wait3A_146 = tpu.memref_slice %arg7[%mul3A_142, %dma_wait3A_145] : memref<80x64xi32, #tpu.memory_space<vmem>> -> memref<1x64xi32, #tpu.memory_space<vmem>>
      %dma_wait3A_147 = tpu.memref_squeeze %dma_wait3A_146 : memref<1x64xi32, #tpu.memory_space<vmem>> -> memref<64xi32, #tpu.memory_space<vmem>>
      %dma_wait3A_148 = arith.constant 0 : i32
      %dma_wait3A_149 = arith.constant 0 : i32
      %dma_wait3A_150 = tpu.memref_slice %arg11[%dma_wait3A_148, %dma_wait3A_149] : memref<20224x64xf32, #tpu.memory_space<vmem_shared>> -> memref<20224x64xf32, #tpu.memory_space<vmem_shared>>
      tpu.wait_indirect_dma semaphore(%arg12 : memref<!tpu.dma_semaphore, #tpu.memory_space<semaphore_mem>>) src(%dma_wait3A_150 : memref<20224x64xf32, #tpu.memory_space<vmem_shared>>) dst(%arg9 : memref<64x64xf32, #tpu.memory_space<vmem>>)
      %dma_start3A_151 = arith.constant 0 : i32
      %dma_start3A_152 = tpu.memref_slice %arg8[%mul3A_142, %dma_start3A_151] : memref<80x64xi32, #tpu.memory_space<vmem>> -> memref<1x64xi32, #tpu.memory_space<vmem>>
      %dma_start3A_153 = tpu.memref_squeeze %dma_start3A_152 : memref<1x64xi32, #tpu.memory_space<vmem>> -> memref<64xi32, #tpu.memory_space<vmem>>
      %dma_start3A_154 = arith.constant 0 : i32
      %dma_start3A_155 = arith.constant 0 : i32
      %dma_start3A_156 = tpu.memref_slice %arg11[%dma_start3A_154, %dma_start3A_155] : memref<20224x64xf32, #tpu.memory_space<vmem_shared>> -> memref<20224x64xf32, #tpu.memory_space<vmem_shared>>
      tpu.enqueue_indirect_dma source(%arg9 : memref<64x64xf32, #tpu.memory_space<vmem>>) target(%dma_start3A_156 : memref<20224x64xf32, #tpu.memory_space<vmem_shared>>) offsets(%dma_start3A_153 : memref<64xi32, #tpu.memory_space<vmem>>) semaphore(%arg14 : memref<!tpu.dma_semaphore, #tpu.memory_space<semaphore_mem>>) {add = true}
      %dma_wait3A_157 = arith.constant 0 : i32
      %dma_wait3A_158 = tpu.memref_slice %arg8[%mul3A_142, %dma_wait3A_157] : memref<80x64xi32, #tpu.memory_space<vmem>> -> memref<1x64xi32, #tpu.memory_space<vmem>>
      %dma_wait3A_159 = tpu.memref_squeeze %dma_wait3A_158 : memref<1x64xi32, #tpu.memory_space<vmem>> -> memref<64xi32, #tpu.memory_space<vmem>>
      %dma_wait3A_160 = arith.constant 0 : i32
      %dma_wait3A_161 = arith.constant 0 : i32
      %dma_wait3A_162 = tpu.memref_slice %arg11[%dma_wait3A_160, %dma_wait3A_161] : memref<20224x64xf32, #tpu.memory_space<vmem_shared>> -> memref<20224x64xf32, #tpu.memory_space<vmem_shared>>
      tpu.wait_indirect_dma semaphore(%arg14 : memref<!tpu.dma_semaphore, #tpu.memory_space<semaphore_mem>>) src(%arg9 : memref<64x64xf32, #tpu.memory_space<vmem>>) dst(%dma_wait3A_162 : memref<20224x64xf32, #tpu.memory_space<vmem_shared>>)
      %add3A_163 = arith.constant 2 : i32
      %add3A_164 = arith.addi %mul3A_142, %add3A_163 : i32
      %min3A = arith.constant 79 : i32
      %min3A_165 = arith.minsi %add3A_164, %min3A : i32
      %dma_start3A_166 = arith.constant 0 : i32
      %dma_start3A_167 = tpu.memref_slice %arg7[%min3A_165, %dma_start3A_166] : memref<80x64xi32, #tpu.memory_space<vmem>> -> memref<1x64xi32, #tpu.memory_space<vmem>>
      %dma_start3A_168 = tpu.memref_squeeze %dma_start3A_167 : memref<1x64xi32, #tpu.memory_space<vmem>> -> memref<64xi32, #tpu.memory_space<vmem>>
      %dma_start3A_169 = arith.constant 0 : i32
      %dma_start3A_170 = arith.constant 0 : i32
      %dma_start3A_171 = tpu.memref_slice %arg11[%dma_start3A_169, %dma_start3A_170] : memref<20224x64xf32, #tpu.memory_space<vmem_shared>> -> memref<20224x64xf32, #tpu.memory_space<vmem_shared>>
      tpu.enqueue_indirect_dma source(%dma_start3A_171 : memref<20224x64xf32, #tpu.memory_space<vmem_shared>>) target(%arg9 : memref<64x64xf32, #tpu.memory_space<vmem>>) offsets(%dma_start3A_168 : memref<64xi32, #tpu.memory_space<vmem>>) semaphore(%arg12 : memref<!tpu.dma_semaphore, #tpu.memory_space<semaphore_mem>>)
      %dma_wait3A_172 = arith.constant 0 : i32
      %dma_wait3A_173 = tpu.memref_slice %arg7[%add3A_144, %dma_wait3A_172] : memref<80x64xi32, #tpu.memory_space<vmem>> -> memref<1x64xi32, #tpu.memory_space<vmem>>
      %dma_wait3A_174 = tpu.memref_squeeze %dma_wait3A_173 : memref<1x64xi32, #tpu.memory_space<vmem>> -> memref<64xi32, #tpu.memory_space<vmem>>
      %dma_wait3A_175 = arith.constant 0 : i32
      %dma_wait3A_176 = arith.constant 0 : i32
      %dma_wait3A_177 = tpu.memref_slice %arg11[%dma_wait3A_175, %dma_wait3A_176] : memref<20224x64xf32, #tpu.memory_space<vmem_shared>> -> memref<20224x64xf32, #tpu.memory_space<vmem_shared>>
      tpu.wait_indirect_dma semaphore(%arg13 : memref<!tpu.dma_semaphore, #tpu.memory_space<semaphore_mem>>) src(%dma_wait3A_177 : memref<20224x64xf32, #tpu.memory_space<vmem_shared>>) dst(%arg10 : memref<64x64xf32, #tpu.memory_space<vmem>>)
      %dma_start3A_178 = arith.constant 0 : i32
      %dma_start3A_179 = tpu.memref_slice %arg8[%add3A_144, %dma_start3A_178] : memref<80x64xi32, #tpu.memory_space<vmem>> -> memref<1x64xi32, #tpu.memory_space<vmem>>
      %dma_start3A_180 = tpu.memref_squeeze %dma_start3A_179 : memref<1x64xi32, #tpu.memory_space<vmem>> -> memref<64xi32, #tpu.memory_space<vmem>>
      %dma_start3A_181 = arith.constant 0 : i32
      %dma_start3A_182 = arith.constant 0 : i32
      %dma_start3A_183 = tpu.memref_slice %arg11[%dma_start3A_181, %dma_start3A_182] : memref<20224x64xf32, #tpu.memory_space<vmem_shared>> -> memref<20224x64xf32, #tpu.memory_space<vmem_shared>>
      tpu.enqueue_indirect_dma source(%arg10 : memref<64x64xf32, #tpu.memory_space<vmem>>) target(%dma_start3A_183 : memref<20224x64xf32, #tpu.memory_space<vmem_shared>>) offsets(%dma_start3A_180 : memref<64xi32, #tpu.memory_space<vmem>>) semaphore(%arg15 : memref<!tpu.dma_semaphore, #tpu.memory_space<semaphore_mem>>) {add = true}
      %dma_wait3A_184 = arith.constant 0 : i32
      %dma_wait3A_185 = tpu.memref_slice %arg8[%add3A_144, %dma_wait3A_184] : memref<80x64xi32, #tpu.memory_space<vmem>> -> memref<1x64xi32, #tpu.memory_space<vmem>>
      %dma_wait3A_186 = tpu.memref_squeeze %dma_wait3A_185 : memref<1x64xi32, #tpu.memory_space<vmem>> -> memref<64xi32, #tpu.memory_space<vmem>>
      %dma_wait3A_187 = arith.constant 0 : i32
      %dma_wait3A_188 = arith.constant 0 : i32
      %dma_wait3A_189 = tpu.memref_slice %arg11[%dma_wait3A_187, %dma_wait3A_188] : memref<20224x64xf32, #tpu.memory_space<vmem_shared>> -> memref<20224x64xf32, #tpu.memory_space<vmem_shared>>
      tpu.wait_indirect_dma semaphore(%arg15 : memref<!tpu.dma_semaphore, #tpu.memory_space<semaphore_mem>>) src(%arg10 : memref<64x64xf32, #tpu.memory_space<vmem>>) dst(%dma_wait3A_189 : memref<20224x64xf32, #tpu.memory_space<vmem_shared>>)
      %add3A_190 = arith.constant 2 : i32
      %add3A_191 = arith.addi %add3A_144, %add3A_190 : i32
      %min3A_192 = arith.constant 79 : i32
      %min3A_193 = arith.minsi %add3A_191, %min3A_192 : i32
      %dma_start3A_194 = arith.constant 0 : i32
      %dma_start3A_195 = tpu.memref_slice %arg7[%min3A_193, %dma_start3A_194] : memref<80x64xi32, #tpu.memory_space<vmem>> -> memref<1x64xi32, #tpu.memory_space<vmem>>
      %dma_start3A_196 = tpu.memref_squeeze %dma_start3A_195 : memref<1x64xi32, #tpu.memory_space<vmem>> -> memref<64xi32, #tpu.memory_space<vmem>>
      %dma_start3A_197 = arith.constant 0 : i32
      %dma_start3A_198 = arith.constant 0 : i32
      %dma_start3A_199 = tpu.memref_slice %arg11[%dma_start3A_197, %dma_start3A_198] : memref<20224x64xf32, #tpu.memory_space<vmem_shared>> -> memref<20224x64xf32, #tpu.memory_space<vmem_shared>>
      tpu.enqueue_indirect_dma source(%dma_start3A_199 : memref<20224x64xf32, #tpu.memory_space<vmem_shared>>) target(%arg10 : memref<64x64xf32, #tpu.memory_space<vmem>>) offsets(%dma_start3A_196 : memref<64xi32, #tpu.memory_space<vmem>>) semaphore(%arg13 : memref<!tpu.dma_semaphore, #tpu.memory_space<semaphore_mem>>)
    }
    %scan3A_19 = arith.constant 40 : i32
    %dma_wait3A = arith.constant 79 : i32
    %dma_wait3A_20 = arith.constant 0 : i32
    %dma_wait3A_21 = tpu.memref_slice %arg7[%dma_wait3A, %dma_wait3A_20] : memref<80x64xi32, #tpu.memory_space<vmem>> -> memref<1x64xi32, #tpu.memory_space<vmem>>
    %dma_wait3A_22 = tpu.memref_squeeze %dma_wait3A_21 : memref<1x64xi32, #tpu.memory_space<vmem>> -> memref<64xi32, #tpu.memory_space<vmem>>
    %dma_wait3A_23 = arith.constant 0 : i32
    %dma_wait3A_24 = arith.constant 0 : i32
    %dma_wait3A_25 = tpu.memref_slice %arg11[%dma_wait3A_23, %dma_wait3A_24] : memref<20224x64xf32, #tpu.memory_space<vmem_shared>> -> memref<20224x64xf32, #tpu.memory_space<vmem_shared>>
    tpu.wait_indirect_dma semaphore(%arg12 : memref<!tpu.dma_semaphore, #tpu.memory_space<semaphore_mem>>) src(%dma_wait3A_25 : memref<20224x64xf32, #tpu.memory_space<vmem_shared>>) dst(%arg9 : memref<64x64xf32, #tpu.memory_space<vmem>>)
    %dma_wait3A_26 = arith.constant 79 : i32
    %dma_wait3A_27 = arith.constant 0 : i32
    %dma_wait3A_28 = tpu.memref_slice %arg7[%dma_wait3A_26, %dma_wait3A_27] : memref<80x64xi32, #tpu.memory_space<vmem>> -> memref<1x64xi32, #tpu.memory_space<vmem>>
    %dma_wait3A_29 = tpu.memref_squeeze %dma_wait3A_28 : memref<1x64xi32, #tpu.memory_space<vmem>> -> memref<64xi32, #tpu.memory_space<vmem>>
    %dma_wait3A_30 = arith.constant 0 : i32
    %dma_wait3A_31 = arith.constant 0 : i32
    %dma_wait3A_32 = tpu.memref_slice %arg11[%dma_wait3A_30, %dma_wait3A_31] : memref<20224x64xf32, #tpu.memory_space<vmem_shared>> -> memref<20224x64xf32, #tpu.memory_space<vmem_shared>>
    tpu.wait_indirect_dma semaphore(%arg13 : memref<!tpu.dma_semaphore, #tpu.memory_space<semaphore_mem>>) src(%dma_wait3A_32 : memref<20224x64xf32, #tpu.memory_space<vmem_shared>>) dst(%arg10 : memref<64x64xf32, #tpu.memory_space<vmem>>)
    "tpu.region"() ({
      %run_scoped3A = tpu.sem_alloc : memref<!tpu.dma_semaphore, #tpu.memory_space<semaphore_mem>>
      %dma_start3A_140 = arith.constant 80 : i32
      %dma_start3A_141 = arith.constant 0 : i32
      %dma_start3A_142 = tpu.memref_slice %arg3[%arg1, %dma_start3A_140, %dma_start3A_141] : memref<16x320x64xi32, #tpu.memory_space<hbm>> -> memref<1x80x64xi32, #tpu.memory_space<hbm>>
      %dma_start3A_143 = tpu.memref_squeeze %dma_start3A_142 : memref<1x80x64xi32, #tpu.memory_space<hbm>> -> memref<80x64xi32, #tpu.memory_space<hbm>>
      %dma_start3A_144 = arith.constant 80 : i32
      %dma_start3A_145 = arith.constant 0 : i32
      %dma_start3A_146 = tpu.memref_slice %arg3[%arg1, %dma_start3A_144, %dma_start3A_145] : memref<16x320x64xi32, #tpu.memory_space<hbm>> -> memref<1x80x64xi32, #tpu.memory_space<hbm>>
      %dma_start3A_147 = tpu.memref_squeeze %dma_start3A_146 : memref<1x80x64xi32, #tpu.memory_space<hbm>> -> memref<80x64xi32, #tpu.memory_space<hbm>>
      tpu.enqueue_dma source(%dma_start3A_147 : memref<80x64xi32, #tpu.memory_space<hbm>>) target(%arg7 : memref<80x64xi32, #tpu.memory_space<vmem>>) target_semaphore(%run_scoped3A : memref<!tpu.dma_semaphore, #tpu.memory_space<semaphore_mem>>)
      %dma_wait3A_148 = arith.constant 80 : i32
      %dma_wait3A_149 = arith.constant 0 : i32
      %dma_wait3A_150 = tpu.memref_slice %arg3[%arg1, %dma_wait3A_148, %dma_wait3A_149] : memref<16x320x64xi32, #tpu.memory_space<hbm>> -> memref<1x80x64xi32, #tpu.memory_space<hbm>>
      %dma_wait3A_151 = tpu.memref_squeeze %dma_wait3A_150 : memref<1x80x64xi32, #tpu.memory_space<hbm>> -> memref<80x64xi32, #tpu.memory_space<hbm>>
      %dma_wait3A_152 = arith.constant 80 : i32
      %dma_wait3A_153 = arith.constant 0 : i32
      %dma_wait3A_154 = tpu.memref_slice %arg3[%arg1, %dma_wait3A_152, %dma_wait3A_153] : memref<16x320x64xi32, #tpu.memory_space<hbm>> -> memref<1x80x64xi32, #tpu.memory_space<hbm>>
      %dma_wait3A_155 = tpu.memref_squeeze %dma_wait3A_154 : memref<1x80x64xi32, #tpu.memory_space<hbm>> -> memref<80x64xi32, #tpu.memory_space<hbm>>
      tpu.wait_dma2 semaphore(%run_scoped3A : memref<!tpu.dma_semaphore, #tpu.memory_space<semaphore_mem>>) src(%dma_wait3A_155 : memref<80x64xi32, #tpu.memory_space<hbm>>) dst(%arg7 : memref<80x64xi32, #tpu.memory_space<vmem>>)
      tpu.yield
    }) : () -> ()
    "tpu.region"() ({
      %run_scoped3A = tpu.sem_alloc : memref<!tpu.dma_semaphore, #tpu.memory_space<semaphore_mem>>
      %dma_start3A_140 = arith.constant 80 : i32
      %dma_start3A_141 = arith.constant 0 : i32
      %dma_start3A_142 = tpu.memref_slice %arg4[%arg1, %dma_start3A_140, %dma_start3A_141] : memref<16x320x64xi32, #tpu.memory_space<hbm>> -> memref<1x80x64xi32, #tpu.memory_space<hbm>>
      %dma_start3A_143 = tpu.memref_squeeze %dma_start3A_142 : memref<1x80x64xi32, #tpu.memory_space<hbm>> -> memref<80x64xi32, #tpu.memory_space<hbm>>
      %dma_start3A_144 = arith.constant 80 : i32
      %dma_start3A_145 = arith.constant 0 : i32
      %dma_start3A_146 = tpu.memref_slice %arg4[%arg1, %dma_start3A_144, %dma_start3A_145] : memref<16x320x64xi32, #tpu.memory_space<hbm>> -> memref<1x80x64xi32, #tpu.memory_space<hbm>>
      %dma_start3A_147 = tpu.memref_squeeze %dma_start3A_146 : memref<1x80x64xi32, #tpu.memory_space<hbm>> -> memref<80x64xi32, #tpu.memory_space<hbm>>
      tpu.enqueue_dma source(%dma_start3A_147 : memref<80x64xi32, #tpu.memory_space<hbm>>) target(%arg8 : memref<80x64xi32, #tpu.memory_space<vmem>>) target_semaphore(%run_scoped3A : memref<!tpu.dma_semaphore, #tpu.memory_space<semaphore_mem>>)
      %dma_wait3A_148 = arith.constant 80 : i32
      %dma_wait3A_149 = arith.constant 0 : i32
      %dma_wait3A_150 = tpu.memref_slice %arg4[%arg1, %dma_wait3A_148, %dma_wait3A_149] : memref<16x320x64xi32, #tpu.memory_space<hbm>> -> memref<1x80x64xi32, #tpu.memory_space<hbm>>
      %dma_wait3A_151 = tpu.memref_squeeze %dma_wait3A_150 : memref<1x80x64xi32, #tpu.memory_space<hbm>> -> memref<80x64xi32, #tpu.memory_space<hbm>>
      %dma_wait3A_152 = arith.constant 80 : i32
      %dma_wait3A_153 = arith.constant 0 : i32
      %dma_wait3A_154 = tpu.memref_slice %arg4[%arg1, %dma_wait3A_152, %dma_wait3A_153] : memref<16x320x64xi32, #tpu.memory_space<hbm>> -> memref<1x80x64xi32, #tpu.memory_space<hbm>>
      %dma_wait3A_155 = tpu.memref_squeeze %dma_wait3A_154 : memref<1x80x64xi32, #tpu.memory_space<hbm>> -> memref<80x64xi32, #tpu.memory_space<hbm>>
      tpu.wait_dma2 semaphore(%run_scoped3A : memref<!tpu.dma_semaphore, #tpu.memory_space<semaphore_mem>>) src(%dma_wait3A_155 : memref<80x64xi32, #tpu.memory_space<hbm>>) dst(%arg8 : memref<80x64xi32, #tpu.memory_space<vmem>>)
      tpu.yield
    }) : () -> ()
    %dma_start3A_33 = arith.constant 0 : i32
    %dma_start3A_34 = arith.constant 0 : i32
    %dma_start3A_35 = tpu.memref_slice %arg7[%dma_start3A_33, %dma_start3A_34] : memref<80x64xi32, #tpu.memory_space<vmem>> -> memref<1x64xi32, #tpu.memory_space<vmem>>
    %dma_start3A_36 = tpu.memref_squeeze %dma_start3A_35 : memref<1x64xi32, #tpu.memory_space<vmem>> -> memref<64xi32, #tpu.memory_space<vmem>>
    %dma_start3A_37 = arith.constant 0 : i32
    %dma_start3A_38 = arith.constant 0 : i32
    %dma_start3A_39 = tpu.memref_slice %arg11[%dma_start3A_37, %dma_start3A_38] : memref<20224x64xf32, #tpu.memory_space<vmem_shared>> -> memref<20224x64xf32, #tpu.memory_space<vmem_shared>>
    tpu.enqueue_indirect_dma source(%dma_start3A_39 : memref<20224x64xf32, #tpu.memory_space<vmem_shared>>) target(%arg9 : memref<64x64xf32, #tpu.memory_space<vmem>>) offsets(%dma_start3A_36 : memref<64xi32, #tpu.memory_space<vmem>>) semaphore(%arg12 : memref<!tpu.dma_semaphore, #tpu.memory_space<semaphore_mem>>)
    %dma_start3A_40 = arith.constant 1 : i32
    %dma_start3A_41 = arith.constant 0 : i32
    %dma_start3A_42 = tpu.memref_slice %arg7[%dma_start3A_40, %dma_start3A_41] : memref<80x64xi32, #tpu.memory_space<vmem>> -> memref<1x64xi32, #tpu.memory_space<vmem>>
    %dma_start3A_43 = tpu.memref_squeeze %dma_start3A_42 : memref<1x64xi32, #tpu.memory_space<vmem>> -> memref<64xi32, #tpu.memory_space<vmem>>
    %dma_start3A_44 = arith.constant 0 : i32
    %dma_start3A_45 = arith.constant 0 : i32
    %dma_start3A_46 = tpu.memref_slice %arg11[%dma_start3A_44, %dma_start3A_45] : memref<20224x64xf32, #tpu.memory_space<vmem_shared>> -> memref<20224x64xf32, #tpu.memory_space<vmem_shared>>
    tpu.enqueue_indirect_dma source(%dma_start3A_46 : memref<20224x64xf32, #tpu.memory_space<vmem_shared>>) target(%arg10 : memref<64x64xf32, #tpu.memory_space<vmem>>) offsets(%dma_start3A_43 : memref<64xi32, #tpu.memory_space<vmem>>) semaphore(%arg13 : memref<!tpu.dma_semaphore, #tpu.memory_space<semaphore_mem>>)
    %scan3A_47 = arith.constant 0 : i32
    %scan3A_48 = arith.constant 0 : i32
    %scan3A_49 = arith.constant 40 : i32
    %scan3A_50 = arith.addi %scan3A_48, %scan3A_49 : i32
    %scan3A_51 = arith.constant 1 : i32
    scf.for %scan3A_140 = %scan3A_48 to %scan3A_50 step %scan3A_51  : i32 {
      %mul3A_141 = arith.constant 2 : i32
      %mul3A_142 = arith.muli %mul3A_141, %scan3A_140 : i32
      %add3A_143 = arith.constant 1 : i32
      %add3A_144 = arith.addi %mul3A_142, %add3A_143 : i32
      %dma_wait3A_145 = arith.constant 0 : i32
      %dma_wait3A_146 = tpu.memref_slice %arg7[%mul3A_142, %dma_wait3A_145] : memref<80x64xi32, #tpu.memory_space<vmem>> -> memref<1x64xi32, #tpu.memory_space<vmem>>
      %dma_wait3A_147 = tpu.memref_squeeze %dma_wait3A_146 : memref<1x64xi32, #tpu.memory_space<vmem>> -> memref<64xi32, #tpu.memory_space<vmem>>
      %dma_wait3A_148 = arith.constant 0 : i32
      %dma_wait3A_149 = arith.constant 0 : i32
      %dma_wait3A_150 = tpu.memref_slice %arg11[%dma_wait3A_148, %dma_wait3A_149] : memref<20224x64xf32, #tpu.memory_space<vmem_shared>> -> memref<20224x64xf32, #tpu.memory_space<vmem_shared>>
      tpu.wait_indirect_dma semaphore(%arg12 : memref<!tpu.dma_semaphore, #tpu.memory_space<semaphore_mem>>) src(%dma_wait3A_150 : memref<20224x64xf32, #tpu.memory_space<vmem_shared>>) dst(%arg9 : memref<64x64xf32, #tpu.memory_space<vmem>>)
      %dma_start3A_151 = arith.constant 0 : i32
      %dma_start3A_152 = tpu.memref_slice %arg8[%mul3A_142, %dma_start3A_151] : memref<80x64xi32, #tpu.memory_space<vmem>> -> memref<1x64xi32, #tpu.memory_space<vmem>>
      %dma_start3A_153 = tpu.memref_squeeze %dma_start3A_152 : memref<1x64xi32, #tpu.memory_space<vmem>> -> memref<64xi32, #tpu.memory_space<vmem>>
      %dma_start3A_154 = arith.constant 0 : i32
      %dma_start3A_155 = arith.constant 0 : i32
      %dma_start3A_156 = tpu.memref_slice %arg11[%dma_start3A_154, %dma_start3A_155] : memref<20224x64xf32, #tpu.memory_space<vmem_shared>> -> memref<20224x64xf32, #tpu.memory_space<vmem_shared>>
      tpu.enqueue_indirect_dma source(%arg9 : memref<64x64xf32, #tpu.memory_space<vmem>>) target(%dma_start3A_156 : memref<20224x64xf32, #tpu.memory_space<vmem_shared>>) offsets(%dma_start3A_153 : memref<64xi32, #tpu.memory_space<vmem>>) semaphore(%arg14 : memref<!tpu.dma_semaphore, #tpu.memory_space<semaphore_mem>>) {add = true}
      %dma_wait3A_157 = arith.constant 0 : i32
      %dma_wait3A_158 = tpu.memref_slice %arg8[%mul3A_142, %dma_wait3A_157] : memref<80x64xi32, #tpu.memory_space<vmem>> -> memref<1x64xi32, #tpu.memory_space<vmem>>
      %dma_wait3A_159 = tpu.memref_squeeze %dma_wait3A_158 : memref<1x64xi32, #tpu.memory_space<vmem>> -> memref<64xi32, #tpu.memory_space<vmem>>
      %dma_wait3A_160 = arith.constant 0 : i32
      %dma_wait3A_161 = arith.constant 0 : i32
      %dma_wait3A_162 = tpu.memref_slice %arg11[%dma_wait3A_160, %dma_wait3A_161] : memref<20224x64xf32, #tpu.memory_space<vmem_shared>> -> memref<20224x64xf32, #tpu.memory_space<vmem_shared>>
      tpu.wait_indirect_dma semaphore(%arg14 : memref<!tpu.dma_semaphore, #tpu.memory_space<semaphore_mem>>) src(%arg9 : memref<64x64xf32, #tpu.memory_space<vmem>>) dst(%dma_wait3A_162 : memref<20224x64xf32, #tpu.memory_space<vmem_shared>>)
      %add3A_163 = arith.constant 2 : i32
      %add3A_164 = arith.addi %mul3A_142, %add3A_163 : i32
      %min3A = arith.constant 79 : i32
      %min3A_165 = arith.minsi %add3A_164, %min3A : i32
      %dma_start3A_166 = arith.constant 0 : i32
      %dma_start3A_167 = tpu.memref_slice %arg7[%min3A_165, %dma_start3A_166] : memref<80x64xi32, #tpu.memory_space<vmem>> -> memref<1x64xi32, #tpu.memory_space<vmem>>
      %dma_start3A_168 = tpu.memref_squeeze %dma_start3A_167 : memref<1x64xi32, #tpu.memory_space<vmem>> -> memref<64xi32, #tpu.memory_space<vmem>>
      %dma_start3A_169 = arith.constant 0 : i32
      %dma_start3A_170 = arith.constant 0 : i32
      %dma_start3A_171 = tpu.memref_slice %arg11[%dma_start3A_169, %dma_start3A_170] : memref<20224x64xf32, #tpu.memory_space<vmem_shared>> -> memref<20224x64xf32, #tpu.memory_space<vmem_shared>>
      tpu.enqueue_indirect_dma source(%dma_start3A_171 : memref<20224x64xf32, #tpu.memory_space<vmem_shared>>) target(%arg9 : memref<64x64xf32, #tpu.memory_space<vmem>>) offsets(%dma_start3A_168 : memref<64xi32, #tpu.memory_space<vmem>>) semaphore(%arg12 : memref<!tpu.dma_semaphore, #tpu.memory_space<semaphore_mem>>)
      %dma_wait3A_172 = arith.constant 0 : i32
      %dma_wait3A_173 = tpu.memref_slice %arg7[%add3A_144, %dma_wait3A_172] : memref<80x64xi32, #tpu.memory_space<vmem>> -> memref<1x64xi32, #tpu.memory_space<vmem>>
      %dma_wait3A_174 = tpu.memref_squeeze %dma_wait3A_173 : memref<1x64xi32, #tpu.memory_space<vmem>> -> memref<64xi32, #tpu.memory_space<vmem>>
      %dma_wait3A_175 = arith.constant 0 : i32
      %dma_wait3A_176 = arith.constant 0 : i32
      %dma_wait3A_177 = tpu.memref_slice %arg11[%dma_wait3A_175, %dma_wait3A_176] : memref<20224x64xf32, #tpu.memory_space<vmem_shared>> -> memref<20224x64xf32, #tpu.memory_space<vmem_shared>>
      tpu.wait_indirect_dma semaphore(%arg13 : memref<!tpu.dma_semaphore, #tpu.memory_space<semaphore_mem>>) src(%dma_wait3A_177 : memref<20224x64xf32, #tpu.memory_space<vmem_shared>>) dst(%arg10 : memref<64x64xf32, #tpu.memory_space<vmem>>)
      %dma_start3A_178 = arith.constant 0 : i32
      %dma_start3A_179 = tpu.memref_slice %arg8[%add3A_144, %dma_start3A_178] : memref<80x64xi32, #tpu.memory_space<vmem>> -> memref<1x64xi32, #tpu.memory_space<vmem>>
      %dma_start3A_180 = tpu.memref_squeeze %dma_start3A_179 : memref<1x64xi32, #tpu.memory_space<vmem>> -> memref<64xi32, #tpu.memory_space<vmem>>
      %dma_start3A_181 = arith.constant 0 : i32
      %dma_start3A_182 = arith.constant 0 : i32
      %dma_start3A_183 = tpu.memref_slice %arg11[%dma_start3A_181, %dma_start3A_182] : memref<20224x64xf32, #tpu.memory_space<vmem_shared>> -> memref<20224x64xf32, #tpu.memory_space<vmem_shared>>
      tpu.enqueue_indirect_dma source(%arg10 : memref<64x64xf32, #tpu.memory_space<vmem>>) target(%dma_start3A_183 : memref<20224x64xf32, #tpu.memory_space<vmem_shared>>) offsets(%dma_start3A_180 : memref<64xi32, #tpu.memory_space<vmem>>) semaphore(%arg15 : memref<!tpu.dma_semaphore, #tpu.memory_space<semaphore_mem>>) {add = true}
      %dma_wait3A_184 = arith.constant 0 : i32
      %dma_wait3A_185 = tpu.memref_slice %arg8[%add3A_144, %dma_wait3A_184] : memref<80x64xi32, #tpu.memory_space<vmem>> -> memref<1x64xi32, #tpu.memory_space<vmem>>
      %dma_wait3A_186 = tpu.memref_squeeze %dma_wait3A_185 : memref<1x64xi32, #tpu.memory_space<vmem>> -> memref<64xi32, #tpu.memory_space<vmem>>
      %dma_wait3A_187 = arith.constant 0 : i32
      %dma_wait3A_188 = arith.constant 0 : i32
      %dma_wait3A_189 = tpu.memref_slice %arg11[%dma_wait3A_187, %dma_wait3A_188] : memref<20224x64xf32, #tpu.memory_space<vmem_shared>> -> memref<20224x64xf32, #tpu.memory_space<vmem_shared>>
      tpu.wait_indirect_dma semaphore(%arg15 : memref<!tpu.dma_semaphore, #tpu.memory_space<semaphore_mem>>) src(%arg10 : memref<64x64xf32, #tpu.memory_space<vmem>>) dst(%dma_wait3A_189 : memref<20224x64xf32, #tpu.memory_space<vmem_shared>>)
      %add3A_190 = arith.constant 2 : i32
      %add3A_191 = arith.addi %add3A_144, %add3A_190 : i32
      %min3A_192 = arith.constant 79 : i32
      %min3A_193 = arith.minsi %add3A_191, %min3A_192 : i32
      %dma_start3A_194 = arith.constant 0 : i32
      %dma_start3A_195 = tpu.memref_slice %arg7[%min3A_193, %dma_start3A_194] : memref<80x64xi32, #tpu.memory_space<vmem>> -> memref<1x64xi32, #tpu.memory_space<vmem>>
      %dma_start3A_196 = tpu.memref_squeeze %dma_start3A_195 : memref<1x64xi32, #tpu.memory_space<vmem>> -> memref<64xi32, #tpu.memory_space<vmem>>
      %dma_start3A_197 = arith.constant 0 : i32
      %dma_start3A_198 = arith.constant 0 : i32
      %dma_start3A_199 = tpu.memref_slice %arg11[%dma_start3A_197, %dma_start3A_198] : memref<20224x64xf32, #tpu.memory_space<vmem_shared>> -> memref<20224x64xf32, #tpu.memory_space<vmem_shared>>
      tpu.enqueue_indirect_dma source(%dma_start3A_199 : memref<20224x64xf32, #tpu.memory_space<vmem_shared>>) target(%arg10 : memref<64x64xf32, #tpu.memory_space<vmem>>) offsets(%dma_start3A_196 : memref<64xi32, #tpu.memory_space<vmem>>) semaphore(%arg13 : memref<!tpu.dma_semaphore, #tpu.memory_space<semaphore_mem>>)
    }
    %scan3A_52 = arith.constant 40 : i32
    %dma_wait3A_53 = arith.constant 79 : i32
    %dma_wait3A_54 = arith.constant 0 : i32
    %dma_wait3A_55 = tpu.memref_slice %arg7[%dma_wait3A_53, %dma_wait3A_54] : memref<80x64xi32, #tpu.memory_space<vmem>> -> memref<1x64xi32, #tpu.memory_space<vmem>>
    %dma_wait3A_56 = tpu.memref_squeeze %dma_wait3A_55 : memref<1x64xi32, #tpu.memory_space<vmem>> -> memref<64xi32, #tpu.memory_space<vmem>>
    %dma_wait3A_57 = arith.constant 0 : i32
    %dma_wait3A_58 = arith.constant 0 : i32
    %dma_wait3A_59 = tpu.memref_slice %arg11[%dma_wait3A_57, %dma_wait3A_58] : memref<20224x64xf32, #tpu.memory_space<vmem_shared>> -> memref<20224x64xf32, #tpu.memory_space<vmem_shared>>
    tpu.wait_indirect_dma semaphore(%arg12 : memref<!tpu.dma_semaphore, #tpu.memory_space<semaphore_mem>>) src(%dma_wait3A_59 : memref<20224x64xf32, #tpu.memory_space<vmem_shared>>) dst(%arg9 : memref<64x64xf32, #tpu.memory_space<vmem>>)
    %dma_wait3A_60 = arith.constant 79 : i32
    %dma_wait3A_61 = arith.constant 0 : i32
    %dma_wait3A_62 = tpu.memref_slice %arg7[%dma_wait3A_60, %dma_wait3A_61] : memref<80x64xi32, #tpu.memory_space<vmem>> -> memref<1x64xi32, #tpu.memory_space<vmem>>
    %dma_wait3A_63 = tpu.memref_squeeze %dma_wait3A_62 : memref<1x64xi32, #tpu.memory_space<vmem>> -> memref<64xi32, #tpu.memory_space<vmem>>
    %dma_wait3A_64 = arith.constant 0 : i32
    %dma_wait3A_65 = arith.constant 0 : i32
    %dma_wait3A_66 = tpu.memref_slice %arg11[%dma_wait3A_64, %dma_wait3A_65] : memref<20224x64xf32, #tpu.memory_space<vmem_shared>> -> memref<20224x64xf32, #tpu.memory_space<vmem_shared>>
    tpu.wait_indirect_dma semaphore(%arg13 : memref<!tpu.dma_semaphore, #tpu.memory_space<semaphore_mem>>) src(%dma_wait3A_66 : memref<20224x64xf32, #tpu.memory_space<vmem_shared>>) dst(%arg10 : memref<64x64xf32, #tpu.memory_space<vmem>>)
    "tpu.region"() ({
      %run_scoped3A = tpu.sem_alloc : memref<!tpu.dma_semaphore, #tpu.memory_space<semaphore_mem>>
      %dma_start3A_140 = arith.constant 160 : i32
      %dma_start3A_141 = arith.constant 0 : i32
      %dma_start3A_142 = tpu.memref_slice %arg3[%arg1, %dma_start3A_140, %dma_start3A_141] : memref<16x320x64xi32, #tpu.memory_space<hbm>> -> memref<1x80x64xi32, #tpu.memory_space<hbm>>
      %dma_start3A_143 = tpu.memref_squeeze %dma_start3A_142 : memref<1x80x64xi32, #tpu.memory_space<hbm>> -> memref<80x64xi32, #tpu.memory_space<hbm>>
      %dma_start3A_144 = arith.constant 160 : i32
      %dma_start3A_145 = arith.constant 0 : i32
      %dma_start3A_146 = tpu.memref_slice %arg3[%arg1, %dma_start3A_144, %dma_start3A_145] : memref<16x320x64xi32, #tpu.memory_space<hbm>> -> memref<1x80x64xi32, #tpu.memory_space<hbm>>
      %dma_start3A_147 = tpu.memref_squeeze %dma_start3A_146 : memref<1x80x64xi32, #tpu.memory_space<hbm>> -> memref<80x64xi32, #tpu.memory_space<hbm>>
      tpu.enqueue_dma source(%dma_start3A_147 : memref<80x64xi32, #tpu.memory_space<hbm>>) target(%arg7 : memref<80x64xi32, #tpu.memory_space<vmem>>) target_semaphore(%run_scoped3A : memref<!tpu.dma_semaphore, #tpu.memory_space<semaphore_mem>>)
      %dma_wait3A_148 = arith.constant 160 : i32
      %dma_wait3A_149 = arith.constant 0 : i32
      %dma_wait3A_150 = tpu.memref_slice %arg3[%arg1, %dma_wait3A_148, %dma_wait3A_149] : memref<16x320x64xi32, #tpu.memory_space<hbm>> -> memref<1x80x64xi32, #tpu.memory_space<hbm>>
      %dma_wait3A_151 = tpu.memref_squeeze %dma_wait3A_150 : memref<1x80x64xi32, #tpu.memory_space<hbm>> -> memref<80x64xi32, #tpu.memory_space<hbm>>
      %dma_wait3A_152 = arith.constant 160 : i32
      %dma_wait3A_153 = arith.constant 0 : i32
      %dma_wait3A_154 = tpu.memref_slice %arg3[%arg1, %dma_wait3A_152, %dma_wait3A_153] : memref<16x320x64xi32, #tpu.memory_space<hbm>> -> memref<1x80x64xi32, #tpu.memory_space<hbm>>
      %dma_wait3A_155 = tpu.memref_squeeze %dma_wait3A_154 : memref<1x80x64xi32, #tpu.memory_space<hbm>> -> memref<80x64xi32, #tpu.memory_space<hbm>>
      tpu.wait_dma2 semaphore(%run_scoped3A : memref<!tpu.dma_semaphore, #tpu.memory_space<semaphore_mem>>) src(%dma_wait3A_155 : memref<80x64xi32, #tpu.memory_space<hbm>>) dst(%arg7 : memref<80x64xi32, #tpu.memory_space<vmem>>)
      tpu.yield
    }) : () -> ()
    "tpu.region"() ({
      %run_scoped3A = tpu.sem_alloc : memref<!tpu.dma_semaphore, #tpu.memory_space<semaphore_mem>>
      %dma_start3A_140 = arith.constant 160 : i32
      %dma_start3A_141 = arith.constant 0 : i32
      %dma_start3A_142 = tpu.memref_slice %arg4[%arg1, %dma_start3A_140, %dma_start3A_141] : memref<16x320x64xi32, #tpu.memory_space<hbm>> -> memref<1x80x64xi32, #tpu.memory_space<hbm>>
      %dma_start3A_143 = tpu.memref_squeeze %dma_start3A_142 : memref<1x80x64xi32, #tpu.memory_space<hbm>> -> memref<80x64xi32, #tpu.memory_space<hbm>>
      %dma_start3A_144 = arith.constant 160 : i32
      %dma_start3A_145 = arith.constant 0 : i32
      %dma_start3A_146 = tpu.memref_slice %arg4[%arg1, %dma_start3A_144, %dma_start3A_145] : memref<16x320x64xi32, #tpu.memory_space<hbm>> -> memref<1x80x64xi32, #tpu.memory_space<hbm>>
      %dma_start3A_147 = tpu.memref_squeeze %dma_start3A_146 : memref<1x80x64xi32, #tpu.memory_space<hbm>> -> memref<80x64xi32, #tpu.memory_space<hbm>>
      tpu.enqueue_dma source(%dma_start3A_147 : memref<80x64xi32, #tpu.memory_space<hbm>>) target(%arg8 : memref<80x64xi32, #tpu.memory_space<vmem>>) target_semaphore(%run_scoped3A : memref<!tpu.dma_semaphore, #tpu.memory_space<semaphore_mem>>)
      %dma_wait3A_148 = arith.constant 160 : i32
      %dma_wait3A_149 = arith.constant 0 : i32
      %dma_wait3A_150 = tpu.memref_slice %arg4[%arg1, %dma_wait3A_148, %dma_wait3A_149] : memref<16x320x64xi32, #tpu.memory_space<hbm>> -> memref<1x80x64xi32, #tpu.memory_space<hbm>>
      %dma_wait3A_151 = tpu.memref_squeeze %dma_wait3A_150 : memref<1x80x64xi32, #tpu.memory_space<hbm>> -> memref<80x64xi32, #tpu.memory_space<hbm>>
      %dma_wait3A_152 = arith.constant 160 : i32
      %dma_wait3A_153 = arith.constant 0 : i32
      %dma_wait3A_154 = tpu.memref_slice %arg4[%arg1, %dma_wait3A_152, %dma_wait3A_153] : memref<16x320x64xi32, #tpu.memory_space<hbm>> -> memref<1x80x64xi32, #tpu.memory_space<hbm>>
      %dma_wait3A_155 = tpu.memref_squeeze %dma_wait3A_154 : memref<1x80x64xi32, #tpu.memory_space<hbm>> -> memref<80x64xi32, #tpu.memory_space<hbm>>
      tpu.wait_dma2 semaphore(%run_scoped3A : memref<!tpu.dma_semaphore, #tpu.memory_space<semaphore_mem>>) src(%dma_wait3A_155 : memref<80x64xi32, #tpu.memory_space<hbm>>) dst(%arg8 : memref<80x64xi32, #tpu.memory_space<vmem>>)
      tpu.yield
    }) : () -> ()
    %dma_start3A_67 = arith.constant 0 : i32
    %dma_start3A_68 = arith.constant 0 : i32
    %dma_start3A_69 = tpu.memref_slice %arg7[%dma_start3A_67, %dma_start3A_68] : memref<80x64xi32, #tpu.memory_space<vmem>> -> memref<1x64xi32, #tpu.memory_space<vmem>>
    %dma_start3A_70 = tpu.memref_squeeze %dma_start3A_69 : memref<1x64xi32, #tpu.memory_space<vmem>> -> memref<64xi32, #tpu.memory_space<vmem>>
    %dma_start3A_71 = arith.constant 0 : i32
    %dma_start3A_72 = arith.constant 0 : i32
    %dma_start3A_73 = tpu.memref_slice %arg11[%dma_start3A_71, %dma_start3A_72] : memref<20224x64xf32, #tpu.memory_space<vmem_shared>> -> memref<20224x64xf32, #tpu.memory_space<vmem_shared>>
    tpu.enqueue_indirect_dma source(%dma_start3A_73 : memref<20224x64xf32, #tpu.memory_space<vmem_shared>>) target(%arg9 : memref<64x64xf32, #tpu.memory_space<vmem>>) offsets(%dma_start3A_70 : memref<64xi32, #tpu.memory_space<vmem>>) semaphore(%arg12 : memref<!tpu.dma_semaphore, #tpu.memory_space<semaphore_mem>>)
    %dma_start3A_74 = arith.constant 1 : i32
    %dma_start3A_75 = arith.constant 0 : i32
    %dma_start3A_76 = tpu.memref_slice %arg7[%dma_start3A_74, %dma_start3A_75] : memref<80x64xi32, #tpu.memory_space<vmem>> -> memref<1x64xi32, #tpu.memory_space<vmem>>
    %dma_start3A_77 = tpu.memref_squeeze %dma_start3A_76 : memref<1x64xi32, #tpu.memory_space<vmem>> -> memref<64xi32, #tpu.memory_space<vmem>>
    %dma_start3A_78 = arith.constant 0 : i32
    %dma_start3A_79 = arith.constant 0 : i32
    %dma_start3A_80 = tpu.memref_slice %arg11[%dma_start3A_78, %dma_start3A_79] : memref<20224x64xf32, #tpu.memory_space<vmem_shared>> -> memref<20224x64xf32, #tpu.memory_space<vmem_shared>>
    tpu.enqueue_indirect_dma source(%dma_start3A_80 : memref<20224x64xf32, #tpu.memory_space<vmem_shared>>) target(%arg10 : memref<64x64xf32, #tpu.memory_space<vmem>>) offsets(%dma_start3A_77 : memref<64xi32, #tpu.memory_space<vmem>>) semaphore(%arg13 : memref<!tpu.dma_semaphore, #tpu.memory_space<semaphore_mem>>)
    %scan3A_81 = arith.constant 0 : i32
    %scan3A_82 = arith.constant 0 : i32
    %scan3A_83 = arith.constant 40 : i32
    %scan3A_84 = arith.addi %scan3A_82, %scan3A_83 : i32
    %scan3A_85 = arith.constant 1 : i32
    scf.for %scan3A_140 = %scan3A_82 to %scan3A_84 step %scan3A_85  : i32 {
      %mul3A_141 = arith.constant 2 : i32
      %mul3A_142 = arith.muli %mul3A_141, %scan3A_140 : i32
      %add3A_143 = arith.constant 1 : i32
      %add3A_144 = arith.addi %mul3A_142, %add3A_143 : i32
      %dma_wait3A_145 = arith.constant 0 : i32
      %dma_wait3A_146 = tpu.memref_slice %arg7[%mul3A_142, %dma_wait3A_145] : memref<80x64xi32, #tpu.memory_space<vmem>> -> memref<1x64xi32, #tpu.memory_space<vmem>>
      %dma_wait3A_147 = tpu.memref_squeeze %dma_wait3A_146 : memref<1x64xi32, #tpu.memory_space<vmem>> -> memref<64xi32, #tpu.memory_space<vmem>>
      %dma_wait3A_148 = arith.constant 0 : i32
      %dma_wait3A_149 = arith.constant 0 : i32
      %dma_wait3A_150 = tpu.memref_slice %arg11[%dma_wait3A_148, %dma_wait3A_149] : memref<20224x64xf32, #tpu.memory_space<vmem_shared>> -> memref<20224x64xf32, #tpu.memory_space<vmem_shared>>
      tpu.wait_indirect_dma semaphore(%arg12 : memref<!tpu.dma_semaphore, #tpu.memory_space<semaphore_mem>>) src(%dma_wait3A_150 : memref<20224x64xf32, #tpu.memory_space<vmem_shared>>) dst(%arg9 : memref<64x64xf32, #tpu.memory_space<vmem>>)
      %dma_start3A_151 = arith.constant 0 : i32
      %dma_start3A_152 = tpu.memref_slice %arg8[%mul3A_142, %dma_start3A_151] : memref<80x64xi32, #tpu.memory_space<vmem>> -> memref<1x64xi32, #tpu.memory_space<vmem>>
      %dma_start3A_153 = tpu.memref_squeeze %dma_start3A_152 : memref<1x64xi32, #tpu.memory_space<vmem>> -> memref<64xi32, #tpu.memory_space<vmem>>
      %dma_start3A_154 = arith.constant 0 : i32
      %dma_start3A_155 = arith.constant 0 : i32
      %dma_start3A_156 = tpu.memref_slice %arg11[%dma_start3A_154, %dma_start3A_155] : memref<20224x64xf32, #tpu.memory_space<vmem_shared>> -> memref<20224x64xf32, #tpu.memory_space<vmem_shared>>
      tpu.enqueue_indirect_dma source(%arg9 : memref<64x64xf32, #tpu.memory_space<vmem>>) target(%dma_start3A_156 : memref<20224x64xf32, #tpu.memory_space<vmem_shared>>) offsets(%dma_start3A_153 : memref<64xi32, #tpu.memory_space<vmem>>) semaphore(%arg14 : memref<!tpu.dma_semaphore, #tpu.memory_space<semaphore_mem>>) {add = true}
      %dma_wait3A_157 = arith.constant 0 : i32
      %dma_wait3A_158 = tpu.memref_slice %arg8[%mul3A_142, %dma_wait3A_157] : memref<80x64xi32, #tpu.memory_space<vmem>> -> memref<1x64xi32, #tpu.memory_space<vmem>>
      %dma_wait3A_159 = tpu.memref_squeeze %dma_wait3A_158 : memref<1x64xi32, #tpu.memory_space<vmem>> -> memref<64xi32, #tpu.memory_space<vmem>>
      %dma_wait3A_160 = arith.constant 0 : i32
      %dma_wait3A_161 = arith.constant 0 : i32
      %dma_wait3A_162 = tpu.memref_slice %arg11[%dma_wait3A_160, %dma_wait3A_161] : memref<20224x64xf32, #tpu.memory_space<vmem_shared>> -> memref<20224x64xf32, #tpu.memory_space<vmem_shared>>
      tpu.wait_indirect_dma semaphore(%arg14 : memref<!tpu.dma_semaphore, #tpu.memory_space<semaphore_mem>>) src(%arg9 : memref<64x64xf32, #tpu.memory_space<vmem>>) dst(%dma_wait3A_162 : memref<20224x64xf32, #tpu.memory_space<vmem_shared>>)
      %add3A_163 = arith.constant 2 : i32
      %add3A_164 = arith.addi %mul3A_142, %add3A_163 : i32
      %min3A = arith.constant 79 : i32
      %min3A_165 = arith.minsi %add3A_164, %min3A : i32
      %dma_start3A_166 = arith.constant 0 : i32
      %dma_start3A_167 = tpu.memref_slice %arg7[%min3A_165, %dma_start3A_166] : memref<80x64xi32, #tpu.memory_space<vmem>> -> memref<1x64xi32, #tpu.memory_space<vmem>>
      %dma_start3A_168 = tpu.memref_squeeze %dma_start3A_167 : memref<1x64xi32, #tpu.memory_space<vmem>> -> memref<64xi32, #tpu.memory_space<vmem>>
      %dma_start3A_169 = arith.constant 0 : i32
      %dma_start3A_170 = arith.constant 0 : i32
      %dma_start3A_171 = tpu.memref_slice %arg11[%dma_start3A_169, %dma_start3A_170] : memref<20224x64xf32, #tpu.memory_space<vmem_shared>> -> memref<20224x64xf32, #tpu.memory_space<vmem_shared>>
      tpu.enqueue_indirect_dma source(%dma_start3A_171 : memref<20224x64xf32, #tpu.memory_space<vmem_shared>>) target(%arg9 : memref<64x64xf32, #tpu.memory_space<vmem>>) offsets(%dma_start3A_168 : memref<64xi32, #tpu.memory_space<vmem>>) semaphore(%arg12 : memref<!tpu.dma_semaphore, #tpu.memory_space<semaphore_mem>>)
      %dma_wait3A_172 = arith.constant 0 : i32
      %dma_wait3A_173 = tpu.memref_slice %arg7[%add3A_144, %dma_wait3A_172] : memref<80x64xi32, #tpu.memory_space<vmem>> -> memref<1x64xi32, #tpu.memory_space<vmem>>
      %dma_wait3A_174 = tpu.memref_squeeze %dma_wait3A_173 : memref<1x64xi32, #tpu.memory_space<vmem>> -> memref<64xi32, #tpu.memory_space<vmem>>
      %dma_wait3A_175 = arith.constant 0 : i32
      %dma_wait3A_176 = arith.constant 0 : i32
      %dma_wait3A_177 = tpu.memref_slice %arg11[%dma_wait3A_175, %dma_wait3A_176] : memref<20224x64xf32, #tpu.memory_space<vmem_shared>> -> memref<20224x64xf32, #tpu.memory_space<vmem_shared>>
      tpu.wait_indirect_dma semaphore(%arg13 : memref<!tpu.dma_semaphore, #tpu.memory_space<semaphore_mem>>) src(%dma_wait3A_177 : memref<20224x64xf32, #tpu.memory_space<vmem_shared>>) dst(%arg10 : memref<64x64xf32, #tpu.memory_space<vmem>>)
      %dma_start3A_178 = arith.constant 0 : i32
      %dma_start3A_179 = tpu.memref_slice %arg8[%add3A_144, %dma_start3A_178] : memref<80x64xi32, #tpu.memory_space<vmem>> -> memref<1x64xi32, #tpu.memory_space<vmem>>
      %dma_start3A_180 = tpu.memref_squeeze %dma_start3A_179 : memref<1x64xi32, #tpu.memory_space<vmem>> -> memref<64xi32, #tpu.memory_space<vmem>>
      %dma_start3A_181 = arith.constant 0 : i32
      %dma_start3A_182 = arith.constant 0 : i32
      %dma_start3A_183 = tpu.memref_slice %arg11[%dma_start3A_181, %dma_start3A_182] : memref<20224x64xf32, #tpu.memory_space<vmem_shared>> -> memref<20224x64xf32, #tpu.memory_space<vmem_shared>>
      tpu.enqueue_indirect_dma source(%arg10 : memref<64x64xf32, #tpu.memory_space<vmem>>) target(%dma_start3A_183 : memref<20224x64xf32, #tpu.memory_space<vmem_shared>>) offsets(%dma_start3A_180 : memref<64xi32, #tpu.memory_space<vmem>>) semaphore(%arg15 : memref<!tpu.dma_semaphore, #tpu.memory_space<semaphore_mem>>) {add = true}
      %dma_wait3A_184 = arith.constant 0 : i32
      %dma_wait3A_185 = tpu.memref_slice %arg8[%add3A_144, %dma_wait3A_184] : memref<80x64xi32, #tpu.memory_space<vmem>> -> memref<1x64xi32, #tpu.memory_space<vmem>>
      %dma_wait3A_186 = tpu.memref_squeeze %dma_wait3A_185 : memref<1x64xi32, #tpu.memory_space<vmem>> -> memref<64xi32, #tpu.memory_space<vmem>>
      %dma_wait3A_187 = arith.constant 0 : i32
      %dma_wait3A_188 = arith.constant 0 : i32
      %dma_wait3A_189 = tpu.memref_slice %arg11[%dma_wait3A_187, %dma_wait3A_188] : memref<20224x64xf32, #tpu.memory_space<vmem_shared>> -> memref<20224x64xf32, #tpu.memory_space<vmem_shared>>
      tpu.wait_indirect_dma semaphore(%arg15 : memref<!tpu.dma_semaphore, #tpu.memory_space<semaphore_mem>>) src(%arg10 : memref<64x64xf32, #tpu.memory_space<vmem>>) dst(%dma_wait3A_189 : memref<20224x64xf32, #tpu.memory_space<vmem_shared>>)
      %add3A_190 = arith.constant 2 : i32
      %add3A_191 = arith.addi %add3A_144, %add3A_190 : i32
      %min3A_192 = arith.constant 79 : i32
      %min3A_193 = arith.minsi %add3A_191, %min3A_192 : i32
      %dma_start3A_194 = arith.constant 0 : i32
      %dma_start3A_195 = tpu.memref_slice %arg7[%min3A_193, %dma_start3A_194] : memref<80x64xi32, #tpu.memory_space<vmem>> -> memref<1x64xi32, #tpu.memory_space<vmem>>
      %dma_start3A_196 = tpu.memref_squeeze %dma_start3A_195 : memref<1x64xi32, #tpu.memory_space<vmem>> -> memref<64xi32, #tpu.memory_space<vmem>>
      %dma_start3A_197 = arith.constant 0 : i32
      %dma_start3A_198 = arith.constant 0 : i32
      %dma_start3A_199 = tpu.memref_slice %arg11[%dma_start3A_197, %dma_start3A_198] : memref<20224x64xf32, #tpu.memory_space<vmem_shared>> -> memref<20224x64xf32, #tpu.memory_space<vmem_shared>>
      tpu.enqueue_indirect_dma source(%dma_start3A_199 : memref<20224x64xf32, #tpu.memory_space<vmem_shared>>) target(%arg10 : memref<64x64xf32, #tpu.memory_space<vmem>>) offsets(%dma_start3A_196 : memref<64xi32, #tpu.memory_space<vmem>>) semaphore(%arg13 : memref<!tpu.dma_semaphore, #tpu.memory_space<semaphore_mem>>)
    }
    %scan3A_86 = arith.constant 40 : i32
    %dma_wait3A_87 = arith.constant 79 : i32
    %dma_wait3A_88 = arith.constant 0 : i32
    %dma_wait3A_89 = tpu.memref_slice %arg7[%dma_wait3A_87, %dma_wait3A_88] : memref<80x64xi32, #tpu.memory_space<vmem>> -> memref<1x64xi32, #tpu.memory_space<vmem>>
    %dma_wait3A_90 = tpu.memref_squeeze %dma_wait3A_89 : memref<1x64xi32, #tpu.memory_space<vmem>> -> memref<64xi32, #tpu.memory_space<vmem>>
    %dma_wait3A_91 = arith.constant 0 : i32
    %dma_wait3A_92 = arith.constant 0 : i32
    %dma_wait3A_93 = tpu.memref_slice %arg11[%dma_wait3A_91, %dma_wait3A_92] : memref<20224x64xf32, #tpu.memory_space<vmem_shared>> -> memref<20224x64xf32, #tpu.memory_space<vmem_shared>>
    tpu.wait_indirect_dma semaphore(%arg12 : memref<!tpu.dma_semaphore, #tpu.memory_space<semaphore_mem>>) src(%dma_wait3A_93 : memref<20224x64xf32, #tpu.memory_space<vmem_shared>>) dst(%arg9 : memref<64x64xf32, #tpu.memory_space<vmem>>)
    %dma_wait3A_94 = arith.constant 79 : i32
    %dma_wait3A_95 = arith.constant 0 : i32
    %dma_wait3A_96 = tpu.memref_slice %arg7[%dma_wait3A_94, %dma_wait3A_95] : memref<80x64xi32, #tpu.memory_space<vmem>> -> memref<1x64xi32, #tpu.memory_space<vmem>>
    %dma_wait3A_97 = tpu.memref_squeeze %dma_wait3A_96 : memref<1x64xi32, #tpu.memory_space<vmem>> -> memref<64xi32, #tpu.memory_space<vmem>>
    %dma_wait3A_98 = arith.constant 0 : i32
    %dma_wait3A_99 = arith.constant 0 : i32
    %dma_wait3A_100 = tpu.memref_slice %arg11[%dma_wait3A_98, %dma_wait3A_99] : memref<20224x64xf32, #tpu.memory_space<vmem_shared>> -> memref<20224x64xf32, #tpu.memory_space<vmem_shared>>
    tpu.wait_indirect_dma semaphore(%arg13 : memref<!tpu.dma_semaphore, #tpu.memory_space<semaphore_mem>>) src(%dma_wait3A_100 : memref<20224x64xf32, #tpu.memory_space<vmem_shared>>) dst(%arg10 : memref<64x64xf32, #tpu.memory_space<vmem>>)
    "tpu.region"() ({
      %run_scoped3A = tpu.sem_alloc : memref<!tpu.dma_semaphore, #tpu.memory_space<semaphore_mem>>
      %dma_start3A_140 = arith.constant 240 : i32
      %dma_start3A_141 = arith.constant 0 : i32
      %dma_start3A_142 = tpu.memref_slice %arg3[%arg1, %dma_start3A_140, %dma_start3A_141] : memref<16x320x64xi32, #tpu.memory_space<hbm>> -> memref<1x80x64xi32, #tpu.memory_space<hbm>>
      %dma_start3A_143 = tpu.memref_squeeze %dma_start3A_142 : memref<1x80x64xi32, #tpu.memory_space<hbm>> -> memref<80x64xi32, #tpu.memory_space<hbm>>
      %dma_start3A_144 = arith.constant 240 : i32
      %dma_start3A_145 = arith.constant 0 : i32
      %dma_start3A_146 = tpu.memref_slice %arg3[%arg1, %dma_start3A_144, %dma_start3A_145] : memref<16x320x64xi32, #tpu.memory_space<hbm>> -> memref<1x80x64xi32, #tpu.memory_space<hbm>>
      %dma_start3A_147 = tpu.memref_squeeze %dma_start3A_146 : memref<1x80x64xi32, #tpu.memory_space<hbm>> -> memref<80x64xi32, #tpu.memory_space<hbm>>
      tpu.enqueue_dma source(%dma_start3A_147 : memref<80x64xi32, #tpu.memory_space<hbm>>) target(%arg7 : memref<80x64xi32, #tpu.memory_space<vmem>>) target_semaphore(%run_scoped3A : memref<!tpu.dma_semaphore, #tpu.memory_space<semaphore_mem>>)
      %dma_wait3A_148 = arith.constant 240 : i32
      %dma_wait3A_149 = arith.constant 0 : i32
      %dma_wait3A_150 = tpu.memref_slice %arg3[%arg1, %dma_wait3A_148, %dma_wait3A_149] : memref<16x320x64xi32, #tpu.memory_space<hbm>> -> memref<1x80x64xi32, #tpu.memory_space<hbm>>
      %dma_wait3A_151 = tpu.memref_squeeze %dma_wait3A_150 : memref<1x80x64xi32, #tpu.memory_space<hbm>> -> memref<80x64xi32, #tpu.memory_space<hbm>>
      %dma_wait3A_152 = arith.constant 240 : i32
      %dma_wait3A_153 = arith.constant 0 : i32
      %dma_wait3A_154 = tpu.memref_slice %arg3[%arg1, %dma_wait3A_152, %dma_wait3A_153] : memref<16x320x64xi32, #tpu.memory_space<hbm>> -> memref<1x80x64xi32, #tpu.memory_space<hbm>>
      %dma_wait3A_155 = tpu.memref_squeeze %dma_wait3A_154 : memref<1x80x64xi32, #tpu.memory_space<hbm>> -> memref<80x64xi32, #tpu.memory_space<hbm>>
      tpu.wait_dma2 semaphore(%run_scoped3A : memref<!tpu.dma_semaphore, #tpu.memory_space<semaphore_mem>>) src(%dma_wait3A_155 : memref<80x64xi32, #tpu.memory_space<hbm>>) dst(%arg7 : memref<80x64xi32, #tpu.memory_space<vmem>>)
      tpu.yield
    }) : () -> ()
    "tpu.region"() ({
      %run_scoped3A = tpu.sem_alloc : memref<!tpu.dma_semaphore, #tpu.memory_space<semaphore_mem>>
      %dma_start3A_140 = arith.constant 240 : i32
      %dma_start3A_141 = arith.constant 0 : i32
      %dma_start3A_142 = tpu.memref_slice %arg4[%arg1, %dma_start3A_140, %dma_start3A_141] : memref<16x320x64xi32, #tpu.memory_space<hbm>> -> memref<1x80x64xi32, #tpu.memory_space<hbm>>
      %dma_start3A_143 = tpu.memref_squeeze %dma_start3A_142 : memref<1x80x64xi32, #tpu.memory_space<hbm>> -> memref<80x64xi32, #tpu.memory_space<hbm>>
      %dma_start3A_144 = arith.constant 240 : i32
      %dma_start3A_145 = arith.constant 0 : i32
      %dma_start3A_146 = tpu.memref_slice %arg4[%arg1, %dma_start3A_144, %dma_start3A_145] : memref<16x320x64xi32, #tpu.memory_space<hbm>> -> memref<1x80x64xi32, #tpu.memory_space<hbm>>
      %dma_start3A_147 = tpu.memref_squeeze %dma_start3A_146 : memref<1x80x64xi32, #tpu.memory_space<hbm>> -> memref<80x64xi32, #tpu.memory_space<hbm>>
      tpu.enqueue_dma source(%dma_start3A_147 : memref<80x64xi32, #tpu.memory_space<hbm>>) target(%arg8 : memref<80x64xi32, #tpu.memory_space<vmem>>) target_semaphore(%run_scoped3A : memref<!tpu.dma_semaphore, #tpu.memory_space<semaphore_mem>>)
      %dma_wait3A_148 = arith.constant 240 : i32
      %dma_wait3A_149 = arith.constant 0 : i32
      %dma_wait3A_150 = tpu.memref_slice %arg4[%arg1, %dma_wait3A_148, %dma_wait3A_149] : memref<16x320x64xi32, #tpu.memory_space<hbm>> -> memref<1x80x64xi32, #tpu.memory_space<hbm>>
      %dma_wait3A_151 = tpu.memref_squeeze %dma_wait3A_150 : memref<1x80x64xi32, #tpu.memory_space<hbm>> -> memref<80x64xi32, #tpu.memory_space<hbm>>
      %dma_wait3A_152 = arith.constant 240 : i32
      %dma_wait3A_153 = arith.constant 0 : i32
      %dma_wait3A_154 = tpu.memref_slice %arg4[%arg1, %dma_wait3A_152, %dma_wait3A_153] : memref<16x320x64xi32, #tpu.memory_space<hbm>> -> memref<1x80x64xi32, #tpu.memory_space<hbm>>
      %dma_wait3A_155 = tpu.memref_squeeze %dma_wait3A_154 : memref<1x80x64xi32, #tpu.memory_space<hbm>> -> memref<80x64xi32, #tpu.memory_space<hbm>>
      tpu.wait_dma2 semaphore(%run_scoped3A : memref<!tpu.dma_semaphore, #tpu.memory_space<semaphore_mem>>) src(%dma_wait3A_155 : memref<80x64xi32, #tpu.memory_space<hbm>>) dst(%arg8 : memref<80x64xi32, #tpu.memory_space<vmem>>)
      tpu.yield
    }) : () -> ()
    %dma_start3A_101 = arith.constant 0 : i32
    %dma_start3A_102 = arith.constant 0 : i32
    %dma_start3A_103 = tpu.memref_slice %arg7[%dma_start3A_101, %dma_start3A_102] : memref<80x64xi32, #tpu.memory_space<vmem>> -> memref<1x64xi32, #tpu.memory_space<vmem>>
    %dma_start3A_104 = tpu.memref_squeeze %dma_start3A_103 : memref<1x64xi32, #tpu.memory_space<vmem>> -> memref<64xi32, #tpu.memory_space<vmem>>
    %dma_start3A_105 = arith.constant 0 : i32
    %dma_start3A_106 = arith.constant 0 : i32
    %dma_start3A_107 = tpu.memref_slice %arg11[%dma_start3A_105, %dma_start3A_106] : memref<20224x64xf32, #tpu.memory_space<vmem_shared>> -> memref<20224x64xf32, #tpu.memory_space<vmem_shared>>
    tpu.enqueue_indirect_dma source(%dma_start3A_107 : memref<20224x64xf32, #tpu.memory_space<vmem_shared>>) target(%arg9 : memref<64x64xf32, #tpu.memory_space<vmem>>) offsets(%dma_start3A_104 : memref<64xi32, #tpu.memory_space<vmem>>) semaphore(%arg12 : memref<!tpu.dma_semaphore, #tpu.memory_space<semaphore_mem>>)
    %dma_start3A_108 = arith.constant 1 : i32
    %dma_start3A_109 = arith.constant 0 : i32
    %dma_start3A_110 = tpu.memref_slice %arg7[%dma_start3A_108, %dma_start3A_109] : memref<80x64xi32, #tpu.memory_space<vmem>> -> memref<1x64xi32, #tpu.memory_space<vmem>>
    %dma_start3A_111 = tpu.memref_squeeze %dma_start3A_110 : memref<1x64xi32, #tpu.memory_space<vmem>> -> memref<64xi32, #tpu.memory_space<vmem>>
    %dma_start3A_112 = arith.constant 0 : i32
    %dma_start3A_113 = arith.constant 0 : i32
    %dma_start3A_114 = tpu.memref_slice %arg11[%dma_start3A_112, %dma_start3A_113] : memref<20224x64xf32, #tpu.memory_space<vmem_shared>> -> memref<20224x64xf32, #tpu.memory_space<vmem_shared>>
    tpu.enqueue_indirect_dma source(%dma_start3A_114 : memref<20224x64xf32, #tpu.memory_space<vmem_shared>>) target(%arg10 : memref<64x64xf32, #tpu.memory_space<vmem>>) offsets(%dma_start3A_111 : memref<64xi32, #tpu.memory_space<vmem>>) semaphore(%arg13 : memref<!tpu.dma_semaphore, #tpu.memory_space<semaphore_mem>>)
    %scan3A_115 = arith.constant 0 : i32
    %scan3A_116 = arith.constant 0 : i32
    %scan3A_117 = arith.constant 40 : i32
    %scan3A_118 = arith.addi %scan3A_116, %scan3A_117 : i32
    %scan3A_119 = arith.constant 1 : i32
    scf.for %scan3A_140 = %scan3A_116 to %scan3A_118 step %scan3A_119  : i32 {
      %mul3A_141 = arith.constant 2 : i32
      %mul3A_142 = arith.muli %mul3A_141, %scan3A_140 : i32
      %add3A_143 = arith.constant 1 : i32
      %add3A_144 = arith.addi %mul3A_142, %add3A_143 : i32
      %dma_wait3A_145 = arith.constant 0 : i32
      %dma_wait3A_146 = tpu.memref_slice %arg7[%mul3A_142, %dma_wait3A_145] : memref<80x64xi32, #tpu.memory_space<vmem>> -> memref<1x64xi32, #tpu.memory_space<vmem>>
      %dma_wait3A_147 = tpu.memref_squeeze %dma_wait3A_146 : memref<1x64xi32, #tpu.memory_space<vmem>> -> memref<64xi32, #tpu.memory_space<vmem>>
      %dma_wait3A_148 = arith.constant 0 : i32
      %dma_wait3A_149 = arith.constant 0 : i32
      %dma_wait3A_150 = tpu.memref_slice %arg11[%dma_wait3A_148, %dma_wait3A_149] : memref<20224x64xf32, #tpu.memory_space<vmem_shared>> -> memref<20224x64xf32, #tpu.memory_space<vmem_shared>>
      tpu.wait_indirect_dma semaphore(%arg12 : memref<!tpu.dma_semaphore, #tpu.memory_space<semaphore_mem>>) src(%dma_wait3A_150 : memref<20224x64xf32, #tpu.memory_space<vmem_shared>>) dst(%arg9 : memref<64x64xf32, #tpu.memory_space<vmem>>)
      %dma_start3A_151 = arith.constant 0 : i32
      %dma_start3A_152 = tpu.memref_slice %arg8[%mul3A_142, %dma_start3A_151] : memref<80x64xi32, #tpu.memory_space<vmem>> -> memref<1x64xi32, #tpu.memory_space<vmem>>
      %dma_start3A_153 = tpu.memref_squeeze %dma_start3A_152 : memref<1x64xi32, #tpu.memory_space<vmem>> -> memref<64xi32, #tpu.memory_space<vmem>>
      %dma_start3A_154 = arith.constant 0 : i32
      %dma_start3A_155 = arith.constant 0 : i32
      %dma_start3A_156 = tpu.memref_slice %arg11[%dma_start3A_154, %dma_start3A_155] : memref<20224x64xf32, #tpu.memory_space<vmem_shared>> -> memref<20224x64xf32, #tpu.memory_space<vmem_shared>>
      tpu.enqueue_indirect_dma source(%arg9 : memref<64x64xf32, #tpu.memory_space<vmem>>) target(%dma_start3A_156 : memref<20224x64xf32, #tpu.memory_space<vmem_shared>>) offsets(%dma_start3A_153 : memref<64xi32, #tpu.memory_space<vmem>>) semaphore(%arg14 : memref<!tpu.dma_semaphore, #tpu.memory_space<semaphore_mem>>) {add = true}
      %dma_wait3A_157 = arith.constant 0 : i32
      %dma_wait3A_158 = tpu.memref_slice %arg8[%mul3A_142, %dma_wait3A_157] : memref<80x64xi32, #tpu.memory_space<vmem>> -> memref<1x64xi32, #tpu.memory_space<vmem>>
      %dma_wait3A_159 = tpu.memref_squeeze %dma_wait3A_158 : memref<1x64xi32, #tpu.memory_space<vmem>> -> memref<64xi32, #tpu.memory_space<vmem>>
      %dma_wait3A_160 = arith.constant 0 : i32
      %dma_wait3A_161 = arith.constant 0 : i32
      %dma_wait3A_162 = tpu.memref_slice %arg11[%dma_wait3A_160, %dma_wait3A_161] : memref<20224x64xf32, #tpu.memory_space<vmem_shared>> -> memref<20224x64xf32, #tpu.memory_space<vmem_shared>>
      tpu.wait_indirect_dma semaphore(%arg14 : memref<!tpu.dma_semaphore, #tpu.memory_space<semaphore_mem>>) src(%arg9 : memref<64x64xf32, #tpu.memory_space<vmem>>) dst(%dma_wait3A_162 : memref<20224x64xf32, #tpu.memory_space<vmem_shared>>)
      %add3A_163 = arith.constant 2 : i32
      %add3A_164 = arith.addi %mul3A_142, %add3A_163 : i32
      %min3A = arith.constant 79 : i32
      %min3A_165 = arith.minsi %add3A_164, %min3A : i32
      %dma_start3A_166 = arith.constant 0 : i32
      %dma_start3A_167 = tpu.memref_slice %arg7[%min3A_165, %dma_start3A_166] : memref<80x64xi32, #tpu.memory_space<vmem>> -> memref<1x64xi32, #tpu.memory_space<vmem>>
      %dma_start3A_168 = tpu.memref_squeeze %dma_start3A_167 : memref<1x64xi32, #tpu.memory_space<vmem>> -> memref<64xi32, #tpu.memory_space<vmem>>
      %dma_start3A_169 = arith.constant 0 : i32
      %dma_start3A_170 = arith.constant 0 : i32
      %dma_start3A_171 = tpu.memref_slice %arg11[%dma_start3A_169, %dma_start3A_170] : memref<20224x64xf32, #tpu.memory_space<vmem_shared>> -> memref<20224x64xf32, #tpu.memory_space<vmem_shared>>
      tpu.enqueue_indirect_dma source(%dma_start3A_171 : memref<20224x64xf32, #tpu.memory_space<vmem_shared>>) target(%arg9 : memref<64x64xf32, #tpu.memory_space<vmem>>) offsets(%dma_start3A_168 : memref<64xi32, #tpu.memory_space<vmem>>) semaphore(%arg12 : memref<!tpu.dma_semaphore, #tpu.memory_space<semaphore_mem>>)
      %dma_wait3A_172 = arith.constant 0 : i32
      %dma_wait3A_173 = tpu.memref_slice %arg7[%add3A_144, %dma_wait3A_172] : memref<80x64xi32, #tpu.memory_space<vmem>> -> memref<1x64xi32, #tpu.memory_space<vmem>>
      %dma_wait3A_174 = tpu.memref_squeeze %dma_wait3A_173 : memref<1x64xi32, #tpu.memory_space<vmem>> -> memref<64xi32, #tpu.memory_space<vmem>>
      %dma_wait3A_175 = arith.constant 0 : i32
      %dma_wait3A_176 = arith.constant 0 : i32
      %dma_wait3A_177 = tpu.memref_slice %arg11[%dma_wait3A_175, %dma_wait3A_176] : memref<20224x64xf32, #tpu.memory_space<vmem_shared>> -> memref<20224x64xf32, #tpu.memory_space<vmem_shared>>
      tpu.wait_indirect_dma semaphore(%arg13 : memref<!tpu.dma_semaphore, #tpu.memory_space<semaphore_mem>>) src(%dma_wait3A_177 : memref<20224x64xf32, #tpu.memory_space<vmem_shared>>) dst(%arg10 : memref<64x64xf32, #tpu.memory_space<vmem>>)
      %dma_start3A_178 = arith.constant 0 : i32
      %dma_start3A_179 = tpu.memref_slice %arg8[%add3A_144, %dma_start3A_178] : memref<80x64xi32, #tpu.memory_space<vmem>> -> memref<1x64xi32, #tpu.memory_space<vmem>>
      %dma_start3A_180 = tpu.memref_squeeze %dma_start3A_179 : memref<1x64xi32, #tpu.memory_space<vmem>> -> memref<64xi32, #tpu.memory_space<vmem>>
      %dma_start3A_181 = arith.constant 0 : i32
      %dma_start3A_182 = arith.constant 0 : i32
      %dma_start3A_183 = tpu.memref_slice %arg11[%dma_start3A_181, %dma_start3A_182] : memref<20224x64xf32, #tpu.memory_space<vmem_shared>> -> memref<20224x64xf32, #tpu.memory_space<vmem_shared>>
      tpu.enqueue_indirect_dma source(%arg10 : memref<64x64xf32, #tpu.memory_space<vmem>>) target(%dma_start3A_183 : memref<20224x64xf32, #tpu.memory_space<vmem_shared>>) offsets(%dma_start3A_180 : memref<64xi32, #tpu.memory_space<vmem>>) semaphore(%arg15 : memref<!tpu.dma_semaphore, #tpu.memory_space<semaphore_mem>>) {add = true}
      %dma_wait3A_184 = arith.constant 0 : i32
      %dma_wait3A_185 = tpu.memref_slice %arg8[%add3A_144, %dma_wait3A_184] : memref<80x64xi32, #tpu.memory_space<vmem>> -> memref<1x64xi32, #tpu.memory_space<vmem>>
      %dma_wait3A_186 = tpu.memref_squeeze %dma_wait3A_185 : memref<1x64xi32, #tpu.memory_space<vmem>> -> memref<64xi32, #tpu.memory_space<vmem>>
      %dma_wait3A_187 = arith.constant 0 : i32
      %dma_wait3A_188 = arith.constant 0 : i32
      %dma_wait3A_189 = tpu.memref_slice %arg11[%dma_wait3A_187, %dma_wait3A_188] : memref<20224x64xf32, #tpu.memory_space<vmem_shared>> -> memref<20224x64xf32, #tpu.memory_space<vmem_shared>>
      tpu.wait_indirect_dma semaphore(%arg15 : memref<!tpu.dma_semaphore, #tpu.memory_space<semaphore_mem>>) src(%arg10 : memref<64x64xf32, #tpu.memory_space<vmem>>) dst(%dma_wait3A_189 : memref<20224x64xf32, #tpu.memory_space<vmem_shared>>)
      %add3A_190 = arith.constant 2 : i32
      %add3A_191 = arith.addi %add3A_144, %add3A_190 : i32
      %min3A_192 = arith.constant 79 : i32
      %min3A_193 = arith.minsi %add3A_191, %min3A_192 : i32
      %dma_start3A_194 = arith.constant 0 : i32
      %dma_start3A_195 = tpu.memref_slice %arg7[%min3A_193, %dma_start3A_194] : memref<80x64xi32, #tpu.memory_space<vmem>> -> memref<1x64xi32, #tpu.memory_space<vmem>>
      %dma_start3A_196 = tpu.memref_squeeze %dma_start3A_195 : memref<1x64xi32, #tpu.memory_space<vmem>> -> memref<64xi32, #tpu.memory_space<vmem>>
      %dma_start3A_197 = arith.constant 0 : i32
      %dma_start3A_198 = arith.constant 0 : i32
      %dma_start3A_199 = tpu.memref_slice %arg11[%dma_start3A_197, %dma_start3A_198] : memref<20224x64xf32, #tpu.memory_space<vmem_shared>> -> memref<20224x64xf32, #tpu.memory_space<vmem_shared>>
      tpu.enqueue_indirect_dma source(%dma_start3A_199 : memref<20224x64xf32, #tpu.memory_space<vmem_shared>>) target(%arg10 : memref<64x64xf32, #tpu.memory_space<vmem>>) offsets(%dma_start3A_196 : memref<64xi32, #tpu.memory_space<vmem>>) semaphore(%arg13 : memref<!tpu.dma_semaphore, #tpu.memory_space<semaphore_mem>>)
    }
    %scan3A_120 = arith.constant 40 : i32
    %dma_wait3A_121 = arith.constant 79 : i32
    %dma_wait3A_122 = arith.constant 0 : i32
    %dma_wait3A_123 = tpu.memref_slice %arg7[%dma_wait3A_121, %dma_wait3A_122] : memref<80x64xi32, #tpu.memory_space<vmem>> -> memref<1x64xi32, #tpu.memory_space<vmem>>
    %dma_wait3A_124 = tpu.memref_squeeze %dma_wait3A_123 : memref<1x64xi32, #tpu.memory_space<vmem>> -> memref<64xi32, #tpu.memory_space<vmem>>
    %dma_wait3A_125 = arith.constant 0 : i32
    %dma_wait3A_126 = arith.constant 0 : i32
    %dma_wait3A_127 = tpu.memref_slice %arg11[%dma_wait3A_125, %dma_wait3A_126] : memref<20224x64xf32, #tpu.memory_space<vmem_shared>> -> memref<20224x64xf32, #tpu.memory_space<vmem_shared>>
    tpu.wait_indirect_dma semaphore(%arg12 : memref<!tpu.dma_semaphore, #tpu.memory_space<semaphore_mem>>) src(%dma_wait3A_127 : memref<20224x64xf32, #tpu.memory_space<vmem_shared>>) dst(%arg9 : memref<64x64xf32, #tpu.memory_space<vmem>>)
    %dma_wait3A_128 = arith.constant 79 : i32
    %dma_wait3A_129 = arith.constant 0 : i32
    %dma_wait3A_130 = tpu.memref_slice %arg7[%dma_wait3A_128, %dma_wait3A_129] : memref<80x64xi32, #tpu.memory_space<vmem>> -> memref<1x64xi32, #tpu.memory_space<vmem>>
    %dma_wait3A_131 = tpu.memref_squeeze %dma_wait3A_130 : memref<1x64xi32, #tpu.memory_space<vmem>> -> memref<64xi32, #tpu.memory_space<vmem>>
    %dma_wait3A_132 = arith.constant 0 : i32
    %dma_wait3A_133 = arith.constant 0 : i32
    %dma_wait3A_134 = tpu.memref_slice %arg11[%dma_wait3A_132, %dma_wait3A_133] : memref<20224x64xf32, #tpu.memory_space<vmem_shared>> -> memref<20224x64xf32, #tpu.memory_space<vmem_shared>>
    tpu.wait_indirect_dma semaphore(%arg13 : memref<!tpu.dma_semaphore, #tpu.memory_space<semaphore_mem>>) src(%dma_wait3A_134 : memref<20224x64xf32, #tpu.memory_space<vmem_shared>>) dst(%arg10 : memref<64x64xf32, #tpu.memory_space<vmem>>)
    %barrier3A_135 = arith.constant 0 : index
    tpu.barrier barrier_id(%barrier3A_135)
    %add3A_136 = arith.constant 10112 : i32
    %add3A_137 = arith.addi %add3A_136, %mul3A_0 : i32
    %mul3A_138 = arith.constant 64 : i32
    %mul3A_139 = arith.muli %arg0, %mul3A_138 : i32
    "tpu.region"() ({
      %run_scoped3A = tpu.sem_alloc : memref<!tpu.dma_semaphore, #tpu.memory_space<semaphore_mem>>
      %dma_start3A_140 = tpu.memref_slice %arg6[%mul3A_0, %mul3A_139] : memref<10112x128xf32, #tpu.memory_space<hbm>> -> memref<632x64xf32, #tpu.memory_space<hbm>>
      %dma_start3A_141 = arith.constant 0 : i32
      %dma_start3A_142 = tpu.memref_slice %arg11[%add3A_137, %dma_start3A_141] : memref<20224x64xf32, #tpu.memory_space<vmem_shared>> -> memref<632x64xf32, #tpu.memory_space<vmem_shared>>
      tpu.enqueue_dma source(%dma_start3A_142 : memref<632x64xf32, #tpu.memory_space<vmem_shared>>) target(%dma_start3A_140 : memref<632x64xf32, #tpu.memory_space<hbm>>) target_semaphore(%run_scoped3A : memref<!tpu.dma_semaphore, #tpu.memory_space<semaphore_mem>>)
      %dma_wait3A_143 = tpu.memref_slice %arg6[%mul3A_0, %mul3A_139] : memref<10112x128xf32, #tpu.memory_space<hbm>> -> memref<632x64xf32, #tpu.memory_space<hbm>>
      %dma_wait3A_144 = arith.constant 0 : i32
      %dma_wait3A_145 = tpu.memref_slice %arg11[%add3A_137, %dma_wait3A_144] : memref<20224x64xf32, #tpu.memory_space<vmem_shared>> -> memref<632x64xf32, #tpu.memory_space<vmem_shared>>
      tpu.wait_dma2 semaphore(%run_scoped3A : memref<!tpu.dma_semaphore, #tpu.memory_space<semaphore_mem>>) src(%dma_wait3A_145 : memref<632x64xf32, #tpu.memory_space<vmem_shared>>) dst(%dma_wait3A_143 : memref<632x64xf32, #tpu.memory_space<hbm>>)
      tpu.yield
    }) : () -> ()
    return
  }
}

module attributes {stable_mosaic.version = 14 : i64} {
  func.func @_mm_split_body(%arg0: memref<10000x128xf32, #tpu.memory_space<vmem>>, %arg1: memref<128x128xf32, #tpu.memory_space<vmem>>, %arg2: memref<2x10112x64xf32, #tpu.memory_space<vmem>>) attributes {dimension_semantics = [], scalar_prefetch = 0 : i64, scratch_operands = 0 : i64, tpu.core_type = #tpu.core_type<tc>} {
    %get3A = arith.constant 0 : index
    %get3A_0 = arith.constant 0 : index
    %get3A_1 = vector.load %arg0[%get3A, %get3A_0] : memref<10000x128xf32, #tpu.memory_space<vmem>>, vector<10000x128xf32>
    %get3A_2 = arith.constant 0 : index
    %get3A_3 = arith.constant 0 : index
    %get3A_4 = vector.load %arg1[%get3A_2, %get3A_3] : memref<128x128xf32, #tpu.memory_space<vmem>>, vector<128x128xf32>
    %dot_general3A = arith.constant dense<0.000000e+00> : vector<10000x128xf32>
    %dot_general3A_5 = tpu.matmul %get3A_1, %get3A_4, %dot_general3A {dimension_numbers = #tpu.dot_dimension_numbers<[1], [0], [0], [1], [0, 0, 1, 1], [], []>, transpose_lhs_hint = false} : vector<10000x128xf32>, vector<128x128xf32>, vector<10000x128xf32> -> vector<10000x128xf32>
    %slice3A = vector.extract_strided_slice %dot_general3A_5 {offsets = [0, 0], sizes = [10000, 64], strides = [1, 1]} : vector<10000x128xf32> to vector<10000x64xf32>
    %swap3A = arith.constant 0 : index
    %swap3A_6 = arith.constant 0 : index
    %swap3A_7 = arith.constant 0 : index
    %swap3A_8 = vector.load %arg2[%swap3A, %swap3A_6, %swap3A_7] : memref<2x10112x64xf32, #tpu.memory_space<vmem>>, vector<1x10000x64xf32>
    %swap3A_9 = vector.shape_cast %swap3A_8 : vector<1x10000x64xf32> to vector<10000x64xf32>
    %swap3A_10 = vector.shape_cast %slice3A : vector<10000x64xf32> to vector<1x10000x64xf32>
    tpu.vector_store %arg2[%swap3A, %swap3A_6, %swap3A_7], %swap3A_10 {strides = array<i32>} : memref<2x10112x64xf32, #tpu.memory_space<vmem>>, vector<1x10000x64xf32>,
    %slice3A_11 = vector.extract_strided_slice %dot_general3A_5 {offsets = [0, 64], sizes = [10000, 64], strides = [1, 1]} : vector<10000x128xf32> to vector<10000x64xf32>
    %swap3A_12 = arith.constant 1 : index
    %swap3A_13 = arith.constant 0 : index
    %swap3A_14 = arith.constant 0 : index
    %swap3A_15 = vector.load %arg2[%swap3A_12, %swap3A_13, %swap3A_14] : memref<2x10112x64xf32, #tpu.memory_space<vmem>>, vector<1x10000x64xf32>
    %swap3A_16 = vector.shape_cast %swap3A_15 : vector<1x10000x64xf32> to vector<10000x64xf32>
    %swap3A_17 = vector.shape_cast %slice3A_11 : vector<10000x64xf32> to vector<1x10000x64xf32>
    tpu.vector_store %arg2[%swap3A_12, %swap3A_13, %swap3A_14], %swap3A_17 {strides = array<i32>} : memref<2x10112x64xf32, #tpu.memory_space<vmem>>, vector<1x10000x64xf32>,
    return
  }
}

module attributes {stable_mosaic.version = 14 : i64} {
  func.func @_relu_mm_body(%arg0: memref<10112x128xf32, #tpu.memory_space<vmem>>, %arg1: memref<128x128xf32, #tpu.memory_space<vmem>>, %arg2: memref<2x10112x64xf32, #tpu.memory_space<vmem>>) attributes {dimension_semantics = [], scalar_prefetch = 0 : i64, scratch_operands = 0 : i64, tpu.core_type = #tpu.core_type<tc>} {
    %get3A = arith.constant 0 : index
    %get3A_0 = arith.constant 0 : index
    %get3A_1 = vector.load %arg0[%get3A, %get3A_0] : memref<10112x128xf32, #tpu.memory_space<vmem>>, vector<10000x128xf32>
    %max3A = arith.constant 0.000000e+00 : f32
    %max3A_2 = vector.broadcast %max3A : f32 to vector<10000x128xf32>
    %max3A_3 = arith.maximumf %get3A_1, %max3A_2 : vector<10000x128xf32>
    %get3A_4 = arith.constant 0 : index
    %get3A_5 = arith.constant 0 : index
    %get3A_6 = vector.load %arg1[%get3A_4, %get3A_5] : memref<128x128xf32, #tpu.memory_space<vmem>>, vector<128x128xf32>
    %dot_general3A = arith.constant dense<0.000000e+00> : vector<10000x128xf32>
    %dot_general3A_7 = tpu.matmul %max3A_3, %get3A_6, %dot_general3A {dimension_numbers = #tpu.dot_dimension_numbers<[1], [0], [0], [1], [0, 0, 1, 1], [], []>, transpose_lhs_hint = false} : vector<10000x128xf32>, vector<128x128xf32>, vector<10000x128xf32> -> vector<10000x128xf32>
    %slice3A = vector.extract_strided_slice %dot_general3A_7 {offsets = [0, 0], sizes = [10000, 64], strides = [1, 1]} : vector<10000x128xf32> to vector<10000x64xf32>
    %swap3A = arith.constant 0 : index
    %swap3A_8 = arith.constant 0 : index
    %swap3A_9 = arith.constant 0 : index
    %swap3A_10 = vector.load %arg2[%swap3A, %swap3A_8, %swap3A_9] : memref<2x10112x64xf32, #tpu.memory_space<vmem>>, vector<1x10000x64xf32>
    %swap3A_11 = vector.shape_cast %swap3A_10 : vector<1x10000x64xf32> to vector<10000x64xf32>
    %swap3A_12 = vector.shape_cast %slice3A : vector<10000x64xf32> to vector<1x10000x64xf32>
    tpu.vector_store %arg2[%swap3A, %swap3A_8, %swap3A_9], %swap3A_12 {strides = array<i32>} : memref<2x10112x64xf32, #tpu.memory_space<vmem>>, vector<1x10000x64xf32>,
    %slice3A_13 = vector.extract_strided_slice %dot_general3A_7 {offsets = [0, 64], sizes = [10000, 64], strides = [1, 1]} : vector<10000x128xf32> to vector<10000x64xf32>
    %swap3A_14 = arith.constant 1 : index
    %swap3A_15 = arith.constant 0 : index
    %swap3A_16 = arith.constant 0 : index
    %swap3A_17 = vector.load %arg2[%swap3A_14, %swap3A_15, %swap3A_16] : memref<2x10112x64xf32, #tpu.memory_space<vmem>>, vector<1x10000x64xf32>
    %swap3A_18 = vector.shape_cast %swap3A_17 : vector<1x10000x64xf32> to vector<10000x64xf32>
    %swap3A_19 = vector.shape_cast %slice3A_13 : vector<10000x64xf32> to vector<1x10000x64xf32>
    tpu.vector_store %arg2[%swap3A_14, %swap3A_15, %swap3A_16], %swap3A_19 {strides = array<i32>} : memref<2x10112x64xf32, #tpu.memory_space<vmem>>, vector<1x10000x64xf32>,
    return
  }
}

</mosaic_0001>

<sc_bundles>
// kernel: kernel.6.cloned.1.call-start
scs
__scs_entry_jumppad:
0x0: {  	(pc) =	sbr.rel $0x88, $3  }
0x1: {  	(tag) =	ssettag $0x0;
	lr =	simm.s32 $0x1  }
0x2: {  	[smem:$0x3F9B] =	sst lr;
	_ =	strace $0xD0000000  }
0x3: {  	_ = 	snop  }
0x4: {  	_ = 	snop  }
0x5: {  	_ = 	snop  }
0x6: {  	_ = 	snop  }
0x7: {  	_ = 	snop  }
__scs_overlays_trampoline_lowered:
0x8: {  	[smem:$0x3FAA] =	sst s0  }
0x9: {  	[smem:$0x3FAB] =	sst s1  }
0xa: {  	[smem:$0x3FAC] =	sst s2  }
0xb: {  	[smem:$0x3FAD] =	sst s3  }
0xc: {  	[smem:$0x3FAE] =	sst s4  }
0xd: {  	[smem:$0x3FAF] =	sst s5  }
0xe: {  	[smem:$0x3FB0] =	sst s6  }
0xf: {  	[smem:$0x3FB1] =	sst s7  }
0x10: {  	[smem:$0x3FB2] =	sst s8  }
0x11: {  	[smem:$0x3FB3] =	sst s9;
	s0 =	simm.s32 @!p0 $0x0  }
0x12: {  	s1 =	sld [smem:$0x3F99];
	s0 =	simm.s32 @p0 $0x1  }
0x13: {  	[smem:$0x3FB4] =	sst s0;
	s0 =	simm.s32 @!p1 $0x0  }
0x14: {  	s2 =	sld [smem:$0x3F98];
	s0 =	simm.s32 @p1 $0x1  }
0x15: {  	[smem:$0x3FB5] =	sst s0;
	s0 =	simm.s32 @!p2 $0x0  }
0x16: {  	s3 =	sld [smem:$0x3FDB];
	s0 =	simm.s32 @p2 $0x1  }
0x17: {  	s4 =	simm.s32 $0x1BF5;
	[smem:$0x3FB7] =	sst s0  }
0x18: {  	s0 =	sld [smem:$0x3F9A];
	_ =	swait.ge [sflag:s4], $0x0  }
0x19: {  	s7 =	sld [smem:$0x3F9B]  }
0x1a: {  	s8 =	sadd.s32 $0xFFFFE003, lr  }
0x1b: {  	s9 =	sadd.s32 $0xFFFFFEF7, lr;
	s5 =	simm.s32 $0xFFFFFFFF;
	p2 =	slt.u32 s8, $0xFFFFF086  }
0x1c: {  	p1 =	slt.u32 s9, $0xF7A;
	s5 =	simm.s32 @!p2 $0x0  }
0x1d: {  	s5 =	simm.s32 @p1 $0x1;
	p0 =	seq.s32 s7, s2  }
0x1e: {  	s7 =	smul.u32 @!p0 $0xF7A, s2;
	p2 =	seq.s32 @!p0 s5, $0x0  }
0x1f: {  	s9 =	smul.u32 $0xF7A, s1;
	s8 =	simm.s32 @!p0 $0x1BF5;
	p2 =	por !p2, p0  }
0x20: {  	[sflag:s8] =	ssyncset.s32 @!p0 $0xFFFFF086;
	s6 =	sadd.s32 @!p0 s3, s7;
	s7 =	simm.s32 @!p0 $0x108  }
0x21: {  	s3 =	sadd.s32 s3, s9;
	s6 =	sadd.s32 @!p0 $0x88, s6;
	s7 =	simm.s32 @p2 $0x1082  }
0x22: {  	[simem:s7], [sflag:s8] =	dma.local @!p0 [hbm:s6], $0xF7A  }
0x23: {  	s9 =	sor.u32 $0xD0000000, s2;
	s6 =	simm.s32 $0x108;
	_ =	swait.ge @!p0 [sflag:s8], $0x0  }
0x24: {  	s3 =	sadd.s32 $0x88, s3;
	s6 =	simm.s32 @!p1 $0x1082;
	[sflag:s4] =	ssyncset.s32 $0xFFFFF086  }
0x25: {  	[simem:s6], [sflag:s4] =	dma.local [hbm:s3], $0xF7A  }
0x26: {  	[smem:$0x3F9B] =	sst s1;
	(tag) =	ssettag s2;
	_ =	strace s9  }
0x27: {  	s1 =	sld [smem:$0x3FAB]  }
0x28: {  	s2 =	sld [smem:$0x3FAC]  }
0x29: {  	s4 =	sld [smem:$0x3FAE]  }
0x2a: {  	p0 =	seq.s32 s5, $0x0;
	s5 =	sld [smem:$0x3FAF]  }
0x2b: {  	s6 =	sld [smem:$0x3FB0]  }
0x2c: {  	s7 =	sld [smem:$0x3FB1]  }
0x2d: {  	s3 =	simm.s32 $0x108;
	s8 =	sld [smem:$0x3FB2]  }
0x2e: {  	s3 =	simm.s32 @!p0 $0x1082;
	s9 =	sld [smem:$0x3FB3]  }
0x2f: {  	lr =	sadd.s32 s0, s3;
	s0 =	sld [smem:$0x3FAA]  }
0x30: {  	s3 =	sld [smem:$0x3FAD]  }
0x31: {  	[smem:$0x3FB6] =	sst s10  }
0x32: {  	s10 =	sld [smem:$0x3FB4];
	_ =	sdelay $0x3  }
0x33: {  	p0 =	seq.s32 s10, $0x1;
	s10 =	sld [smem:$0x3FB6];
	_ =	sdelay $0x3  }
0x34: {  	[smem:$0x3FB6] =	sst s10  }
0x35: {  	s10 =	sld [smem:$0x3FB5];
	_ =	sdelay $0x3  }
0x36: {  	p1 =	seq.s32 s10, $0x1;
	s10 =	sld [smem:$0x3FB6];
	_ =	sdelay $0x3  }
0x37: {  	[smem:$0x3FB6] =	sst s10  }
0x38: {  	s10 =	sld [smem:$0x3FB7]  }
0x39: {  	_ = 	snop;
	(pc) =	sbr.ind lr, $3  }
0x3a: {  	_ = 	snop  }
0x3b: {  	_ = 	snop  }
0x3c: {  	p2 =	seq.s32 s10, $0x1;
	s10 =	sld [smem:$0x3FB6]  }
0x3d: {  	_ =	shalt  }
0x3e: {  	_ =	shalt  }
0x3f: {  	_ =	shalt  }
0x40: {  	_ =	shalt  }
0x41: {  	_ =	shalt  }
0x42: {  	_ =	shalt  }
0x43: {  	_ =	shalt  }
0x44: {  	_ =	shalt  }
0x45: {  	_ =	shalt  }
0x46: {  	_ =	shalt  }
0x47: {  	_ =	shalt  }
0x48: {  	_ =	shalt  }
0x49: {  	_ =	shalt  }
0x4a: {  	_ =	shalt  }
0x4b: {  	_ =	shalt  }
0x4c: {  	_ =	shalt  }
0x4d: {  	_ =	shalt  }
0x4e: {  	_ =	shalt  }
0x4f: {  	_ =	shalt  }
0x50: {  	_ =	shalt  }
0x51: {  	_ =	shalt  }
0x52: {  	_ =	shalt  }
0x53: {  	_ =	shalt  }
0x54: {  	_ =	shalt  }
0x55: {  	_ =	shalt  }
0x56: {  	_ =	shalt  }
0x57: {  	_ =	shalt  }
0x58: {  	_ =	shalt  }
0x59: {  	_ =	shalt  }
0x5a: {  	_ =	shalt  }
0x5b: {  	_ =	shalt  }
0x5c: {  	_ =	shalt  }
0x5d: {  	_ =	shalt  }
0x5e: {  	_ =	shalt  }
0x5f: {  	_ =	shalt  }
0x60: {  	_ =	shalt  }
0x61: {  	_ =	shalt  }
0x62: {  	_ =	shalt  }
0x63: {  	_ =	shalt  }
0x64: {  	_ =	shalt  }
0x65: {  	_ =	shalt  }
0x66: {  	_ =	shalt  }
0x67: {  	_ =	shalt  }
0x68: {  	_ =	shalt  }
0x69: {  	_ =	shalt  }
0x6a: {  	_ =	shalt  }
0x6b: {  	_ =	shalt  }
0x6c: {  	_ =	shalt  }
0x6d: {  	_ =	shalt  }
0x6e: {  	_ =	shalt  }
0x6f: {  	_ =	shalt  }
0x70: {  	_ =	shalt  }
0x71: {  	_ =	shalt  }
0x72: {  	_ =	shalt  }
0x73: {  	_ =	shalt  }
0x74: {  	_ =	shalt  }
0x75: {  	_ =	shalt  }
0x76: {  	_ =	shalt  }
0x77: {  	_ =	shalt  }
0x78: {  	_ =	shalt  }
0x79: {  	_ =	shalt  }
0x7a: {  	_ =	shalt  }
0x7b: {  	_ =	shalt  }
0x7c: {  	_ =	shalt  }
0x7d: {  	_ =	shalt  }
0x7e: {  	_ =	shalt  }
0x7f: {  	_ =	shalt  }
0x80: {  	_ =	shalt  }
0x81: {  	_ =	shalt  }
0x82: {  	_ =	shalt  }
0x83: {  	_ =	shalt  }
0x84: {  	_ =	shalt  }
0x85: {  	_ =	shalt  }
0x86: {  	_ =	shalt  }
0x87: {  	_ =	shalt  }
.Lfunc_end0:
.L_simem_size_0:
called_computation_lowered:
.L_overlay_start_0:
0x88: {  	s2 =	sld [smem:$0x3FD9]  }
0x89: {  	s3 =	sld [smem:$0x3FFE];
	_ =	sdelay $0x1  }
0x8a: {  	s1 =	srdreg.scid  }
0x8b: {  	s0 =	sand.u32 $0x1, s1  }
0x8c: {  	s17 =	sshll.u32 s0, $0xA;
	s2 =	sadd.s32 s3, s2  }
0x8d: {  	s2 =	sadd.s32 s2, s17  }
0x8e: {  	[smem:$0x3FC2] =	sst s2  }
0x8f: {  	_ = 	snop  }
0x90: {  	s2 =	sld [smem:$0x3FD0];
	(tm) =	ssettm $0x1  }
0x91: {  	s18 =	sld [smem:$0x3FFB];
	_ =	sdelay $0x3  }
0x92: {  	_ =	strace s18  }
0x93: {  	s3 =	sld [smem:$0x3FFC];
	_ =	sdelay $0x3  }
0x94: {  	_ =	strace s3  }
0x95: {  	s3 =	sld [smem:$0x3FFD];
	_ =	sdelay $0x3  }
0x96: {  	_ =	strace s3  }
0x97: {  	_ =	strace $0x8FFFFFFF  }
0x98: {  	s19 =	sld [smem:$0x3FDB];
	_ =	sdelay $0x1  }
0x99: {  	s4 =	simm.s32 $_scs_section_size  }
0x9a: {  	s5 =	simm.s32 $_size__tile_overlayer_lowered;
	s6 =	simm.s32 $_tile_overlayer_lowered  }
0x9b: {  	s22 =	simm.s32 $0x1BFF;
	s21 =	sshll.u32 s6, $0x1;
	s3 =	sadd.s32 s4, s19  }
0x9c: {  	s7 =	simm.s32 $0x0;
	s20 =	sshll.u32 s5, $0x1;
	s5 =	sadd.s32 s21, s3  }
0x9d: {  	[timem:s7], [sflag:s22] =	dma.local [hbm:s5], s20  }
0x9e: {  	_ =	swait.ge [sflag:s22], s20  }
0x9f: {  	s4 =	ssub.s32 $0x0, s20;
	[sflag:s22] =	ssyncset.done $0x0  }
0xa0: {  	[sflag:s22] =	ssyncadd.s32 s4;
	_ =	sdelay $0x1  }
0xa1: {  	s23 =	simm.s32 $0x1B8B  }
0xa2: {  	_ =	swait.ge [sflag:s23], $0x1  }
0xa3: {  	[sflag:s23] =	ssyncset.done $0x0  }
0xa4: {  	s25 =	simm.s32 $0x1B8E;
	s24 =	sld [smem:$0x3FFE];
	[sflag:s23] =	ssyncadd.s32 $0xFFFFFFFF  }
0xa5: {  	s26 =	simm.s32 $execute0_lowered;
	[smem:$0x3FD2] =	sst s25  }
0xa6: {  	s5 =	sshll.u32 s26, $0x1;
	_ =	strace $0x80000046;
	[dreg:$0x1] =	wrdreg $0xFFFFFFFF  }
0xa7: {  	s28 =	simm.s32 $_size_execute0_lowered;
	s3 =	sadd.s32 s3, s5;
	[dreg:$0x0] =	wrdreg $0x0  }
0xa8: {  	s5 =	sshll.u32 s28, $0x1;
	[dreg:$0x2] =	wrdreg s3  }
0xa9: {  	[dreg:$0x3] =	wrdreg s5  }
0xaa: {  	[dreg:$0x4] =	wrdreg $0xC0  }
0xab: {  	_ =	task [dreg:s7], $0x5FFFF  }
0xac: {  	[dreg:$0x1] =	wrdreg $0xFFFFFFFF  }
0xad: {  	[dreg:$0x0] =	wrdreg $0x60  }
0xae: {  	[dreg:$0x2] =	wrdreg s24  }
0xaf: {  	[dreg:$0x3] =	wrdreg s2  }
0xb0: {  	[dreg:$0x4] =	wrdreg $0x48000  }
0xb1: {  	[dreg:$0x5] =	wrdreg $0x9  }
0xb2: {  	_ =	task.clear_ibuf [dreg:s7], $0x6FFFF;
	_ =	strace $0x90000046  }
0xb3: {  	s29 =	simm.s32 $0x9;
	_ =	strace $0x80000048  }
0xb4: {  	_ =	swait.ge [sflag:s29], $0x1  }
0xb5: {  	[sflag:s29] =	ssyncadd.s32 $0xFFFFFFFF  }
0xb6: {  	_ =	strace $0x90000048  }
0xb7: {  	_ =	sfence  }
0xb8: {  	s30 =	sld [smem:$0x0];
	_ =	sdelay $0x2  }
0xb9: {  	s31 =	sshll.u32 s1, $0xD;
	s1 =	sshrl.u32 s1, $0x2  }
0xba: {  	s3 =	sand.u32 $0x4000, s31;
	s1 =	sadd.s32 s1, s30  }
0xbb: {  	s0 =	sor.u32 s3, s0;
	s1 =	sshll.u32 s1, $0x11  }
0xbc: {  	s0 =	sor.u32 s1, s0  }
0xbd: {  	s0 =	sadd.s32 $0x8F2B, s0  }
0xbe: {  	[sflag:s0] =	ssyncadd.remote.s32 $0x1  }
0xbf: {  	_ =	sfence.sel $0xFFFF  }
0xc0: {  	[dreg:$0x0] =	wrdreg $0xFFFFFFFF;
	(pc) =	sbr.abs _section_cstart, $3  }
0xc1: {  	[dreg:$0x1] =	wrdreg $0xFFFFFFFF  }
0xc2: {  	_ =	task.clear_ibuf [dreg:s7], $0x2FFFF;
	_ =	strace $0x9FFFFFFF  }
0xc3: {  	(tm) =	ssettm $0x7FFFFFFF  }
tec
execute0_lowered:
.L_overlay_start_1:
0x0: {  	(tag) =	ssettag $0x1  }
0x1: {  	s0 =	rddreg [dreg:$0x0]  }
0x2: {  	s2 =	rddreg [dreg:$0x1]  }
0x3: {  	s1 =	rddreg [dreg:$0x2];
	s12 =	stileid.u32  }
0x4: {  	s3 =	srdreg.scid;
	s28 =	simm.s32 $0x4;
	s6 =	smul.u32 $0x9E00, s12  }
0x5: {  	s29 =	simm.s32 $0x2700;
	s30 =	simm.s32 $0x1380;
	s7 =	smul.u32 $0x13C00, s12  }
0x6: {  	s31 =	simm.s32 $0x2740;
	s4 =	sand.u32 $0x1, s3;
	s10 =	smul.u32 $0x27800, s12  }
0x7: {  	s3 =	simm.s32 $0x0;
	s8 =	sadd.s32 $0x50200, s0;
	s18 =	smul.u32 $0x5000, s12  }
0x8: {  	s20 =	sshll.u32 s12, $0x6;
	s5 =	smul.u32 $0x9E000, s4;
	[smem:$0x7FF] =	sst s3  }
0x9: {  	s9 =	sshll.u32 s4, $0x6;
	s4 =	ssub.s32 $0x2, s4;
	_ =	strace $0x80000047  }
0xa: {  	s7 =	sor.u32 s9, s7;
	s16 =	sshrl.u32 s4, $0x1;
	s17 =	sshrl.u32 s10, $0x2  }
0xb: {  	s5 =	sadd.s32 s6, s5;
	s7 =	sshrl.u32 s7, $0x3;
	s4 =	ssub.s32 s4, s16  }
0xc: {  	s6 =	sadd.s32 s6, s1;
	s10 =	sadd.s32 s17, s1;
	s5 =	sshrl.u32 s5, $0x3  }
0xd: {  	s21 =	sadd.s32 $0x9E000, s10;
	s17 =	smax.u32 s4, $0x1;
	s4 =	simm.s32 $0x27C0  }
0xe: {  	s11 =	sadd.s32 s5, s0;
	s0 =	sadd.s32 s7, s0;
	s5 =	sor.u32 $0x1C05, s20  }
0xf: {  	[dreg:$0x5] =	wrdreg s21;
	s7 =	sshrl.u32 s18, $0x3;
	s18 =	sshrl.u32 s6, $0x3  }
0x10: {  	s20 =	simm.s32 $0x1400;
	s21 =	simm.s32 $0x40;
	s6 =	simm.s32 $0x0  }
0x11: {  	s19 =	sadd.s32 $0x28A00, s11;
	s22 =	sadd.s32 $0x1200, s11;
	s23 =	sadd.s32 s2, s7  }
0x12: {  	s24 =	sadd.s32 $0x280, s7;
	s25 =	sadd.s32 s8, s7;
	[dreg:$0x4] =	wrdreg s19  }
0x13: {  	s13 =	sadd.s32 $0x500, s7;
	s7 =	sadd.s32 $0x780, s7;
	[dreg:$0x6] =	wrdreg s22  }
0x14: {  	s16 =	sadd.s32 $0x5A200, s0;
	s0 =	simm.s32 $0x13C0;
	[dreg:$0x7] =	wrdreg s23  }
0x15: {  	[dreg:$0x8] =	wrdreg s25;
	s26 =	sadd.s32 s2, s24;
	s11 =	sadd.s32 s8, s24  }
0x16: {  	s12 =	sadd.s32 s2, s13;
	s13 =	sadd.s32 s8, s13;
	s14 =	sadd.s32 s2, s7  }
0x17: {  	s15 =	sadd.s32 s8, s7;
	s19 =	simm.s32 $0x5;
	s22 =	simm.s32 $0x2800  }
0x18: {  	s23 =	simm.s32 $0x3800;
	s24 =	simm.s32 $0x1;
	s25 =	simm.s32 $0x3  }
0x19: {  	s2 =	simm.s32 $0x2780;
	[dreg:$0x9] =	wrdreg s26;
	s26 =	simm.s32 $0x2  }
.LBB2_1:
0x1a: {  	s7 =	rddreg [dreg:$0x4]  }
0x1b: {  	[spmem:s18], [sflag:s5] =	dma.local [hbm:s7], $0x13C0  }
0x1c: {  	_ =	swait.ge [sflag:s19], $0x13C0  }
0x1d: {  	[sflag:s19] =	ssyncset.done $0x0;
	s9 =	rddreg [dreg:$0x5]  }
0x1e: {  	s8 =	rddreg [dreg:$0x6];
	[sflag:s19] =	ssyncadd.s32 $0xFFFFEC40;
	s7 =	sshrl.u32 s9, $0x3  }
0x1f: {  	[spmem:s7], [sflag:s5] =	dma.local [hbm:s8], $0x13C0  }
0x20: {  	_ =	swait.ge [sflag:s19], $0x13C0  }
0x21: {  	[sflag:s19] =	ssyncset.done $0x0  }
0x22: {  	[sflag:s19] =	ssyncadd.s32 $0xFFFFEC40  }
0x23: {  	[bflag:$0x0] =	sbarrier.arrive $0xFFFF  }
0x24: {  	s10 =	rddreg [dreg:$0x7]  }
0x25: {  	[tilespmem:s3], [sflag:$0x5] =	stream.linear.gather [hbm4b:s10+s3], $0x1400, $0x38;
	[tilespmem:$0x18400] =	vst v63  }
0x26: {  	_ =	swait.ge [sflag:s19], $0x1400  }
0x27: {  	[sflag:s19] =	ssyncset.done $0x0  }
0x28: {  	s9 =	rddreg [dreg:$0x8];
	[sflag:s19] =	ssyncadd.s32 $0xFFFFEC00  }
0x29: {  	[tilespmem:s20], [sflag:$0x5] =	stream.linear.gather [hbm4b:s9+s3], $0x1400, $0x38;
	[tilespmem:$0x18400] =	vst v63  }
0x2a: {  	_ =	swait.ge [sflag:s19], $0x1400  }
0x2b: {  	[sflag:s19] =	ssyncset.done $0x0  }
0x2c: {  	[sflag:s19] =	ssyncadd.s32 $0xFFFFEC00  }
0x2d: {  	[tilespmem:s22], [sflag:$0x1] =	stream.indirect.gather [spmem:s1], $0x40, s3, s21, $0xb8;
	[tilespmem:$0x18400] =	vst v63  }
0x2e: {  	_ = 	snop  }
0x2f: {  	[tilespmem:s23], [sflag:$0x2] =	stream.indirect.gather [spmem:s1], $0x40, s21, s21, $0xb8;
	[tilespmem:$0x18400] =	vst v63  }
0x30: {  	_ =	swait.ge [sflag:s24], $0x1000  }
0x31: {  	[sflag:s24] =	ssyncset.done $0x0  }
0x32: {  	s10 =	simm.s32 $0x1400;
	[sflag:s24] =	ssyncadd.s32 $0xFFFFF000  }
0x33: {  	[spmem:s1] =	stream.indirect.scatter.add.f32 [tilespmem:s22], [sflag:$0x3], $0x40, s10, s21, $0xb8;
	[tilespmem:$0x18400] =	vst v63  }
0x34: {  	_ =	swait.ge [sflag:s25], $0x1000  }
0x35: {  	[sflag:s25] =	ssyncset.done $0x0  }
0x36: {  	s9 =	simm.s32 $0x80;
	[sflag:s25] =	ssyncadd.s32 $0xFFFFF000  }
0x37: {  	[tilespmem:s22], [sflag:$0x1] =	stream.indirect.gather [spmem:s1], $0x40, s9, s21, $0xb8;
	[tilespmem:$0x18400] =	vst v63  }
0x38: {  	_ =	swait.ge [sflag:s26], $0x1000  }
0x39: {  	[sflag:s26] =	ssyncset.done $0x0  }
0x3a: {  	s10 =	simm.s32 $0x1440;
	[sflag:s26] =	ssyncadd.s32 $0xFFFFF000  }
0x3b: {  	[spmem:s1] =	stream.indirect.scatter.add.f32 [tilespmem:s23], [sflag:$0x4], $0x40, s10, s21, $0xb8;
	[tilespmem:$0x18400] =	vst v63  }
0x3c: {  	_ =	swait.ge [sflag:s28], $0x1000  }
0x3d: {  	[sflag:s28] =	ssyncset.done $0x0  }
0x3e: {  	s8 =	simm.s32 $0x200;
	s9 =	simm.s32 $0xC0;
	[sflag:s28] =	ssyncadd.s32 $0xFFFFF000  }
.LBB2_2:
0x3f: {  	[tilespmem:s23], [sflag:$0x2] =	stream.indirect.gather [spmem:s1], $0x40, s9, s21, $0xb8;
	[tilespmem:$0x18400] =	vst v63  }
0x40: {  	s9 =	smov.u32 s8  }
0x41: {  	p0 =	sne.s32 s8, $0x4A00;
	s8 =	sadd.s32 $0x200, s8;
	_ =	swait.ge [sflag:s24], $0x1000  }
0x42: {  	s9 =	sshra.s32 s9, $0x2;
	[sflag:s24] =	ssyncset.done $0x0  }
0x43: {  	s10 =	sadd.s32 $0x1400, s9;
	[sflag:s24] =	ssyncadd.s32 $0xFFFFF000  }
0x44: {  	[spmem:s1] =	stream.indirect.scatter.add.f32 [tilespmem:s22], [sflag:$0x3], $0x40, s10, s21, $0xb8;
	[tilespmem:$0x18400] =	vst v63  }
0x45: {  	_ =	swait.ge [sflag:s25], $0x1000  }
0x46: {  	[sflag:s25] =	ssyncset.done $0x0  }
0x47: {  	s10 =	sadd.s32 $0x80, s9;
	[sflag:s25] =	ssyncadd.s32 $0xFFFFF000  }
0x48: {  	[tilespmem:s22], [sflag:$0x1] =	stream.indirect.gather [spmem:s1], $0x40, s10, s21, $0xb8;
	[tilespmem:$0x18400] =	vst v63  }
0x49: {  	_ =	swait.ge [sflag:s26], $0x1000  }
0x4a: {  	[sflag:s26] =	ssyncset.done $0x0  }
.Ltmp0:
0x4b: {  	s10 =	sadd.s32 $0x1440, s9;
	[sflag:s26] =	ssyncadd.s32 $0xFFFFF000;
	(pc) =	sbr.rel @p0 .LBB2_2-.Ltmp0, $4  }
0x4c: {  	[spmem:s1] =	stream.indirect.scatter.add.f32 [tilespmem:s23], [sflag:$0x4], $0x40, s10, s21, $0xb8;
	[tilespmem:$0x18400] =	vst v63  }
0x4d: {  	_ =	swait.ge [sflag:s28], $0x1000  }
0x4e: {  	[sflag:s28] =	ssyncset.done $0x0  }
0x4f: {  	s9 =	sadd.s32 $0xC0, s9;
	[sflag:s28] =	ssyncadd.s32 $0xFFFFF000  }
0x50: {  	[tilespmem:s23], [sflag:$0x2] =	stream.indirect.gather [spmem:s1], $0x40, s9, s21, $0xb8;
	[tilespmem:$0x18400] =	vst v63  }
0x51: {  	_ =	swait.ge [sflag:s24], $0x1000  }
0x52: {  	[sflag:s24] =	ssyncset.done $0x0  }
0x53: {  	[sflag:s24] =	ssyncadd.s32 $0xFFFFF000  }
0x54: {  	[spmem:s1] =	stream.indirect.scatter.add.f32 [tilespmem:s22], [sflag:$0x3], $0x40, s29, s21, $0xb8;
	[tilespmem:$0x18400] =	vst v63  }
0x55: {  	_ =	swait.ge [sflag:s25], $0x1000  }
0x56: {  	[sflag:s25] =	ssyncset.done $0x0  }
0x57: {  	[sflag:s25] =	ssyncadd.s32 $0xFFFFF000  }
0x58: {  	[tilespmem:s22], [sflag:$0x1] =	stream.indirect.gather [spmem:s1], $0x40, s30, s21, $0xb8;
	[tilespmem:$0x18400] =	vst v63  }
0x59: {  	_ =	swait.ge [sflag:s26], $0x1000  }
0x5a: {  	[sflag:s26] =	ssyncset.done $0x0  }
0x5b: {  	[sflag:s26] =	ssyncadd.s32 $0xFFFFF000  }
0x5c: {  	[spmem:s1] =	stream.indirect.scatter.add.f32 [tilespmem:s23], [sflag:$0x4], $0x40, s31, s21, $0xb8;
	[tilespmem:$0x18400] =	vst v63  }
0x5d: {  	_ =	swait.ge [sflag:s28], $0x1000  }
0x5e: {  	[sflag:s28] =	ssyncset.done $0x0  }
0x5f: {  	[sflag:s28] =	ssyncadd.s32 $0xFFFFF000  }
0x60: {  	[tilespmem:s23], [sflag:$0x2] =	stream.indirect.gather [spmem:s1], $0x40, s0, s21, $0xb8;
	[tilespmem:$0x18400] =	vst v63  }
0x61: {  	_ =	swait.ge [sflag:s24], $0x1000  }
0x62: {  	[sflag:s24] =	ssyncset.done $0x0  }
0x63: {  	[sflag:s24] =	ssyncadd.s32 $0xFFFFF000  }
0x64: {  	[spmem:s1] =	stream.indirect.scatter.add.f32 [tilespmem:s22], [sflag:$0x3], $0x40, s2, s21, $0xb8;
	[tilespmem:$0x18400] =	vst v63  }
0x65: {  	_ =	swait.ge [sflag:s25], $0x1000  }
0x66: {  	[sflag:s25] =	ssyncset.done $0x0  }
0x67: {  	[sflag:s25] =	ssyncadd.s32 $0xFFFFF000  }
0x68: {  	[tilespmem:s22], [sflag:$0x1] =	stream.indirect.gather [spmem:s1], $0x40, s0, s21, $0xb8;
	[tilespmem:$0x18400] =	vst v63  }
0x69: {  	_ =	swait.ge [sflag:s26], $0x1000  }
0x6a: {  	[sflag:s26] =	ssyncset.done $0x0  }
0x6b: {  	[sflag:s26] =	ssyncadd.s32 $0xFFFFF000  }
0x6c: {  	[spmem:s1] =	stream.indirect.scatter.add.f32 [tilespmem:s23], [sflag:$0x4], $0x40, s4, s21, $0xb8;
	[tilespmem:$0x18400] =	vst v63  }
0x6d: {  	_ =	swait.ge [sflag:s28], $0x1000  }
0x6e: {  	[sflag:s28] =	ssyncset.done $0x0  }
0x6f: {  	[sflag:s28] =	ssyncadd.s32 $0xFFFFF000  }
0x70: {  	[tilespmem:s23], [sflag:$0x2] =	stream.indirect.gather [spmem:s1], $0x40, s0, s21, $0xb8;
	[tilespmem:$0x18400] =	vst v63  }
0x71: {  	_ =	swait.ge [sflag:s24], $0x1000  }
0x72: {  	[sflag:s24] =	ssyncset.done $0x0  }
0x73: {  	[sflag:s24] =	ssyncadd.s32 $0xFFFFF000  }
0x74: {  	_ =	swait.ge [sflag:s26], $0x1000  }
0x75: {  	[sflag:s26] =	ssyncset.done $0x0  }
0x76: {  	s8 =	simm.s32 $0x0;
	s10 =	rddreg [dreg:$0x9];
	[sflag:s26] =	ssyncadd.s32 $0xFFFFF000  }
0x77: {  	[tilespmem:s8], [sflag:$0x5] =	stream.linear.gather [hbm4b:s10+s8], $0x1400, $0x38;
	[tilespmem:$0x18400] =	vst v63  }
0x78: {  	_ =	swait.ge [sflag:s19], $0x1400  }
0x79: {  	[sflag:s19] =	ssyncset.done $0x0  }
0x7a: {  	[sflag:s19] =	ssyncadd.s32 $0xFFFFEC00  }
0x7b: {  	[tilespmem:s20], [sflag:$0x5] =	stream.linear.gather [hbm4b:s11+s8], $0x1400, $0x38;
	[tilespmem:$0x18400] =	vst v63  }
0x7c: {  	_ =	swait.ge [sflag:s19], $0x1400  }
0x7d: {  	[sflag:s19] =	ssyncset.done $0x0  }
0x7e: {  	[sflag:s19] =	ssyncadd.s32 $0xFFFFEC00  }
0x7f: {  	[tilespmem:s22], [sflag:$0x1] =	stream.indirect.gather [spmem:s1], $0x40, s8, s21, $0xb8;
	[tilespmem:$0x18400] =	vst v63  }
0x80: {  	_ = 	snop  }
0x81: {  	[tilespmem:s23], [sflag:$0x2] =	stream.indirect.gather [spmem:s1], $0x40, s21, s21, $0xb8;
	[tilespmem:$0x18400] =	vst v63  }
0x82: {  	_ =	swait.ge [sflag:s24], $0x1000  }
0x83: {  	[sflag:s24] =	ssyncset.done $0x0  }
0x84: {  	s10 =	simm.s32 $0x1400;
	[sflag:s24] =	ssyncadd.s32 $0xFFFFF000  }
0x85: {  	[spmem:s1] =	stream.indirect.scatter.add.f32 [tilespmem:s22], [sflag:$0x3], $0x40, s10, s21, $0xb8;
	[tilespmem:$0x18400] =	vst v63  }
0x86: {  	_ =	swait.ge [sflag:s25], $0x1000  }
0x87: {  	[sflag:s25] =	ssyncset.done $0x0  }
0x88: {  	s9 =	simm.s32 $0x80;
	[sflag:s25] =	ssyncadd.s32 $0xFFFFF000  }
0x89: {  	[tilespmem:s22], [sflag:$0x1] =	stream.indirect.gather [spmem:s1], $0x40, s9, s21, $0xb8;
	[tilespmem:$0x18400] =	vst v63  }
0x8a: {  	_ =	swait.ge [sflag:s26], $0x1000  }
0x8b: {  	[sflag:s26] =	ssyncset.done $0x0  }
0x8c: {  	s10 =	simm.s32 $0x1440;
	[sflag:s26] =	ssyncadd.s32 $0xFFFFF000  }
0x8d: {  	[spmem:s1] =	stream.indirect.scatter.add.f32 [tilespmem:s23], [sflag:$0x4], $0x40, s10, s21, $0xb8;
	[tilespmem:$0x18400] =	vst v63  }
0x8e: {  	_ =	swait.ge [sflag:s28], $0x1000  }
0x8f: {  	[sflag:s28] =	ssyncset.done $0x0  }
0x90: {  	s8 =	simm.s32 $0x200;
	s9 =	simm.s32 $0xC0;
	[sflag:s28] =	ssyncadd.s32 $0xFFFFF000  }
.LBB2_4:
0x91: {  	[tilespmem:s23], [sflag:$0x2] =	stream.indirect.gather [spmem:s1], $0x40, s9, s21, $0xb8;
	[tilespmem:$0x18400] =	vst v63  }
0x92: {  	s9 =	smov.u32 s8  }
0x93: {  	p0 =	sne.s32 s8, $0x4A00;
	s8 =	sadd.s32 $0x200, s8;
	_ =	swait.ge [sflag:s24], $0x1000  }
0x94: {  	s9 =	sshra.s32 s9, $0x2;
	[sflag:s24] =	ssyncset.done $0x0  }
0x95: {  	s10 =	sadd.s32 $0x1400, s9;
	[sflag:s24] =	ssyncadd.s32 $0xFFFFF000  }
0x96: {  	[spmem:s1] =	stream.indirect.scatter.add.f32 [tilespmem:s22], [sflag:$0x3], $0x40, s10, s21, $0xb8;
	[tilespmem:$0x18400] =	vst v63  }
0x97: {  	_ =	swait.ge [sflag:s25], $0x1000  }
0x98: {  	[sflag:s25] =	ssyncset.done $0x0  }
0x99: {  	s10 =	sadd.s32 $0x80, s9;
	[sflag:s25] =	ssyncadd.s32 $0xFFFFF000  }
0x9a: {  	[tilespmem:s22], [sflag:$0x1] =	stream.indirect.gather [spmem:s1], $0x40, s10, s21, $0xb8;
	[tilespmem:$0x18400] =	vst v63  }
0x9b: {  	_ =	swait.ge [sflag:s26], $0x1000  }
0x9c: {  	[sflag:s26] =	ssyncset.done $0x0  }
.Ltmp1:
0x9d: {  	s10 =	sadd.s32 $0x1440, s9;
	[sflag:s26] =	ssyncadd.s32 $0xFFFFF000;
	(pc) =	sbr.rel @p0 .LBB2_4-.Ltmp1, $4  }
0x9e: {  	[spmem:s1] =	stream.indirect.scatter.add.f32 [tilespmem:s23], [sflag:$0x4], $0x40, s10, s21, $0xb8;
	[tilespmem:$0x18400] =	vst v63  }
0x9f: {  	_ =	swait.ge [sflag:s28], $0x1000  }
0xa0: {  	[sflag:s28] =	ssyncset.done $0x0  }
0xa1: {  	s9 =	sadd.s32 $0xC0, s9;
	[sflag:s28] =	ssyncadd.s32 $0xFFFFF000  }
0xa2: {  	[tilespmem:s23], [sflag:$0x2] =	stream.indirect.gather [spmem:s1], $0x40, s9, s21, $0xb8;
	[tilespmem:$0x18400] =	vst v63  }
0xa3: {  	_ =	swait.ge [sflag:s24], $0x1000  }
0xa4: {  	[sflag:s24] =	ssyncset.done $0x0  }
0xa5: {  	[sflag:s24] =	ssyncadd.s32 $0xFFFFF000  }
0xa6: {  	[spmem:s1] =	stream.indirect.scatter.add.f32 [tilespmem:s22], [sflag:$0x3], $0x40, s29, s21, $0xb8;
	[tilespmem:$0x18400] =	vst v63  }
0xa7: {  	_ =	swait.ge [sflag:s25], $0x1000  }
0xa8: {  	[sflag:s25] =	ssyncset.done $0x0  }
0xa9: {  	[sflag:s25] =	ssyncadd.s32 $0xFFFFF000  }
0xaa: {  	[tilespmem:s22], [sflag:$0x1] =	stream.indirect.gather [spmem:s1], $0x40, s30, s21, $0xb8;
	[tilespmem:$0x18400] =	vst v63  }
0xab: {  	_ =	swait.ge [sflag:s26], $0x1000  }
0xac: {  	[sflag:s26] =	ssyncset.done $0x0  }
0xad: {  	[sflag:s26] =	ssyncadd.s32 $0xFFFFF000  }
0xae: {  	[spmem:s1] =	stream.indirect.scatter.add.f32 [tilespmem:s23], [sflag:$0x4], $0x40, s31, s21, $0xb8;
	[tilespmem:$0x18400] =	vst v63  }
0xaf: {  	_ =	swait.ge [sflag:s28], $0x1000  }
0xb0: {  	[sflag:s28] =	ssyncset.done $0x0  }
0xb1: {  	[sflag:s28] =	ssyncadd.s32 $0xFFFFF000  }
0xb2: {  	[tilespmem:s23], [sflag:$0x2] =	stream.indirect.gather [spmem:s1], $0x40, s0, s21, $0xb8;
	[tilespmem:$0x18400] =	vst v63  }
0xb3: {  	_ =	swait.ge [sflag:s24], $0x1000  }
0xb4: {  	[sflag:s24] =	ssyncset.done $0x0  }
0xb5: {  	[sflag:s24] =	ssyncadd.s32 $0xFFFFF000  }
0xb6: {  	[spmem:s1] =	stream.indirect.scatter.add.f32 [tilespmem:s22], [sflag:$0x3], $0x40, s2, s21, $0xb8;
	[tilespmem:$0x18400] =	vst v63  }
0xb7: {  	_ =	swait.ge [sflag:s25], $0x1000  }
0xb8: {  	[sflag:s25] =	ssyncset.done $0x0  }
0xb9: {  	[sflag:s25] =	ssyncadd.s32 $0xFFFFF000  }
0xba: {  	[tilespmem:s22], [sflag:$0x1] =	stream.indirect.gather [spmem:s1], $0x40, s0, s21, $0xb8;
	[tilespmem:$0x18400] =	vst v63  }
0xbb: {  	_ =	swait.ge [sflag:s26], $0x1000  }
0xbc: {  	[sflag:s26] =	ssyncset.done $0x0  }
0xbd: {  	[sflag:s26] =	ssyncadd.s32 $0xFFFFF000  }
0xbe: {  	[spmem:s1] =	stream.indirect.scatter.add.f32 [tilespmem:s23], [sflag:$0x4], $0x40, s4, s21, $0xb8;
	[tilespmem:$0x18400] =	vst v63  }
0xbf: {  	_ =	swait.ge [sflag:s28], $0x1000  }
0xc0: {  	[sflag:s28] =	ssyncset.done $0x0  }
0xc1: {  	[sflag:s28] =	ssyncadd.s32 $0xFFFFF000  }
0xc2: {  	[tilespmem:s23], [sflag:$0x2] =	stream.indirect.gather [spmem:s1], $0x40, s0, s21, $0xb8;
	[tilespmem:$0x18400] =	vst v63  }
0xc3: {  	_ =	swait.ge [sflag:s24], $0x1000  }
0xc4: {  	[sflag:s24] =	ssyncset.done $0x0  }
0xc5: {  	[sflag:s24] =	ssyncadd.s32 $0xFFFFF000  }
0xc6: {  	_ =	swait.ge [sflag:s26], $0x1000  }
0xc7: {  	[sflag:s26] =	ssyncset.done $0x0  }
0xc8: {  	s8 =	simm.s32 $0x0;
	[sflag:s26] =	ssyncadd.s32 $0xFFFFF000  }
0xc9: {  	[tilespmem:s8], [sflag:$0x5] =	stream.linear.gather [hbm4b:s12+s8], $0x1400, $0x38;
	[tilespmem:$0x18400] =	vst v63  }
0xca: {  	_ =	swait.ge [sflag:s19], $0x1400  }
0xcb: {  	[sflag:s19] =	ssyncset.done $0x0  }
0xcc: {  	[sflag:s19] =	ssyncadd.s32 $0xFFFFEC00  }
0xcd: {  	[tilespmem:s20], [sflag:$0x5] =	stream.linear.gather [hbm4b:s13+s8], $0x1400, $0x38;
	[tilespmem:$0x18400] =	vst v63  }
0xce: {  	_ =	swait.ge [sflag:s19], $0x1400  }
0xcf: {  	[sflag:s19] =	ssyncset.done $0x0  }
0xd0: {  	[sflag:s19] =	ssyncadd.s32 $0xFFFFEC00  }
0xd1: {  	[tilespmem:s22], [sflag:$0x1] =	stream.indirect.gather [spmem:s1], $0x40, s8, s21, $0xb8;
	[tilespmem:$0x18400] =	vst v63  }
0xd2: {  	_ = 	snop  }
0xd3: {  	[tilespmem:s23], [sflag:$0x2] =	stream.indirect.gather [spmem:s1], $0x40, s21, s21, $0xb8;
	[tilespmem:$0x18400] =	vst v63  }
0xd4: {  	_ =	swait.ge [sflag:s24], $0x1000  }
0xd5: {  	[sflag:s24] =	ssyncset.done $0x0  }
0xd6: {  	s10 =	simm.s32 $0x1400;
	[sflag:s24] =	ssyncadd.s32 $0xFFFFF000  }
0xd7: {  	[spmem:s1] =	stream.indirect.scatter.add.f32 [tilespmem:s22], [sflag:$0x3], $0x40, s10, s21, $0xb8;
	[tilespmem:$0x18400] =	vst v63  }
0xd8: {  	_ =	swait.ge [sflag:s25], $0x1000  }
0xd9: {  	[sflag:s25] =	ssyncset.done $0x0  }
0xda: {  	s9 =	simm.s32 $0x80;
	[sflag:s25] =	ssyncadd.s32 $0xFFFFF000  }
0xdb: {  	[tilespmem:s22], [sflag:$0x1] =	stream.indirect.gather [spmem:s1], $0x40, s9, s21, $0xb8;
	[tilespmem:$0x18400] =	vst v63  }
0xdc: {  	_ =	swait.ge [sflag:s26], $0x1000  }
0xdd: {  	[sflag:s26] =	ssyncset.done $0x0  }
0xde: {  	s10 =	simm.s32 $0x1440;
	[sflag:s26] =	ssyncadd.s32 $0xFFFFF000  }
0xdf: {  	[spmem:s1] =	stream.indirect.scatter.add.f32 [tilespmem:s23], [sflag:$0x4], $0x40, s10, s21, $0xb8;
	[tilespmem:$0x18400] =	vst v63  }
0xe0: {  	_ =	swait.ge [sflag:s28], $0x1000  }
0xe1: {  	[sflag:s28] =	ssyncset.done $0x0  }
0xe2: {  	s8 =	simm.s32 $0x200;
	s9 =	simm.s32 $0xC0;
	[sflag:s28] =	ssyncadd.s32 $0xFFFFF000  }
.LBB2_6:
0xe3: {  	[tilespmem:s23], [sflag:$0x2] =	stream.indirect.gather [spmem:s1], $0x40, s9, s21, $0xb8;
	[tilespmem:$0x18400] =	vst v63  }
0xe4: {  	s9 =	smov.u32 s8  }
0xe5: {  	p0 =	sne.s32 s8, $0x4A00;
	s8 =	sadd.s32 $0x200, s8;
	_ =	swait.ge [sflag:s24], $0x1000  }
0xe6: {  	s9 =	sshra.s32 s9, $0x2;
	[sflag:s24] =	ssyncset.done $0x0  }
0xe7: {  	s10 =	sadd.s32 $0x1400, s9;
	[sflag:s24] =	ssyncadd.s32 $0xFFFFF000  }
0xe8: {  	[spmem:s1] =	stream.indirect.scatter.add.f32 [tilespmem:s22], [sflag:$0x3], $0x40, s10, s21, $0xb8;
	[tilespmem:$0x18400] =	vst v63  }
0xe9: {  	_ =	swait.ge [sflag:s25], $0x1000  }
0xea: {  	[sflag:s25] =	ssyncset.done $0x0  }
0xeb: {  	s10 =	sadd.s32 $0x80, s9;
	[sflag:s25] =	ssyncadd.s32 $0xFFFFF000  }
0xec: {  	[tilespmem:s22], [sflag:$0x1] =	stream.indirect.gather [spmem:s1], $0x40, s10, s21, $0xb8;
	[tilespmem:$0x18400] =	vst v63  }
0xed: {  	_ =	swait.ge [sflag:s26], $0x1000  }
0xee: {  	[sflag:s26] =	ssyncset.done $0x0  }
.Ltmp2:
0xef: {  	s10 =	sadd.s32 $0x1440, s9;
	[sflag:s26] =	ssyncadd.s32 $0xFFFFF000;
	(pc) =	sbr.rel @p0 .LBB2_6-.Ltmp2, $4  }
0xf0: {  	[spmem:s1] =	stream.indirect.scatter.add.f32 [tilespmem:s23], [sflag:$0x4], $0x40, s10, s21, $0xb8;
	[tilespmem:$0x18400] =	vst v63  }
0xf1: {  	_ =	swait.ge [sflag:s28], $0x1000  }
0xf2: {  	[sflag:s28] =	ssyncset.done $0x0  }
0xf3: {  	s9 =	sadd.s32 $0xC0, s9;
	[sflag:s28] =	ssyncadd.s32 $0xFFFFF000  }
0xf4: {  	[tilespmem:s23], [sflag:$0x2] =	stream.indirect.gather [spmem:s1], $0x40, s9, s21, $0xb8;
	[tilespmem:$0x18400] =	vst v63  }
0xf5: {  	_ =	swait.ge [sflag:s24], $0x1000  }
0xf6: {  	[sflag:s24] =	ssyncset.done $0x0  }
0xf7: {  	[sflag:s24] =	ssyncadd.s32 $0xFFFFF000  }
0xf8: {  	[spmem:s1] =	stream.indirect.scatter.add.f32 [tilespmem:s22], [sflag:$0x3], $0x40, s29, s21, $0xb8;
	[tilespmem:$0x18400] =	vst v63  }
0xf9: {  	_ =	swait.ge [sflag:s25], $0x1000  }
0xfa: {  	[sflag:s25] =	ssyncset.done $0x0  }
0xfb: {  	[sflag:s25] =	ssyncadd.s32 $0xFFFFF000  }
0xfc: {  	[tilespmem:s22], [sflag:$0x1] =	stream.indirect.gather [spmem:s1], $0x40, s30, s21, $0xb8;
	[tilespmem:$0x18400] =	vst v63  }
0xfd: {  	_ =	swait.ge [sflag:s26], $0x1000  }
0xfe: {  	[sflag:s26] =	ssyncset.done $0x0  }
0xff: {  	[sflag:s26] =	ssyncadd.s32 $0xFFFFF000  }
0x100: {  	[spmem:s1] =	stream.indirect.scatter.add.f32 [tilespmem:s23], [sflag:$0x4], $0x40, s31, s21, $0xb8;
	[tilespmem:$0x18400] =	vst v63  }
0x101: {  	_ =	swait.ge [sflag:s28], $0x1000  }
0x102: {  	[sflag:s28] =	ssyncset.done $0x0  }
0x103: {  	[sflag:s28] =	ssyncadd.s32 $0xFFFFF000  }
0x104: {  	[tilespmem:s23], [sflag:$0x2] =	stream.indirect.gather [spmem:s1], $0x40, s0, s21, $0xb8;
	[tilespmem:$0x18400] =	vst v63  }
0x105: {  	_ =	swait.ge [sflag:s24], $0x1000  }
0x106: {  	[sflag:s24] =	ssyncset.done $0x0  }
0x107: {  	[sflag:s24] =	ssyncadd.s32 $0xFFFFF000  }
0x108: {  	[spmem:s1] =	stream.indirect.scatter.add.f32 [tilespmem:s22], [sflag:$0x3], $0x40, s2, s21, $0xb8;
	[tilespmem:$0x18400] =	vst v63  }
0x109: {  	_ =	swait.ge [sflag:s25], $0x1000  }
0x10a: {  	[sflag:s25] =	ssyncset.done $0x0  }
0x10b: {  	[sflag:s25] =	ssyncadd.s32 $0xFFFFF000  }
0x10c: {  	[tilespmem:s22], [sflag:$0x1] =	stream.indirect.gather [spmem:s1], $0x40, s0, s21, $0xb8;
	[tilespmem:$0x18400] =	vst v63  }
0x10d: {  	_ =	swait.ge [sflag:s26], $0x1000  }
0x10e: {  	[sflag:s26] =	ssyncset.done $0x0  }
0x10f: {  	[sflag:s26] =	ssyncadd.s32 $0xFFFFF000  }
0x110: {  	[spmem:s1] =	stream.indirect.scatter.add.f32 [tilespmem:s23], [sflag:$0x4], $0x40, s4, s21, $0xb8;
	[tilespmem:$0x18400] =	vst v63  }
0x111: {  	_ =	swait.ge [sflag:s28], $0x1000  }
0x112: {  	[sflag:s28] =	ssyncset.done $0x0  }
0x113: {  	[sflag:s28] =	ssyncadd.s32 $0xFFFFF000  }
0x114: {  	[tilespmem:s23], [sflag:$0x2] =	stream.indirect.gather [spmem:s1], $0x40, s0, s21, $0xb8;
	[tilespmem:$0x18400] =	vst v63  }
0x115: {  	_ =	swait.ge [sflag:s24], $0x1000  }
0x116: {  	[sflag:s24] =	ssyncset.done $0x0  }
0x117: {  	[sflag:s24] =	ssyncadd.s32 $0xFFFFF000  }
0x118: {  	_ =	swait.ge [sflag:s26], $0x1000  }
0x119: {  	[sflag:s26] =	ssyncset.done $0x0  }
0x11a: {  	s8 =	simm.s32 $0x0;
	[sflag:s26] =	ssyncadd.s32 $0xFFFFF000  }
0x11b: {  	[tilespmem:s8], [sflag:$0x5] =	stream.linear.gather [hbm4b:s14+s8], $0x1400, $0x38;
	[tilespmem:$0x18400] =	vst v63  }
0x11c: {  	_ =	swait.ge [sflag:s19], $0x1400  }
0x11d: {  	[sflag:s19] =	ssyncset.done $0x0  }
0x11e: {  	[sflag:s19] =	ssyncadd.s32 $0xFFFFEC00  }
0x11f: {  	[tilespmem:s20], [sflag:$0x5] =	stream.linear.gather [hbm4b:s15+s8], $0x1400, $0x38;
	[tilespmem:$0x18400] =	vst v63  }
0x120: {  	_ =	swait.ge [sflag:s19], $0x1400  }
0x121: {  	[sflag:s19] =	ssyncset.done $0x0  }
0x122: {  	[sflag:s19] =	ssyncadd.s32 $0xFFFFEC00  }
0x123: {  	[tilespmem:s22], [sflag:$0x1] =	stream.indirect.gather [spmem:s1], $0x40, s8, s21, $0xb8;
	[tilespmem:$0x18400] =	vst v63  }
0x124: {  	_ = 	snop  }
0x125: {  	[tilespmem:s23], [sflag:$0x2] =	stream.indirect.gather [spmem:s1], $0x40, s21, s21, $0xb8;
	[tilespmem:$0x18400] =	vst v63  }
0x126: {  	_ =	swait.ge [sflag:s24], $0x1000  }
0x127: {  	[sflag:s24] =	ssyncset.done $0x0  }
0x128: {  	s10 =	simm.s32 $0x1400;
	[sflag:s24] =	ssyncadd.s32 $0xFFFFF000  }
0x129: {  	[spmem:s1] =	stream.indirect.scatter.add.f32 [tilespmem:s22], [sflag:$0x3], $0x40, s10, s21, $0xb8;
	[tilespmem:$0x18400] =	vst v63  }
0x12a: {  	_ =	swait.ge [sflag:s25], $0x1000  }
0x12b: {  	[sflag:s25] =	ssyncset.done $0x0  }
0x12c: {  	s9 =	simm.s32 $0x80;
	[sflag:s25] =	ssyncadd.s32 $0xFFFFF000  }
0x12d: {  	[tilespmem:s22], [sflag:$0x1] =	stream.indirect.gather [spmem:s1], $0x40, s9, s21, $0xb8;
	[tilespmem:$0x18400] =	vst v63  }
0x12e: {  	_ =	swait.ge [sflag:s26], $0x1000  }
0x12f: {  	[sflag:s26] =	ssyncset.done $0x0  }
0x130: {  	s10 =	simm.s32 $0x1440;
	[sflag:s26] =	ssyncadd.s32 $0xFFFFF000  }
0x131: {  	[spmem:s1] =	stream.indirect.scatter.add.f32 [tilespmem:s23], [sflag:$0x4], $0x40, s10, s21, $0xb8;
	[tilespmem:$0x18400] =	vst v63  }
0x132: {  	_ =	swait.ge [sflag:s28], $0x1000  }
0x133: {  	[sflag:s28] =	ssyncset.done $0x0  }
0x134: {  	s8 =	simm.s32 $0x200;
	s9 =	simm.s32 $0xC0;
	[sflag:s28] =	ssyncadd.s32 $0xFFFFF000  }
.LBB2_8:
0x135: {  	[tilespmem:s23], [sflag:$0x2] =	stream.indirect.gather [spmem:s1], $0x40, s9, s21, $0xb8;
	[tilespmem:$0x18400] =	vst v63  }
0x136: {  	s9 =	smov.u32 s8  }
0x137: {  	p0 =	sne.s32 s8, $0x4A00;
	s8 =	sadd.s32 $0x200, s8;
	_ =	swait.ge [sflag:s24], $0x1000  }
0x138: {  	s9 =	sshra.s32 s9, $0x2;
	[sflag:s24] =	ssyncset.done $0x0  }
0x139: {  	s10 =	sadd.s32 $0x1400, s9;
	[sflag:s24] =	ssyncadd.s32 $0xFFFFF000  }
0x13a: {  	[spmem:s1] =	stream.indirect.scatter.add.f32 [tilespmem:s22], [sflag:$0x3], $0x40, s10, s21, $0xb8;
	[tilespmem:$0x18400] =	vst v63  }
0x13b: {  	_ =	swait.ge [sflag:s25], $0x1000  }
0x13c: {  	[sflag:s25] =	ssyncset.done $0x0  }
0x13d: {  	s10 =	sadd.s32 $0x80, s9;
	[sflag:s25] =	ssyncadd.s32 $0xFFFFF000  }
0x13e: {  	[tilespmem:s22], [sflag:$0x1] =	stream.indirect.gather [spmem:s1], $0x40, s10, s21, $0xb8;
	[tilespmem:$0x18400] =	vst v63  }
0x13f: {  	_ =	swait.ge [sflag:s26], $0x1000  }
0x140: {  	[sflag:s26] =	ssyncset.done $0x0  }
.Ltmp3:
0x141: {  	s10 =	sadd.s32 $0x1440, s9;
	[sflag:s26] =	ssyncadd.s32 $0xFFFFF000;
	(pc) =	sbr.rel @p0 .LBB2_8-.Ltmp3, $4  }
0x142: {  	[spmem:s1] =	stream.indirect.scatter.add.f32 [tilespmem:s23], [sflag:$0x4], $0x40, s10, s21, $0xb8;
	[tilespmem:$0x18400] =	vst v63  }
0x143: {  	_ =	swait.ge [sflag:s28], $0x1000  }
0x144: {  	[sflag:s28] =	ssyncset.done $0x0  }
0x145: {  	s9 =	sadd.s32 $0xC0, s9;
	[sflag:s28] =	ssyncadd.s32 $0xFFFFF000  }
0x146: {  	[tilespmem:s23], [sflag:$0x2] =	stream.indirect.gather [spmem:s1], $0x40, s9, s21, $0xb8;
	[tilespmem:$0x18400] =	vst v63  }
0x147: {  	_ =	swait.ge [sflag:s24], $0x1000  }
0x148: {  	[sflag:s24] =	ssyncset.done $0x0  }
0x149: {  	[sflag:s24] =	ssyncadd.s32 $0xFFFFF000  }
0x14a: {  	[spmem:s1] =	stream.indirect.scatter.add.f32 [tilespmem:s22], [sflag:$0x3], $0x40, s29, s21, $0xb8;
	[tilespmem:$0x18400] =	vst v63  }
0x14b: {  	_ =	swait.ge [sflag:s25], $0x1000  }
0x14c: {  	[sflag:s25] =	ssyncset.done $0x0  }
0x14d: {  	[sflag:s25] =	ssyncadd.s32 $0xFFFFF000  }
0x14e: {  	[tilespmem:s22], [sflag:$0x1] =	stream.indirect.gather [spmem:s1], $0x40, s30, s21, $0xb8;
	[tilespmem:$0x18400] =	vst v63  }
0x14f: {  	_ =	swait.ge [sflag:s26], $0x1000  }
0x150: {  	[sflag:s26] =	ssyncset.done $0x0  }
0x151: {  	[sflag:s26] =	ssyncadd.s32 $0xFFFFF000  }
0x152: {  	[spmem:s1] =	stream.indirect.scatter.add.f32 [tilespmem:s23], [sflag:$0x4], $0x40, s31, s21, $0xb8;
	[tilespmem:$0x18400] =	vst v63  }
0x153: {  	_ =	swait.ge [sflag:s28], $0x1000  }
0x154: {  	[sflag:s28] =	ssyncset.done $0x0  }
0x155: {  	[sflag:s28] =	ssyncadd.s32 $0xFFFFF000  }
0x156: {  	[tilespmem:s23], [sflag:$0x2] =	stream.indirect.gather [spmem:s1], $0x40, s0, s21, $0xb8;
	[tilespmem:$0x18400] =	vst v63  }
0x157: {  	_ =	swait.ge [sflag:s24], $0x1000  }
0x158: {  	[sflag:s24] =	ssyncset.done $0x0  }
0x159: {  	[sflag:s24] =	ssyncadd.s32 $0xFFFFF000  }
0x15a: {  	[spmem:s1] =	stream.indirect.scatter.add.f32 [tilespmem:s22], [sflag:$0x3], $0x40, s2, s21, $0xb8;
	[tilespmem:$0x18400] =	vst v63  }
0x15b: {  	_ =	swait.ge [sflag:s25], $0x1000  }
0x15c: {  	[sflag:s25] =	ssyncset.done $0x0  }
0x15d: {  	[sflag:s25] =	ssyncadd.s32 $0xFFFFF000  }
0x15e: {  	[tilespmem:s22], [sflag:$0x1] =	stream.indirect.gather [spmem:s1], $0x40, s0, s21, $0xb8;
	[tilespmem:$0x18400] =	vst v63  }
0x15f: {  	_ =	swait.ge [sflag:s26], $0x1000  }
0x160: {  	[sflag:s26] =	ssyncset.done $0x0  }
0x161: {  	[sflag:s26] =	ssyncadd.s32 $0xFFFFF000  }
0x162: {  	[spmem:s1] =	stream.indirect.scatter.add.f32 [tilespmem:s23], [sflag:$0x4], $0x40, s4, s21, $0xb8;
	[tilespmem:$0x18400] =	vst v63  }
0x163: {  	_ =	swait.ge [sflag:s28], $0x1000  }
0x164: {  	[sflag:s28] =	ssyncset.done $0x0  }
0x165: {  	[sflag:s28] =	ssyncadd.s32 $0xFFFFF000  }
0x166: {  	[tilespmem:s23], [sflag:$0x2] =	stream.indirect.gather [spmem:s1], $0x40, s0, s21, $0xb8;
	[tilespmem:$0x18400] =	vst v63  }
0x167: {  	_ =	swait.ge [sflag:s24], $0x1000  }
0x168: {  	[sflag:s24] =	ssyncset.done $0x0  }
0x169: {  	[sflag:s24] =	ssyncadd.s32 $0xFFFFF000  }
0x16a: {  	_ =	swait.ge [sflag:s26], $0x1000  }
0x16b: {  	s6 =	sadd.s32 $0x1, s6;
	[sflag:s26] =	ssyncset.done $0x0  }
0x16c: {  	s8 =	simm.s32 $0x10;
	p0 =	sne.s32 s6, s17;
	[sflag:s26] =	ssyncadd.s32 $0xFFFFF000  }
.Ltmp4:
0x16d: {  	s10 =	simm.s32 $0x8;
	[bflag:$0x0] =	sbarrier.arrive $0xFFFF;
	(pc) =	sbr.rel @p0 .LBB2_1-.Ltmp4, $4  }
0x16e: {  	[hbm:s16@s8], [sflag:s5] =	dma.strided [spmem:s7@s10], $0x13C0, s24, $0x8   }
0x16f: {  	_ =	swait.ge [sflag:s19], $0x13C0  }
0x170: {  	[sflag:s19] =	ssyncset.done $0x0  }
0x171: {  	[sflag:s19] =	ssyncadd.s32 $0xFFFFEC40  }
0x172: {  	_ =	sfence.sel $0x180000  }
0x173: {  	[bflag:$0x0] =	sbarrier.arrive $0xFFFF  }
0x174: {  	_ =	strace $0x90000047  }
0x175: {  	s0 =	stileid.u32;
	[bflag:$0x2] =	sbarrier.arrive $0xFFFF  }
0x176: {  	p0 =	sne.s32 s0, $0x0;
	s0 =	rddreg [dreg:$0x3]  }
0x177: {  	s0 =	sadd.s32 @!p0 $0x100000, s0  }
0x178: {  	[sflag:s0] =	ssyncadd.tile.s32 @!p0 $0x1;
	_ =	shalt  }
.Lfunc_end2:
_tile_overlayer_lowered:
.L_overlay_start_2:
0x179: {  	(tag) =	ssettag $0x2  }
0x17a: {  	s0 =	rddreg [dreg:$0x0];
	s2 =	stileid.u32  }
0x17b: {  	s1 =	rddreg [dreg:$0x1];
	p0 =	sne.s32 s2, $0x0  }
0x17c: {  	s3 =	rddreg [dreg:$0x2];
	[bflag:$0x3] =	sbarrier.arrive $0xFFFF;
	s2 =	simm.s32 @!p0 $0x1C05  }
0x17d: {  	[timem:s3], [sflag:s2] =	dma.local @!p0 [hbm:s0], s1  }
0x17e: {  	s0 =	simm.s32 @!p0 $0x5  }
0x17f: {  	_ =	swait.ge @!p0 [sflag:s0], s1  }
0x180: {  	s1 =	ssub.s32 @!p0 $0x0, s1;
	[sflag:s0] =	ssyncset.done @!p0 $0x0  }
0x181: {  	[sflag:s0] =	ssyncadd.s32 @!p0 s1  }
0x182: {  	[bflag:$0x3] =	sbarrier.arrive $0xFFFF  }
0x183: {  	_ =	shalt  }

// kernel: kernel.9.cloned.1.call-start
scs
__scs_entry_jumppad:
0x0: {  	(pc) =	sbr.rel $0x88, $3  }
0x1: {  	(tag) =	ssettag $0x0;
	lr =	simm.s32 $0x1  }
0x2: {  	[smem:$0x3F9B] =	sst lr;
	_ =	strace $0xD0000000  }
0x3: {  	_ = 	snop  }
0x4: {  	_ = 	snop  }
0x5: {  	_ = 	snop  }
0x6: {  	_ = 	snop  }
0x7: {  	_ = 	snop  }
__scs_overlays_trampoline_lowered:
0x8: {  	[smem:$0x3FAA] =	sst s0  }
0x9: {  	[smem:$0x3FAB] =	sst s1  }
0xa: {  	[smem:$0x3FAC] =	sst s2  }
0xb: {  	[smem:$0x3FAD] =	sst s3  }
0xc: {  	[smem:$0x3FAE] =	sst s4  }
0xd: {  	[smem:$0x3FAF] =	sst s5  }
0xe: {  	[smem:$0x3FB0] =	sst s6  }
0xf: {  	[smem:$0x3FB1] =	sst s7  }
0x10: {  	[smem:$0x3FB2] =	sst s8  }
0x11: {  	[smem:$0x3FB3] =	sst s9;
	s0 =	simm.s32 @!p0 $0x0  }
0x12: {  	s1 =	sld [smem:$0x3F99];
	s0 =	simm.s32 @p0 $0x1  }
0x13: {  	[smem:$0x3FB4] =	sst s0;
	s0 =	simm.s32 @!p1 $0x0  }
0x14: {  	s2 =	sld [smem:$0x3F98];
	s0 =	simm.s32 @p1 $0x1  }
0x15: {  	[smem:$0x3FB5] =	sst s0;
	s0 =	simm.s32 @!p2 $0x0  }
0x16: {  	s3 =	sld [smem:$0x3FDB];
	s0 =	simm.s32 @p2 $0x1  }
0x17: {  	s4 =	simm.s32 $0x1BF5;
	[smem:$0x3FB7] =	sst s0  }
0x18: {  	s0 =	sld [smem:$0x3F9A];
	_ =	swait.ge [sflag:s4], $0x0  }
0x19: {  	s7 =	sld [smem:$0x3F9B]  }
0x1a: {  	s8 =	sadd.s32 $0xFFFFE003, lr  }
0x1b: {  	s9 =	sadd.s32 $0xFFFFFEF7, lr;
	s5 =	simm.s32 $0xFFFFFFFF;
	p2 =	slt.u32 s8, $0xFFFFF086  }
0x1c: {  	p1 =	slt.u32 s9, $0xF7A;
	s5 =	simm.s32 @!p2 $0x0  }
0x1d: {  	s5 =	simm.s32 @p1 $0x1;
	p0 =	seq.s32 s7, s2  }
0x1e: {  	s7 =	smul.u32 @!p0 $0xF7A, s2;
	p2 =	seq.s32 @!p0 s5, $0x0  }
0x1f: {  	s9 =	smul.u32 $0xF7A, s1;
	s8 =	simm.s32 @!p0 $0x1BF5;
	p2 =	por !p2, p0  }
0x20: {  	[sflag:s8] =	ssyncset.s32 @!p0 $0xFFFFF086;
	s6 =	sadd.s32 @!p0 s3, s7;
	s7 =	simm.s32 @!p0 $0x108  }
0x21: {  	s3 =	sadd.s32 s3, s9;
	s6 =	sadd.s32 @!p0 $0x88, s6;
	s7 =	simm.s32 @p2 $0x1082  }
0x22: {  	[simem:s7], [sflag:s8] =	dma.local @!p0 [hbm:s6], $0xF7A  }
0x23: {  	s9 =	sor.u32 $0xD0000000, s2;
	s6 =	simm.s32 $0x108;
	_ =	swait.ge @!p0 [sflag:s8], $0x0  }
0x24: {  	s3 =	sadd.s32 $0x88, s3;
	s6 =	simm.s32 @!p1 $0x1082;
	[sflag:s4] =	ssyncset.s32 $0xFFFFF086  }
0x25: {  	[simem:s6], [sflag:s4] =	dma.local [hbm:s3], $0xF7A  }
0x26: {  	[smem:$0x3F9B] =	sst s1;
	(tag) =	ssettag s2;
	_ =	strace s9  }
0x27: {  	s1 =	sld [smem:$0x3FAB]  }
0x28: {  	s2 =	sld [smem:$0x3FAC]  }
0x29: {  	s4 =	sld [smem:$0x3FAE]  }
0x2a: {  	p0 =	seq.s32 s5, $0x0;
	s5 =	sld [smem:$0x3FAF]  }
0x2b: {  	s6 =	sld [smem:$0x3FB0]  }
0x2c: {  	s7 =	sld [smem:$0x3FB1]  }
0x2d: {  	s3 =	simm.s32 $0x108;
	s8 =	sld [smem:$0x3FB2]  }
0x2e: {  	s3 =	simm.s32 @!p0 $0x1082;
	s9 =	sld [smem:$0x3FB3]  }
0x2f: {  	lr =	sadd.s32 s0, s3;
	s0 =	sld [smem:$0x3FAA]  }
0x30: {  	s3 =	sld [smem:$0x3FAD]  }
0x31: {  	[smem:$0x3FB6] =	sst s10  }
0x32: {  	s10 =	sld [smem:$0x3FB4];
	_ =	sdelay $0x3  }
0x33: {  	p0 =	seq.s32 s10, $0x1;
	s10 =	sld [smem:$0x3FB6];
	_ =	sdelay $0x3  }
0x34: {  	[smem:$0x3FB6] =	sst s10  }
0x35: {  	s10 =	sld [smem:$0x3FB5];
	_ =	sdelay $0x3  }
0x36: {  	p1 =	seq.s32 s10, $0x1;
	s10 =	sld [smem:$0x3FB6];
	_ =	sdelay $0x3  }
0x37: {  	[smem:$0x3FB6] =	sst s10  }
0x38: {  	s10 =	sld [smem:$0x3FB7]  }
0x39: {  	_ = 	snop;
	(pc) =	sbr.ind lr, $3  }
0x3a: {  	_ = 	snop  }
0x3b: {  	_ = 	snop  }
0x3c: {  	p2 =	seq.s32 s10, $0x1;
	s10 =	sld [smem:$0x3FB6]  }
0x3d: {  	_ =	shalt  }
0x3e: {  	_ =	shalt  }
0x3f: {  	_ =	shalt  }
0x40: {  	_ =	shalt  }
0x41: {  	_ =	shalt  }
0x42: {  	_ =	shalt  }
0x43: {  	_ =	shalt  }
0x44: {  	_ =	shalt  }
0x45: {  	_ =	shalt  }
0x46: {  	_ =	shalt  }
0x47: {  	_ =	shalt  }
0x48: {  	_ =	shalt  }
0x49: {  	_ =	shalt  }
0x4a: {  	_ =	shalt  }
0x4b: {  	_ =	shalt  }
0x4c: {  	_ =	shalt  }
0x4d: {  	_ =	shalt  }
0x4e: {  	_ =	shalt  }
0x4f: {  	_ =	shalt  }
0x50: {  	_ =	shalt  }
0x51: {  	_ =	shalt  }
0x52: {  	_ =	shalt  }
0x53: {  	_ =	shalt  }
0x54: {  	_ =	shalt  }
0x55: {  	_ =	shalt  }
0x56: {  	_ =	shalt  }
0x57: {  	_ =	shalt  }
0x58: {  	_ =	shalt  }
0x59: {  	_ =	shalt  }
0x5a: {  	_ =	shalt  }
0x5b: {  	_ =	shalt  }
0x5c: {  	_ =	shalt  }
0x5d: {  	_ =	shalt  }
0x5e: {  	_ =	shalt  }
0x5f: {  	_ =	shalt  }
0x60: {  	_ =	shalt  }
0x61: {  	_ =	shalt  }
0x62: {  	_ =	shalt  }
0x63: {  	_ =	shalt  }
0x64: {  	_ =	shalt  }
0x65: {  	_ =	shalt  }
0x66: {  	_ =	shalt  }
0x67: {  	_ =	shalt  }
0x68: {  	_ =	shalt  }
0x69: {  	_ =	shalt  }
0x6a: {  	_ =	shalt  }
0x6b: {  	_ =	shalt  }
0x6c: {  	_ =	shalt  }
0x6d: {  	_ =	shalt  }
0x6e: {  	_ =	shalt  }
0x6f: {  	_ =	shalt  }
0x70: {  	_ =	shalt  }
0x71: {  	_ =	shalt  }
0x72: {  	_ =	shalt  }
0x73: {  	_ =	shalt  }
0x74: {  	_ =	shalt  }
0x75: {  	_ =	shalt  }
0x76: {  	_ =	shalt  }
0x77: {  	_ =	shalt  }
0x78: {  	_ =	shalt  }
0x79: {  	_ =	shalt  }
0x7a: {  	_ =	shalt  }
0x7b: {  	_ =	shalt  }
0x7c: {  	_ =	shalt  }
0x7d: {  	_ =	shalt  }
0x7e: {  	_ =	shalt  }
0x7f: {  	_ =	shalt  }
0x80: {  	_ =	shalt  }
0x81: {  	_ =	shalt  }
0x82: {  	_ =	shalt  }
0x83: {  	_ =	shalt  }
0x84: {  	_ =	shalt  }
0x85: {  	_ =	shalt  }
0x86: {  	_ =	shalt  }
0x87: {  	_ =	shalt  }
.Lfunc_end0:
.L_simem_size_0:
called_computation.1_lowered:
.L_overlay_start_0:
0x88: {  	s2 =	sld [smem:$0x3FD9]  }
0x89: {  	s3 =	sld [smem:$0x3FFE];
	_ =	sdelay $0x1  }
0x8a: {  	s1 =	srdreg.scid  }
0x8b: {  	s0 =	sand.u32 $0x1, s1  }
0x8c: {  	s17 =	sshll.u32 s0, $0xA;
	s2 =	sadd.s32 s3, s2  }
0x8d: {  	s2 =	sadd.s32 s2, s17  }
0x8e: {  	[smem:$0x3FC2] =	sst s2  }
0x8f: {  	_ = 	snop  }
0x90: {  	s2 =	sld [smem:$0x3FD0];
	(tm) =	ssettm $0x1  }
0x91: {  	s18 =	sld [smem:$0x3FFB];
	_ =	sdelay $0x3  }
0x92: {  	_ =	strace s18  }
0x93: {  	s3 =	sld [smem:$0x3FFC];
	_ =	sdelay $0x3  }
0x94: {  	_ =	strace s3  }
0x95: {  	s3 =	sld [smem:$0x3FFD];
	_ =	sdelay $0x3  }
0x96: {  	_ =	strace s3  }
0x97: {  	_ =	strace $0x8FFFFFFF  }
0x98: {  	s19 =	sld [smem:$0x3FDB];
	_ =	sdelay $0x1  }
0x99: {  	s4 =	simm.s32 $_scs_section_size  }
0x9a: {  	s5 =	simm.s32 $_size__tile_overlayer_lowered;
	s6 =	simm.s32 $_tile_overlayer_lowered  }
0x9b: {  	s22 =	simm.s32 $0x1BFF;
	s21 =	sshll.u32 s6, $0x1;
	s3 =	sadd.s32 s4, s19  }
0x9c: {  	s7 =	simm.s32 $0x0;
	s20 =	sshll.u32 s5, $0x1;
	s5 =	sadd.s32 s21, s3  }
0x9d: {  	[timem:s7], [sflag:s22] =	dma.local [hbm:s5], s20  }
0x9e: {  	_ =	swait.ge [sflag:s22], s20  }
0x9f: {  	s4 =	ssub.s32 $0x0, s20;
	[sflag:s22] =	ssyncset.done $0x0  }
0xa0: {  	[sflag:s22] =	ssyncadd.s32 s4;
	_ =	sdelay $0x1  }
0xa1: {  	s23 =	simm.s32 $0x1B8B  }
0xa2: {  	_ =	swait.ge [sflag:s23], $0x1  }
0xa3: {  	[sflag:s23] =	ssyncset.done $0x0  }
0xa4: {  	s25 =	simm.s32 $0x1B8E;
	s24 =	sld [smem:$0x3FFE];
	[sflag:s23] =	ssyncadd.s32 $0xFFFFFFFF  }
0xa5: {  	s26 =	simm.s32 $execute0_lowered;
	[smem:$0x3FD2] =	sst s25  }
0xa6: {  	s5 =	sshll.u32 s26, $0x1;
	_ =	strace $0x80000049;
	[dreg:$0x1] =	wrdreg $0xFFFFFFFF  }
0xa7: {  	s28 =	simm.s32 $_size_execute0_lowered;
	s3 =	sadd.s32 s3, s5;
	[dreg:$0x0] =	wrdreg $0x0  }
0xa8: {  	s5 =	sshll.u32 s28, $0x1;
	[dreg:$0x2] =	wrdreg s3  }
0xa9: {  	[dreg:$0x3] =	wrdreg s5  }
0xaa: {  	[dreg:$0x4] =	wrdreg $0xC0  }
0xab: {  	_ =	task [dreg:s7], $0x5FFFF  }
0xac: {  	[dreg:$0x1] =	wrdreg $0xFFFFFFFF  }
0xad: {  	[dreg:$0x0] =	wrdreg $0x60  }
0xae: {  	[dreg:$0x2] =	wrdreg s24  }
0xaf: {  	[dreg:$0x3] =	wrdreg s2  }
0xb0: {  	[dreg:$0x4] =	wrdreg $0x48000  }
0xb1: {  	[dreg:$0x5] =	wrdreg $0x9  }
0xb2: {  	_ =	task.clear_ibuf [dreg:s7], $0x6FFFF;
	_ =	strace $0x90000049  }
0xb3: {  	s29 =	simm.s32 $0x9;
	_ =	strace $0x8000004B  }
0xb4: {  	_ =	swait.ge [sflag:s29], $0x1  }
0xb5: {  	[sflag:s29] =	ssyncadd.s32 $0xFFFFFFFF  }
0xb6: {  	_ =	strace $0x9000004B  }
0xb7: {  	_ =	sfence  }
0xb8: {  	s30 =	sld [smem:$0x0];
	_ =	sdelay $0x2  }
0xb9: {  	s31 =	sshll.u32 s1, $0xD;
	s1 =	sshrl.u32 s1, $0x2  }
0xba: {  	s3 =	sand.u32 $0x4000, s31;
	s1 =	sadd.s32 s1, s30  }
0xbb: {  	s0 =	sor.u32 s3, s0;
	s1 =	sshll.u32 s1, $0x11  }
0xbc: {  	s0 =	sor.u32 s1, s0  }
0xbd: {  	s0 =	sadd.s32 $0x8F2B, s0  }
0xbe: {  	[sflag:s0] =	ssyncadd.remote.s32 $0x1  }
0xbf: {  	_ =	sfence.sel $0xFFFF  }
0xc0: {  	[dreg:$0x0] =	wrdreg $0xFFFFFFFF;
	(pc) =	sbr.abs _section_cstart, $3  }
0xc1: {  	[dreg:$0x1] =	wrdreg $0xFFFFFFFF  }
0xc2: {  	_ =	task.clear_ibuf [dreg:s7], $0x2FFFF;
	_ =	strace $0x9FFFFFFF  }
0xc3: {  	(tm) =	ssettm $0x7FFFFFFF  }
tec
execute0_lowered:
.L_overlay_start_1:
0x0: {  	(tag) =	ssettag $0x1  }
0x1: {  	s0 =	rddreg [dreg:$0x0]  }
0x2: {  	s2 =	rddreg [dreg:$0x1]  }
0x3: {  	s1 =	rddreg [dreg:$0x2];
	s12 =	stileid.u32  }
0x4: {  	s3 =	srdreg.scid;
	s28 =	simm.s32 $0x4;
	s6 =	smul.u32 $0x9E00, s12  }
0x5: {  	s29 =	simm.s32 $0x2700;
	s30 =	simm.s32 $0x1380;
	s7 =	smul.u32 $0x13C00, s12  }
0x6: {  	s31 =	simm.s32 $0x2740;
	s4 =	sand.u32 $0x1, s3;
	s10 =	smul.u32 $0x27800, s12  }
0x7: {  	s3 =	simm.s32 $0x0;
	s8 =	sadd.s32 $0x50200, s0;
	s18 =	smul.u32 $0x5000, s12  }
0x8: {  	s20 =	sshll.u32 s12, $0x6;
	s5 =	smul.u32 $0x9E000, s4;
	[smem:$0x7FF] =	sst s3  }
0x9: {  	s9 =	sshll.u32 s4, $0x6;
	s4 =	ssub.s32 $0x2, s4;
	_ =	strace $0x8000004A  }
0xa: {  	s7 =	sor.u32 s9, s7;
	s16 =	sshrl.u32 s4, $0x1;
	s17 =	sshrl.u32 s10, $0x2  }
0xb: {  	s5 =	sadd.s32 s6, s5;
	s7 =	sshrl.u32 s7, $0x3;
	s4 =	ssub.s32 s4, s16  }
0xc: {  	s6 =	sadd.s32 s6, s1;
	s10 =	sadd.s32 s17, s1;
	s5 =	sshrl.u32 s5, $0x3  }
0xd: {  	s21 =	sadd.s32 $0x9E000, s10;
	s17 =	smax.u32 s4, $0x1;
	s4 =	simm.s32 $0x27C0  }
0xe: {  	s11 =	sadd.s32 s5, s0;
	s0 =	sadd.s32 s7, s0;
	s5 =	sor.u32 $0x1C05, s20  }
0xf: {  	[dreg:$0x5] =	wrdreg s21;
	s7 =	sshrl.u32 s18, $0x3;
	s18 =	sshrl.u32 s6, $0x3  }
0x10: {  	s20 =	simm.s32 $0x1400;
	s21 =	simm.s32 $0x40;
	s6 =	simm.s32 $0x0  }
0x11: {  	s19 =	sadd.s32 $0x5A200, s11;
	s22 =	sadd.s32 $0x81A00, s11;
	s23 =	sadd.s32 s2, s7  }
0x12: {  	s24 =	sadd.s32 $0x280, s7;
	s25 =	sadd.s32 s8, s7;
	[dreg:$0x4] =	wrdreg s19  }
0x13: {  	s13 =	sadd.s32 $0x500, s7;
	s7 =	sadd.s32 $0x780, s7;
	[dreg:$0x6] =	wrdreg s22  }
0x14: {  	s16 =	sadd.s32 $0x1200, s0;
	s0 =	simm.s32 $0x13C0;
	[dreg:$0x7] =	wrdreg s23  }
0x15: {  	[dreg:$0x8] =	wrdreg s25;
	s26 =	sadd.s32 s2, s24;
	s11 =	sadd.s32 s8, s24  }
0x16: {  	s12 =	sadd.s32 s2, s13;
	s13 =	sadd.s32 s8, s13;
	s14 =	sadd.s32 s2, s7  }
0x17: {  	s15 =	sadd.s32 s8, s7;
	s19 =	simm.s32 $0x5;
	s22 =	simm.s32 $0x2800  }
0x18: {  	s23 =	simm.s32 $0x3800;
	s24 =	simm.s32 $0x1;
	s25 =	simm.s32 $0x3  }
0x19: {  	s2 =	simm.s32 $0x2780;
	[dreg:$0x9] =	wrdreg s26;
	s26 =	simm.s32 $0x2  }
.LBB2_1:
0x1a: {  	s7 =	rddreg [dreg:$0x4]  }
0x1b: {  	[spmem:s18], [sflag:s5] =	dma.local [hbm:s7], $0x13C0  }
0x1c: {  	_ =	swait.ge [sflag:s19], $0x13C0  }
0x1d: {  	[sflag:s19] =	ssyncset.done $0x0;
	s9 =	rddreg [dreg:$0x5]  }
0x1e: {  	s8 =	rddreg [dreg:$0x6];
	[sflag:s19] =	ssyncadd.s32 $0xFFFFEC40;
	s7 =	sshrl.u32 s9, $0x3  }
0x1f: {  	[spmem:s7], [sflag:s5] =	dma.local [hbm:s8], $0x13C0  }
0x20: {  	_ =	swait.ge [sflag:s19], $0x13C0  }
0x21: {  	[sflag:s19] =	ssyncset.done $0x0  }
0x22: {  	[sflag:s19] =	ssyncadd.s32 $0xFFFFEC40  }
0x23: {  	[bflag:$0x0] =	sbarrier.arrive $0xFFFF  }
0x24: {  	s10 =	rddreg [dreg:$0x7]  }
0x25: {  	[tilespmem:s3], [sflag:$0x5] =	stream.linear.gather [hbm4b:s10+s3], $0x1400, $0x38;
	[tilespmem:$0x18400] =	vst v63  }
0x26: {  	_ =	swait.ge [sflag:s19], $0x1400  }
0x27: {  	[sflag:s19] =	ssyncset.done $0x0  }
0x28: {  	s9 =	rddreg [dreg:$0x8];
	[sflag:s19] =	ssyncadd.s32 $0xFFFFEC00  }
0x29: {  	[tilespmem:s20], [sflag:$0x5] =	stream.linear.gather [hbm4b:s9+s3], $0x1400, $0x38;
	[tilespmem:$0x18400] =	vst v63  }
0x2a: {  	_ =	swait.ge [sflag:s19], $0x1400  }
0x2b: {  	[sflag:s19] =	ssyncset.done $0x0  }
0x2c: {  	[sflag:s19] =	ssyncadd.s32 $0xFFFFEC00  }
0x2d: {  	[tilespmem:s22], [sflag:$0x1] =	stream.indirect.gather [spmem:s1], $0x40, s3, s21, $0xb8;
	[tilespmem:$0x18400] =	vst v63  }
0x2e: {  	_ = 	snop  }
0x2f: {  	[tilespmem:s23], [sflag:$0x2] =	stream.indirect.gather [spmem:s1], $0x40, s21, s21, $0xb8;
	[tilespmem:$0x18400] =	vst v63  }
0x30: {  	_ =	swait.ge [sflag:s24], $0x1000  }
0x31: {  	[sflag:s24] =	ssyncset.done $0x0  }
0x32: {  	s10 =	simm.s32 $0x1400;
	[sflag:s24] =	ssyncadd.s32 $0xFFFFF000  }
0x33: {  	[spmem:s1] =	stream.indirect.scatter.add.f32 [tilespmem:s22], [sflag:$0x3], $0x40, s10, s21, $0xb8;
	[tilespmem:$0x18400] =	vst v63  }
0x34: {  	_ =	swait.ge [sflag:s25], $0x1000  }
0x35: {  	[sflag:s25] =	ssyncset.done $0x0  }
0x36: {  	s9 =	simm.s32 $0x80;
	[sflag:s25] =	ssyncadd.s32 $0xFFFFF000  }
0x37: {  	[tilespmem:s22], [sflag:$0x1] =	stream.indirect.gather [spmem:s1], $0x40, s9, s21, $0xb8;
	[tilespmem:$0x18400] =	vst v63  }
0x38: {  	_ =	swait.ge [sflag:s26], $0x1000  }
0x39: {  	[sflag:s26] =	ssyncset.done $0x0  }
0x3a: {  	s10 =	simm.s32 $0x1440;
	[sflag:s26] =	ssyncadd.s32 $0xFFFFF000  }
0x3b: {  	[spmem:s1] =	stream.indirect.scatter.add.f32 [tilespmem:s23], [sflag:$0x4], $0x40, s10, s21, $0xb8;
	[tilespmem:$0x18400] =	vst v63  }
0x3c: {  	_ =	swait.ge [sflag:s28], $0x1000  }
0x3d: {  	[sflag:s28] =	ssyncset.done $0x0  }
0x3e: {  	s8 =	simm.s32 $0x200;
	s9 =	simm.s32 $0xC0;
	[sflag:s28] =	ssyncadd.s32 $0xFFFFF000  }
.LBB2_2:
0x3f: {  	[tilespmem:s23], [sflag:$0x2] =	stream.indirect.gather [spmem:s1], $0x40, s9, s21, $0xb8;
	[tilespmem:$0x18400] =	vst v63  }
0x40: {  	s9 =	smov.u32 s8  }
0x41: {  	p0 =	sne.s32 s8, $0x4A00;
	s8 =	sadd.s32 $0x200, s8;
	_ =	swait.ge [sflag:s24], $0x1000  }
0x42: {  	s9 =	sshra.s32 s9, $0x2;
	[sflag:s24] =	ssyncset.done $0x0  }
0x43: {  	s10 =	sadd.s32 $0x1400, s9;
	[sflag:s24] =	ssyncadd.s32 $0xFFFFF000  }
0x44: {  	[spmem:s1] =	stream.indirect.scatter.add.f32 [tilespmem:s22], [sflag:$0x3], $0x40, s10, s21, $0xb8;
	[tilespmem:$0x18400] =	vst v63  }
0x45: {  	_ =	swait.ge [sflag:s25], $0x1000  }
0x46: {  	[sflag:s25] =	ssyncset.done $0x0  }
0x47: {  	s10 =	sadd.s32 $0x80, s9;
	[sflag:s25] =	ssyncadd.s32 $0xFFFFF000  }
0x48: {  	[tilespmem:s22], [sflag:$0x1] =	stream.indirect.gather [spmem:s1], $0x40, s10, s21, $0xb8;
	[tilespmem:$0x18400] =	vst v63  }
0x49: {  	_ =	swait.ge [sflag:s26], $0x1000  }
0x4a: {  	[sflag:s26] =	ssyncset.done $0x0  }
.Ltmp0:
0x4b: {  	s10 =	sadd.s32 $0x1440, s9;
	[sflag:s26] =	ssyncadd.s32 $0xFFFFF000;
	(pc) =	sbr.rel @p0 .LBB2_2-.Ltmp0, $4  }
0x4c: {  	[spmem:s1] =	stream.indirect.scatter.add.f32 [tilespmem:s23], [sflag:$0x4], $0x40, s10, s21, $0xb8;
	[tilespmem:$0x18400] =	vst v63  }
0x4d: {  	_ =	swait.ge [sflag:s28], $0x1000  }
0x4e: {  	[sflag:s28] =	ssyncset.done $0x0  }
0x4f: {  	s9 =	sadd.s32 $0xC0, s9;
	[sflag:s28] =	ssyncadd.s32 $0xFFFFF000  }
0x50: {  	[tilespmem:s23], [sflag:$0x2] =	stream.indirect.gather [spmem:s1], $0x40, s9, s21, $0xb8;
	[tilespmem:$0x18400] =	vst v63  }
0x51: {  	_ =	swait.ge [sflag:s24], $0x1000  }
0x52: {  	[sflag:s24] =	ssyncset.done $0x0  }
0x53: {  	[sflag:s24] =	ssyncadd.s32 $0xFFFFF000  }
0x54: {  	[spmem:s1] =	stream.indirect.scatter.add.f32 [tilespmem:s22], [sflag:$0x3], $0x40, s29, s21, $0xb8;
	[tilespmem:$0x18400] =	vst v63  }
0x55: {  	_ =	swait.ge [sflag:s25], $0x1000  }
0x56: {  	[sflag:s25] =	ssyncset.done $0x0  }
0x57: {  	[sflag:s25] =	ssyncadd.s32 $0xFFFFF000  }
0x58: {  	[tilespmem:s22], [sflag:$0x1] =	stream.indirect.gather [spmem:s1], $0x40, s30, s21, $0xb8;
	[tilespmem:$0x18400] =	vst v63  }
0x59: {  	_ =	swait.ge [sflag:s26], $0x1000  }
0x5a: {  	[sflag:s26] =	ssyncset.done $0x0  }
0x5b: {  	[sflag:s26] =	ssyncadd.s32 $0xFFFFF000  }
0x5c: {  	[spmem:s1] =	stream.indirect.scatter.add.f32 [tilespmem:s23], [sflag:$0x4], $0x40, s31, s21, $0xb8;
	[tilespmem:$0x18400] =	vst v63  }
0x5d: {  	_ =	swait.ge [sflag:s28], $0x1000  }
0x5e: {  	[sflag:s28] =	ssyncset.done $0x0  }
0x5f: {  	[sflag:s28] =	ssyncadd.s32 $0xFFFFF000  }
0x60: {  	[tilespmem:s23], [sflag:$0x2] =	stream.indirect.gather [spmem:s1], $0x40, s0, s21, $0xb8;
	[tilespmem:$0x18400] =	vst v63  }
0x61: {  	_ =	swait.ge [sflag:s24], $0x1000  }
0x62: {  	[sflag:s24] =	ssyncset.done $0x0  }
0x63: {  	[sflag:s24] =	ssyncadd.s32 $0xFFFFF000  }
0x64: {  	[spmem:s1] =	stream.indirect.scatter.add.f32 [tilespmem:s22], [sflag:$0x3], $0x40, s2, s21, $0xb8;
	[tilespmem:$0x18400] =	vst v63  }
0x65: {  	_ =	swait.ge [sflag:s25], $0x1000  }
0x66: {  	[sflag:s25] =	ssyncset.done $0x0  }
0x67: {  	[sflag:s25] =	ssyncadd.s32 $0xFFFFF000  }
0x68: {  	[tilespmem:s22], [sflag:$0x1] =	stream.indirect.gather [spmem:s1], $0x40, s0, s21, $0xb8;
	[tilespmem:$0x18400] =	vst v63  }
0x69: {  	_ =	swait.ge [sflag:s26], $0x1000  }
0x6a: {  	[sflag:s26] =	ssyncset.done $0x0  }
0x6b: {  	[sflag:s26] =	ssyncadd.s32 $0xFFFFF000  }
0x6c: {  	[spmem:s1] =	stream.indirect.scatter.add.f32 [tilespmem:s23], [sflag:$0x4], $0x40, s4, s21, $0xb8;
	[tilespmem:$0x18400] =	vst v63  }
0x6d: {  	_ =	swait.ge [sflag:s28], $0x1000  }
0x6e: {  	[sflag:s28] =	ssyncset.done $0x0  }
0x6f: {  	[sflag:s28] =	ssyncadd.s32 $0xFFFFF000  }
0x70: {  	[tilespmem:s23], [sflag:$0x2] =	stream.indirect.gather [spmem:s1], $0x40, s0, s21, $0xb8;
	[tilespmem:$0x18400] =	vst v63  }
0x71: {  	_ =	swait.ge [sflag:s24], $0x1000  }
0x72: {  	[sflag:s24] =	ssyncset.done $0x0  }
0x73: {  	[sflag:s24] =	ssyncadd.s32 $0xFFFFF000  }
0x74: {  	_ =	swait.ge [sflag:s26], $0x1000  }
0x75: {  	[sflag:s26] =	ssyncset.done $0x0  }
0x76: {  	s8 =	simm.s32 $0x0;
	s10 =	rddreg [dreg:$0x9];
	[sflag:s26] =	ssyncadd.s32 $0xFFFFF000  }
0x77: {  	[tilespmem:s8], [sflag:$0x5] =	stream.linear.gather [hbm4b:s10+s8], $0x1400, $0x38;
	[tilespmem:$0x18400] =	vst v63  }
0x78: {  	_ =	swait.ge [sflag:s19], $0x1400  }
0x79: {  	[sflag:s19] =	ssyncset.done $0x0  }
0x7a: {  	[sflag:s19] =	ssyncadd.s32 $0xFFFFEC00  }
0x7b: {  	[tilespmem:s20], [sflag:$0x5] =	stream.linear.gather [hbm4b:s11+s8], $0x1400, $0x38;
	[tilespmem:$0x18400] =	vst v63  }
0x7c: {  	_ =	swait.ge [sflag:s19], $0x1400  }
0x7d: {  	[sflag:s19] =	ssyncset.done $0x0  }
0x7e: {  	[sflag:s19] =	ssyncadd.s32 $0xFFFFEC00  }
0x7f: {  	[tilespmem:s22], [sflag:$0x1] =	stream.indirect.gather [spmem:s1], $0x40, s8, s21, $0xb8;
	[tilespmem:$0x18400] =	vst v63  }
0x80: {  	_ = 	snop  }
0x81: {  	[tilespmem:s23], [sflag:$0x2] =	stream.indirect.gather [spmem:s1], $0x40, s21, s21, $0xb8;
	[tilespmem:$0x18400] =	vst v63  }
0x82: {  	_ =	swait.ge [sflag:s24], $0x1000  }
0x83: {  	[sflag:s24] =	ssyncset.done $0x0  }
0x84: {  	s10 =	simm.s32 $0x1400;
	[sflag:s24] =	ssyncadd.s32 $0xFFFFF000  }
0x85: {  	[spmem:s1] =	stream.indirect.scatter.add.f32 [tilespmem:s22], [sflag:$0x3], $0x40, s10, s21, $0xb8;
	[tilespmem:$0x18400] =	vst v63  }
0x86: {  	_ =	swait.ge [sflag:s25], $0x1000  }
0x87: {  	[sflag:s25] =	ssyncset.done $0x0  }
0x88: {  	s9 =	simm.s32 $0x80;
	[sflag:s25] =	ssyncadd.s32 $0xFFFFF000  }
0x89: {  	[tilespmem:s22], [sflag:$0x1] =	stream.indirect.gather [spmem:s1], $0x40, s9, s21, $0xb8;
	[tilespmem:$0x18400] =	vst v63  }
0x8a: {  	_ =	swait.ge [sflag:s26], $0x1000  }
0x8b: {  	[sflag:s26] =	ssyncset.done $0x0  }
0x8c: {  	s10 =	simm.s32 $0x1440;
	[sflag:s26] =	ssyncadd.s32 $0xFFFFF000  }
0x8d: {  	[spmem:s1] =	stream.indirect.scatter.add.f32 [tilespmem:s23], [sflag:$0x4], $0x40, s10, s21, $0xb8;
	[tilespmem:$0x18400] =	vst v63  }
0x8e: {  	_ =	swait.ge [sflag:s28], $0x1000  }
0x8f: {  	[sflag:s28] =	ssyncset.done $0x0  }
0x90: {  	s8 =	simm.s32 $0x200;
	s9 =	simm.s32 $0xC0;
	[sflag:s28] =	ssyncadd.s32 $0xFFFFF000  }
.LBB2_4:
0x91: {  	[tilespmem:s23], [sflag:$0x2] =	stream.indirect.gather [spmem:s1], $0x40, s9, s21, $0xb8;
	[tilespmem:$0x18400] =	vst v63  }
0x92: {  	s9 =	smov.u32 s8  }
0x93: {  	p0 =	sne.s32 s8, $0x4A00;
	s8 =	sadd.s32 $0x200, s8;
	_ =	swait.ge [sflag:s24], $0x1000  }
0x94: {  	s9 =	sshra.s32 s9, $0x2;
	[sflag:s24] =	ssyncset.done $0x0  }
0x95: {  	s10 =	sadd.s32 $0x1400, s9;
	[sflag:s24] =	ssyncadd.s32 $0xFFFFF000  }
0x96: {  	[spmem:s1] =	stream.indirect.scatter.add.f32 [tilespmem:s22], [sflag:$0x3], $0x40, s10, s21, $0xb8;
	[tilespmem:$0x18400] =	vst v63  }
0x97: {  	_ =	swait.ge [sflag:s25], $0x1000  }
0x98: {  	[sflag:s25] =	ssyncset.done $0x0  }
0x99: {  	s10 =	sadd.s32 $0x80, s9;
	[sflag:s25] =	ssyncadd.s32 $0xFFFFF000  }
0x9a: {  	[tilespmem:s22], [sflag:$0x1] =	stream.indirect.gather [spmem:s1], $0x40, s10, s21, $0xb8;
	[tilespmem:$0x18400] =	vst v63  }
0x9b: {  	_ =	swait.ge [sflag:s26], $0x1000  }
0x9c: {  	[sflag:s26] =	ssyncset.done $0x0  }
.Ltmp1:
0x9d: {  	s10 =	sadd.s32 $0x1440, s9;
	[sflag:s26] =	ssyncadd.s32 $0xFFFFF000;
	(pc) =	sbr.rel @p0 .LBB2_4-.Ltmp1, $4  }
0x9e: {  	[spmem:s1] =	stream.indirect.scatter.add.f32 [tilespmem:s23], [sflag:$0x4], $0x40, s10, s21, $0xb8;
	[tilespmem:$0x18400] =	vst v63  }
0x9f: {  	_ =	swait.ge [sflag:s28], $0x1000  }
0xa0: {  	[sflag:s28] =	ssyncset.done $0x0  }
0xa1: {  	s9 =	sadd.s32 $0xC0, s9;
	[sflag:s28] =	ssyncadd.s32 $0xFFFFF000  }
0xa2: {  	[tilespmem:s23], [sflag:$0x2] =	stream.indirect.gather [spmem:s1], $0x40, s9, s21, $0xb8;
	[tilespmem:$0x18400] =	vst v63  }
0xa3: {  	_ =	swait.ge [sflag:s24], $0x1000  }
0xa4: {  	[sflag:s24] =	ssyncset.done $0x0  }
0xa5: {  	[sflag:s24] =	ssyncadd.s32 $0xFFFFF000  }
0xa6: {  	[spmem:s1] =	stream.indirect.scatter.add.f32 [tilespmem:s22], [sflag:$0x3], $0x40, s29, s21, $0xb8;
	[tilespmem:$0x18400] =	vst v63  }
0xa7: {  	_ =	swait.ge [sflag:s25], $0x1000  }
0xa8: {  	[sflag:s25] =	ssyncset.done $0x0  }
0xa9: {  	[sflag:s25] =	ssyncadd.s32 $0xFFFFF000  }
0xaa: {  	[tilespmem:s22], [sflag:$0x1] =	stream.indirect.gather [spmem:s1], $0x40, s30, s21, $0xb8;
	[tilespmem:$0x18400] =	vst v63  }
0xab: {  	_ =	swait.ge [sflag:s26], $0x1000  }
0xac: {  	[sflag:s26] =	ssyncset.done $0x0  }
0xad: {  	[sflag:s26] =	ssyncadd.s32 $0xFFFFF000  }
0xae: {  	[spmem:s1] =	stream.indirect.scatter.add.f32 [tilespmem:s23], [sflag:$0x4], $0x40, s31, s21, $0xb8;
	[tilespmem:$0x18400] =	vst v63  }
0xaf: {  	_ =	swait.ge [sflag:s28], $0x1000  }
0xb0: {  	[sflag:s28] =	ssyncset.done $0x0  }
0xb1: {  	[sflag:s28] =	ssyncadd.s32 $0xFFFFF000  }
0xb2: {  	[tilespmem:s23], [sflag:$0x2] =	stream.indirect.gather [spmem:s1], $0x40, s0, s21, $0xb8;
	[tilespmem:$0x18400] =	vst v63  }
0xb3: {  	_ =	swait.ge [sflag:s24], $0x1000  }
0xb4: {  	[sflag:s24] =	ssyncset.done $0x0  }
0xb5: {  	[sflag:s24] =	ssyncadd.s32 $0xFFFFF000  }
0xb6: {  	[spmem:s1] =	stream.indirect.scatter.add.f32 [tilespmem:s22], [sflag:$0x3], $0x40, s2, s21, $0xb8;
	[tilespmem:$0x18400] =	vst v63  }
0xb7: {  	_ =	swait.ge [sflag:s25], $0x1000  }
0xb8: {  	[sflag:s25] =	ssyncset.done $0x0  }
0xb9: {  	[sflag:s25] =	ssyncadd.s32 $0xFFFFF000  }
0xba: {  	[tilespmem:s22], [sflag:$0x1] =	stream.indirect.gather [spmem:s1], $0x40, s0, s21, $0xb8;
	[tilespmem:$0x18400] =	vst v63  }
0xbb: {  	_ =	swait.ge [sflag:s26], $0x1000  }
0xbc: {  	[sflag:s26] =	ssyncset.done $0x0  }
0xbd: {  	[sflag:s26] =	ssyncadd.s32 $0xFFFFF000  }
0xbe: {  	[spmem:s1] =	stream.indirect.scatter.add.f32 [tilespmem:s23], [sflag:$0x4], $0x40, s4, s21, $0xb8;
	[tilespmem:$0x18400] =	vst v63  }
0xbf: {  	_ =	swait.ge [sflag:s28], $0x1000  }
0xc0: {  	[sflag:s28] =	ssyncset.done $0x0  }
0xc1: {  	[sflag:s28] =	ssyncadd.s32 $0xFFFFF000  }
0xc2: {  	[tilespmem:s23], [sflag:$0x2] =	stream.indirect.gather [spmem:s1], $0x40, s0, s21, $0xb8;
	[tilespmem:$0x18400] =	vst v63  }
0xc3: {  	_ =	swait.ge [sflag:s24], $0x1000  }
0xc4: {  	[sflag:s24] =	ssyncset.done $0x0  }
0xc5: {  	[sflag:s24] =	ssyncadd.s32 $0xFFFFF000  }
0xc6: {  	_ =	swait.ge [sflag:s26], $0x1000  }
0xc7: {  	[sflag:s26] =	ssyncset.done $0x0  }
0xc8: {  	s8 =	simm.s32 $0x0;
	[sflag:s26] =	ssyncadd.s32 $0xFFFFF000  }
0xc9: {  	[tilespmem:s8], [sflag:$0x5] =	stream.linear.gather [hbm4b:s12+s8], $0x1400, $0x38;
	[tilespmem:$0x18400] =	vst v63  }
0xca: {  	_ =	swait.ge [sflag:s19], $0x1400  }
0xcb: {  	[sflag:s19] =	ssyncset.done $0x0  }
0xcc: {  	[sflag:s19] =	ssyncadd.s32 $0xFFFFEC00  }
0xcd: {  	[tilespmem:s20], [sflag:$0x5] =	stream.linear.gather [hbm4b:s13+s8], $0x1400, $0x38;
	[tilespmem:$0x18400] =	vst v63  }
0xce: {  	_ =	swait.ge [sflag:s19], $0x1400  }
0xcf: {  	[sflag:s19] =	ssyncset.done $0x0  }
0xd0: {  	[sflag:s19] =	ssyncadd.s32 $0xFFFFEC00  }
0xd1: {  	[tilespmem:s22], [sflag:$0x1] =	stream.indirect.gather [spmem:s1], $0x40, s8, s21, $0xb8;
	[tilespmem:$0x18400] =	vst v63  }
0xd2: {  	_ = 	snop  }
0xd3: {  	[tilespmem:s23], [sflag:$0x2] =	stream.indirect.gather [spmem:s1], $0x40, s21, s21, $0xb8;
	[tilespmem:$0x18400] =	vst v63  }
0xd4: {  	_ =	swait.ge [sflag:s24], $0x1000  }
0xd5: {  	[sflag:s24] =	ssyncset.done $0x0  }
0xd6: {  	s10 =	simm.s32 $0x1400;
	[sflag:s24] =	ssyncadd.s32 $0xFFFFF000  }
0xd7: {  	[spmem:s1] =	stream.indirect.scatter.add.f32 [tilespmem:s22], [sflag:$0x3], $0x40, s10, s21, $0xb8;
	[tilespmem:$0x18400] =	vst v63  }
0xd8: {  	_ =	swait.ge [sflag:s25], $0x1000  }
0xd9: {  	[sflag:s25] =	ssyncset.done $0x0  }
0xda: {  	s9 =	simm.s32 $0x80;
	[sflag:s25] =	ssyncadd.s32 $0xFFFFF000  }
0xdb: {  	[tilespmem:s22], [sflag:$0x1] =	stream.indirect.gather [spmem:s1], $0x40, s9, s21, $0xb8;
	[tilespmem:$0x18400] =	vst v63  }
0xdc: {  	_ =	swait.ge [sflag:s26], $0x1000  }
0xdd: {  	[sflag:s26] =	ssyncset.done $0x0  }
0xde: {  	s10 =	simm.s32 $0x1440;
	[sflag:s26] =	ssyncadd.s32 $0xFFFFF000  }
0xdf: {  	[spmem:s1] =	stream.indirect.scatter.add.f32 [tilespmem:s23], [sflag:$0x4], $0x40, s10, s21, $0xb8;
	[tilespmem:$0x18400] =	vst v63  }
0xe0: {  	_ =	swait.ge [sflag:s28], $0x1000  }
0xe1: {  	[sflag:s28] =	ssyncset.done $0x0  }
0xe2: {  	s8 =	simm.s32 $0x200;
	s9 =	simm.s32 $0xC0;
	[sflag:s28] =	ssyncadd.s32 $0xFFFFF000  }
.LBB2_6:
0xe3: {  	[tilespmem:s23], [sflag:$0x2] =	stream.indirect.gather [spmem:s1], $0x40, s9, s21, $0xb8;
	[tilespmem:$0x18400] =	vst v63  }
0xe4: {  	s9 =	smov.u32 s8  }
0xe5: {  	p0 =	sne.s32 s8, $0x4A00;
	s8 =	sadd.s32 $0x200, s8;
	_ =	swait.ge [sflag:s24], $0x1000  }
0xe6: {  	s9 =	sshra.s32 s9, $0x2;
	[sflag:s24] =	ssyncset.done $0x0  }
0xe7: {  	s10 =	sadd.s32 $0x1400, s9;
	[sflag:s24] =	ssyncadd.s32 $0xFFFFF000  }
0xe8: {  	[spmem:s1] =	stream.indirect.scatter.add.f32 [tilespmem:s22], [sflag:$0x3], $0x40, s10, s21, $0xb8;
	[tilespmem:$0x18400] =	vst v63  }
0xe9: {  	_ =	swait.ge [sflag:s25], $0x1000  }
0xea: {  	[sflag:s25] =	ssyncset.done $0x0  }
0xeb: {  	s10 =	sadd.s32 $0x80, s9;
	[sflag:s25] =	ssyncadd.s32 $0xFFFFF000  }
0xec: {  	[tilespmem:s22], [sflag:$0x1] =	stream.indirect.gather [spmem:s1], $0x40, s10, s21, $0xb8;
	[tilespmem:$0x18400] =	vst v63  }
0xed: {  	_ =	swait.ge [sflag:s26], $0x1000  }
0xee: {  	[sflag:s26] =	ssyncset.done $0x0  }
.Ltmp2:
0xef: {  	s10 =	sadd.s32 $0x1440, s9;
	[sflag:s26] =	ssyncadd.s32 $0xFFFFF000;
	(pc) =	sbr.rel @p0 .LBB2_6-.Ltmp2, $4  }
0xf0: {  	[spmem:s1] =	stream.indirect.scatter.add.f32 [tilespmem:s23], [sflag:$0x4], $0x40, s10, s21, $0xb8;
	[tilespmem:$0x18400] =	vst v63  }
0xf1: {  	_ =	swait.ge [sflag:s28], $0x1000  }
0xf2: {  	[sflag:s28] =	ssyncset.done $0x0  }
0xf3: {  	s9 =	sadd.s32 $0xC0, s9;
	[sflag:s28] =	ssyncadd.s32 $0xFFFFF000  }
0xf4: {  	[tilespmem:s23], [sflag:$0x2] =	stream.indirect.gather [spmem:s1], $0x40, s9, s21, $0xb8;
	[tilespmem:$0x18400] =	vst v63  }
0xf5: {  	_ =	swait.ge [sflag:s24], $0x1000  }
0xf6: {  	[sflag:s24] =	ssyncset.done $0x0  }
0xf7: {  	[sflag:s24] =	ssyncadd.s32 $0xFFFFF000  }
0xf8: {  	[spmem:s1] =	stream.indirect.scatter.add.f32 [tilespmem:s22], [sflag:$0x3], $0x40, s29, s21, $0xb8;
	[tilespmem:$0x18400] =	vst v63  }
0xf9: {  	_ =	swait.ge [sflag:s25], $0x1000  }
0xfa: {  	[sflag:s25] =	ssyncset.done $0x0  }
0xfb: {  	[sflag:s25] =	ssyncadd.s32 $0xFFFFF000  }
0xfc: {  	[tilespmem:s22], [sflag:$0x1] =	stream.indirect.gather [spmem:s1], $0x40, s30, s21, $0xb8;
	[tilespmem:$0x18400] =	vst v63  }
0xfd: {  	_ =	swait.ge [sflag:s26], $0x1000  }
0xfe: {  	[sflag:s26] =	ssyncset.done $0x0  }
0xff: {  	[sflag:s26] =	ssyncadd.s32 $0xFFFFF000  }
0x100: {  	[spmem:s1] =	stream.indirect.scatter.add.f32 [tilespmem:s23], [sflag:$0x4], $0x40, s31, s21, $0xb8;
	[tilespmem:$0x18400] =	vst v63  }
0x101: {  	_ =	swait.ge [sflag:s28], $0x1000  }
0x102: {  	[sflag:s28] =	ssyncset.done $0x0  }
0x103: {  	[sflag:s28] =	ssyncadd.s32 $0xFFFFF000  }
0x104: {  	[tilespmem:s23], [sflag:$0x2] =	stream.indirect.gather [spmem:s1], $0x40, s0, s21, $0xb8;
	[tilespmem:$0x18400] =	vst v63  }
0x105: {  	_ =	swait.ge [sflag:s24], $0x1000  }
0x106: {  	[sflag:s24] =	ssyncset.done $0x0  }
0x107: {  	[sflag:s24] =	ssyncadd.s32 $0xFFFFF000  }
0x108: {  	[spmem:s1] =	stream.indirect.scatter.add.f32 [tilespmem:s22], [sflag:$0x3], $0x40, s2, s21, $0xb8;
	[tilespmem:$0x18400] =	vst v63  }
0x109: {  	_ =	swait.ge [sflag:s25], $0x1000  }
0x10a: {  	[sflag:s25] =	ssyncset.done $0x0  }
0x10b: {  	[sflag:s25] =	ssyncadd.s32 $0xFFFFF000  }
0x10c: {  	[tilespmem:s22], [sflag:$0x1] =	stream.indirect.gather [spmem:s1], $0x40, s0, s21, $0xb8;
	[tilespmem:$0x18400] =	vst v63  }
0x10d: {  	_ =	swait.ge [sflag:s26], $0x1000  }
0x10e: {  	[sflag:s26] =	ssyncset.done $0x0  }
0x10f: {  	[sflag:s26] =	ssyncadd.s32 $0xFFFFF000  }
0x110: {  	[spmem:s1] =	stream.indirect.scatter.add.f32 [tilespmem:s23], [sflag:$0x4], $0x40, s4, s21, $0xb8;
	[tilespmem:$0x18400] =	vst v63  }
0x111: {  	_ =	swait.ge [sflag:s28], $0x1000  }
0x112: {  	[sflag:s28] =	ssyncset.done $0x0  }
0x113: {  	[sflag:s28] =	ssyncadd.s32 $0xFFFFF000  }
0x114: {  	[tilespmem:s23], [sflag:$0x2] =	stream.indirect.gather [spmem:s1], $0x40, s0, s21, $0xb8;
	[tilespmem:$0x18400] =	vst v63  }
0x115: {  	_ =	swait.ge [sflag:s24], $0x1000  }
0x116: {  	[sflag:s24] =	ssyncset.done $0x0  }
0x117: {  	[sflag:s24] =	ssyncadd.s32 $0xFFFFF000  }
0x118: {  	_ =	swait.ge [sflag:s26], $0x1000  }
0x119: {  	[sflag:s26] =	ssyncset.done $0x0  }
0x11a: {  	s8 =	simm.s32 $0x0;
	[sflag:s26] =	ssyncadd.s32 $0xFFFFF000  }
0x11b: {  	[tilespmem:s8], [sflag:$0x5] =	stream.linear.gather [hbm4b:s14+s8], $0x1400, $0x38;
	[tilespmem:$0x18400] =	vst v63  }
0x11c: {  	_ =	swait.ge [sflag:s19], $0x1400  }
0x11d: {  	[sflag:s19] =	ssyncset.done $0x0  }
0x11e: {  	[sflag:s19] =	ssyncadd.s32 $0xFFFFEC00  }
0x11f: {  	[tilespmem:s20], [sflag:$0x5] =	stream.linear.gather [hbm4b:s15+s8], $0x1400, $0x38;
	[tilespmem:$0x18400] =	vst v63  }
0x120: {  	_ =	swait.ge [sflag:s19], $0x1400  }
0x121: {  	[sflag:s19] =	ssyncset.done $0x0  }
0x122: {  	[sflag:s19] =	ssyncadd.s32 $0xFFFFEC00  }
0x123: {  	[tilespmem:s22], [sflag:$0x1] =	stream.indirect.gather [spmem:s1], $0x40, s8, s21, $0xb8;
	[tilespmem:$0x18400] =	vst v63  }
0x124: {  	_ = 	snop  }
0x125: {  	[tilespmem:s23], [sflag:$0x2] =	stream.indirect.gather [spmem:s1], $0x40, s21, s21, $0xb8;
	[tilespmem:$0x18400] =	vst v63  }
0x126: {  	_ =	swait.ge [sflag:s24], $0x1000  }
0x127: {  	[sflag:s24] =	ssyncset.done $0x0  }
0x128: {  	s10 =	simm.s32 $0x1400;
	[sflag:s24] =	ssyncadd.s32 $0xFFFFF000  }
0x129: {  	[spmem:s1] =	stream.indirect.scatter.add.f32 [tilespmem:s22], [sflag:$0x3], $0x40, s10, s21, $0xb8;
	[tilespmem:$0x18400] =	vst v63  }
0x12a: {  	_ =	swait.ge [sflag:s25], $0x1000  }
0x12b: {  	[sflag:s25] =	ssyncset.done $0x0  }
0x12c: {  	s9 =	simm.s32 $0x80;
	[sflag:s25] =	ssyncadd.s32 $0xFFFFF000  }
0x12d: {  	[tilespmem:s22], [sflag:$0x1] =	stream.indirect.gather [spmem:s1], $0x40, s9, s21, $0xb8;
	[tilespmem:$0x18400] =	vst v63  }
0x12e: {  	_ =	swait.ge [sflag:s26], $0x1000  }
0x12f: {  	[sflag:s26] =	ssyncset.done $0x0  }
0x130: {  	s10 =	simm.s32 $0x1440;
	[sflag:s26] =	ssyncadd.s32 $0xFFFFF000  }
0x131: {  	[spmem:s1] =	stream.indirect.scatter.add.f32 [tilespmem:s23], [sflag:$0x4], $0x40, s10, s21, $0xb8;
	[tilespmem:$0x18400] =	vst v63  }
0x132: {  	_ =	swait.ge [sflag:s28], $0x1000  }
0x133: {  	[sflag:s28] =	ssyncset.done $0x0  }
0x134: {  	s8 =	simm.s32 $0x200;
	s9 =	simm.s32 $0xC0;
	[sflag:s28] =	ssyncadd.s32 $0xFFFFF000  }
.LBB2_8:
0x135: {  	[tilespmem:s23], [sflag:$0x2] =	stream.indirect.gather [spmem:s1], $0x40, s9, s21, $0xb8;
	[tilespmem:$0x18400] =	vst v63  }
0x136: {  	s9 =	smov.u32 s8  }
0x137: {  	p0 =	sne.s32 s8, $0x4A00;
	s8 =	sadd.s32 $0x200, s8;
	_ =	swait.ge [sflag:s24], $0x1000  }
0x138: {  	s9 =	sshra.s32 s9, $0x2;
	[sflag:s24] =	ssyncset.done $0x0  }
0x139: {  	s10 =	sadd.s32 $0x1400, s9;
	[sflag:s24] =	ssyncadd.s32 $0xFFFFF000  }
0x13a: {  	[spmem:s1] =	stream.indirect.scatter.add.f32 [tilespmem:s22], [sflag:$0x3], $0x40, s10, s21, $0xb8;
	[tilespmem:$0x18400] =	vst v63  }
0x13b: {  	_ =	swait.ge [sflag:s25], $0x1000  }
0x13c: {  	[sflag:s25] =	ssyncset.done $0x0  }
0x13d: {  	s10 =	sadd.s32 $0x80, s9;
	[sflag:s25] =	ssyncadd.s32 $0xFFFFF000  }
0x13e: {  	[tilespmem:s22], [sflag:$0x1] =	stream.indirect.gather [spmem:s1], $0x40, s10, s21, $0xb8;
	[tilespmem:$0x18400] =	vst v63  }
0x13f: {  	_ =	swait.ge [sflag:s26], $0x1000  }
0x140: {  	[sflag:s26] =	ssyncset.done $0x0  }
.Ltmp3:
0x141: {  	s10 =	sadd.s32 $0x1440, s9;
	[sflag:s26] =	ssyncadd.s32 $0xFFFFF000;
	(pc) =	sbr.rel @p0 .LBB2_8-.Ltmp3, $4  }
0x142: {  	[spmem:s1] =	stream.indirect.scatter.add.f32 [tilespmem:s23], [sflag:$0x4], $0x40, s10, s21, $0xb8;
	[tilespmem:$0x18400] =	vst v63  }
0x143: {  	_ =	swait.ge [sflag:s28], $0x1000  }
0x144: {  	[sflag:s28] =	ssyncset.done $0x0  }
0x145: {  	s9 =	sadd.s32 $0xC0, s9;
	[sflag:s28] =	ssyncadd.s32 $0xFFFFF000  }
0x146: {  	[tilespmem:s23], [sflag:$0x2] =	stream.indirect.gather [spmem:s1], $0x40, s9, s21, $0xb8;
	[tilespmem:$0x18400] =	vst v63  }
0x147: {  	_ =	swait.ge [sflag:s24], $0x1000  }
0x148: {  	[sflag:s24] =	ssyncset.done $0x0  }
0x149: {  	[sflag:s24] =	ssyncadd.s32 $0xFFFFF000  }
0x14a: {  	[spmem:s1] =	stream.indirect.scatter.add.f32 [tilespmem:s22], [sflag:$0x3], $0x40, s29, s21, $0xb8;
	[tilespmem:$0x18400] =	vst v63  }
0x14b: {  	_ =	swait.ge [sflag:s25], $0x1000  }
0x14c: {  	[sflag:s25] =	ssyncset.done $0x0  }
0x14d: {  	[sflag:s25] =	ssyncadd.s32 $0xFFFFF000  }
0x14e: {  	[tilespmem:s22], [sflag:$0x1] =	stream.indirect.gather [spmem:s1], $0x40, s30, s21, $0xb8;
	[tilespmem:$0x18400] =	vst v63  }
0x14f: {  	_ =	swait.ge [sflag:s26], $0x1000  }
0x150: {  	[sflag:s26] =	ssyncset.done $0x0  }
0x151: {  	[sflag:s26] =	ssyncadd.s32 $0xFFFFF000  }
0x152: {  	[spmem:s1] =	stream.indirect.scatter.add.f32 [tilespmem:s23], [sflag:$0x4], $0x40, s31, s21, $0xb8;
	[tilespmem:$0x18400] =	vst v63  }
0x153: {  	_ =	swait.ge [sflag:s28], $0x1000  }
0x154: {  	[sflag:s28] =	ssyncset.done $0x0  }
0x155: {  	[sflag:s28] =	ssyncadd.s32 $0xFFFFF000  }
0x156: {  	[tilespmem:s23], [sflag:$0x2] =	stream.indirect.gather [spmem:s1], $0x40, s0, s21, $0xb8;
	[tilespmem:$0x18400] =	vst v63  }
0x157: {  	_ =	swait.ge [sflag:s24], $0x1000  }
0x158: {  	[sflag:s24] =	ssyncset.done $0x0  }
0x159: {  	[sflag:s24] =	ssyncadd.s32 $0xFFFFF000  }
0x15a: {  	[spmem:s1] =	stream.indirect.scatter.add.f32 [tilespmem:s22], [sflag:$0x3], $0x40, s2, s21, $0xb8;
	[tilespmem:$0x18400] =	vst v63  }
0x15b: {  	_ =	swait.ge [sflag:s25], $0x1000  }
0x15c: {  	[sflag:s25] =	ssyncset.done $0x0  }
0x15d: {  	[sflag:s25] =	ssyncadd.s32 $0xFFFFF000  }
0x15e: {  	[tilespmem:s22], [sflag:$0x1] =	stream.indirect.gather [spmem:s1], $0x40, s0, s21, $0xb8;
	[tilespmem:$0x18400] =	vst v63  }
0x15f: {  	_ =	swait.ge [sflag:s26], $0x1000  }
0x160: {  	[sflag:s26] =	ssyncset.done $0x0  }
0x161: {  	[sflag:s26] =	ssyncadd.s32 $0xFFFFF000  }
0x162: {  	[spmem:s1] =	stream.indirect.scatter.add.f32 [tilespmem:s23], [sflag:$0x4], $0x40, s4, s21, $0xb8;
	[tilespmem:$0x18400] =	vst v63  }
0x163: {  	_ =	swait.ge [sflag:s28], $0x1000  }
0x164: {  	[sflag:s28] =	ssyncset.done $0x0  }
0x165: {  	[sflag:s28] =	ssyncadd.s32 $0xFFFFF000  }
0x166: {  	[tilespmem:s23], [sflag:$0x2] =	stream.indirect.gather [spmem:s1], $0x40, s0, s21, $0xb8;
	[tilespmem:$0x18400] =	vst v63  }
0x167: {  	_ =	swait.ge [sflag:s24], $0x1000  }
0x168: {  	[sflag:s24] =	ssyncset.done $0x0  }
0x169: {  	[sflag:s24] =	ssyncadd.s32 $0xFFFFF000  }
0x16a: {  	_ =	swait.ge [sflag:s26], $0x1000  }
0x16b: {  	s6 =	sadd.s32 $0x1, s6;
	[sflag:s26] =	ssyncset.done $0x0  }
0x16c: {  	s8 =	simm.s32 $0x10;
	p0 =	sne.s32 s6, s17;
	[sflag:s26] =	ssyncadd.s32 $0xFFFFF000  }
.Ltmp4:
0x16d: {  	s10 =	simm.s32 $0x8;
	[bflag:$0x0] =	sbarrier.arrive $0xFFFF;
	(pc) =	sbr.rel @p0 .LBB2_1-.Ltmp4, $4  }
0x16e: {  	[hbm:s16@s8], [sflag:s5] =	dma.strided [spmem:s7@s10], $0x13C0, s24, $0x8   }
0x16f: {  	_ =	swait.ge [sflag:s19], $0x13C0  }
0x170: {  	[sflag:s19] =	ssyncset.done $0x0  }
0x171: {  	[sflag:s19] =	ssyncadd.s32 $0xFFFFEC40  }
0x172: {  	_ =	sfence.sel $0x180000  }
0x173: {  	[bflag:$0x0] =	sbarrier.arrive $0xFFFF  }
0x174: {  	_ =	strace $0x9000004A  }
0x175: {  	s0 =	stileid.u32;
	[bflag:$0x2] =	sbarrier.arrive $0xFFFF  }
0x176: {  	p0 =	sne.s32 s0, $0x0;
	s0 =	rddreg [dreg:$0x3]  }
0x177: {  	s0 =	sadd.s32 @!p0 $0x100000, s0  }
0x178: {  	[sflag:s0] =	ssyncadd.tile.s32 @!p0 $0x1;
	_ =	shalt  }
.Lfunc_end2:
_tile_overlayer_lowered:
.L_overlay_start_2:
0x179: {  	(tag) =	ssettag $0x2  }
0x17a: {  	s0 =	rddreg [dreg:$0x0];
	s2 =	stileid.u32  }
0x17b: {  	s1 =	rddreg [dreg:$0x1];
	p0 =	sne.s32 s2, $0x0  }
0x17c: {  	s3 =	rddreg [dreg:$0x2];
	[bflag:$0x3] =	sbarrier.arrive $0xFFFF;
	s2 =	simm.s32 @!p0 $0x1C05  }
0x17d: {  	[timem:s3], [sflag:s2] =	dma.local @!p0 [hbm:s0], s1  }
0x17e: {  	s0 =	simm.s32 @!p0 $0x5  }
0x17f: {  	_ =	swait.ge @!p0 [sflag:s0], s1  }
0x180: {  	s1 =	ssub.s32 @!p0 $0x0, s1;
	[sflag:s0] =	ssyncset.done @!p0 $0x0  }
0x181: {  	[sflag:s0] =	ssyncadd.s32 @!p0 s1  }
0x182: {  	[bflag:$0x3] =	sbarrier.arrive $0xFFFF  }
0x183: {  	_ =	shalt  }

</sc_bundles>
